<compile_context>
chip_gen: v7x
topology: tpu7x:2x2x1
jax: 0.10.2.dev20260603
libtpu: 0.0.44.dev20260713+nightly
codegen_flags: <defaults>
</compile_context>

<pallas_src>
import functools

import jax
import jax.numpy as jnp
from jax import lax
from jax.experimental import pallas as pl
from jax.experimental.pallas import tpu as pltpu
from jax.experimental.pallas import tpu_sc as plsc

ALPHA = 0.2
D = 128
N_PAD = 10240
BLK = 1024
K = 128
NC, NS = 2, 16
NW = NC * NS
RPW = 80
NROW = NW * RPW
ROWS_PER_TILE = N_PAD // NS


def _mm_body(x_ref, w_ref, a1_ref, a2_ref, h_ref, s_ref, hp_ref):
    h = jnp.dot(x_ref[...], w_ref[...], preferred_element_type=jnp.float32)
    h_ref[...] = h
    s1 = jnp.sum(h * a1_ref[...], axis=1)
    s2 = jnp.sum(h * a2_ref[...], axis=1)
    s_ref[...] = jnp.stack([s1, s2], axis=0)
    lo = jax.lax.bitcast_convert_type(
        h[:, :64].astype(jnp.bfloat16), jnp.uint16).astype(jnp.int32)
    hi = jax.lax.bitcast_convert_type(
        h[:, 64:].astype(jnp.bfloat16), jnp.uint16).astype(jnp.int32)
    hp_ref[...] = lo | (hi << 16)


def _sc_body(valid_rows, h_hbm, s1_hbm, s2_hbm, src_hbm, dst_hbm,
             num_out, den_out,
             src_c, dst_c, rows_p, rows_f, s1_b, s2_b, w_v, zden_v,
             acc_sh, den_sh, sem_a, sem_b, isem_a, isem_b):
    cid = lax.axis_index("c")
    sid = lax.axis_index("s")
    wid = sid * NC + cid
    fzeros16 = jnp.zeros((16,), jnp.float32)
    sems = (sem_a, sem_b)
    isems = (isem_a, isem_b)

    def _zrow(r, _):
        for j in range(8):
            rows_f[r, pl.ds(j * 16, 16)] = fzeros16
        return 0
    lax.fori_loop(0, K, _zrow, 0)

    def _zden(i, _):
        zden_v[pl.ds(i * 16, 16)] = fzeros16
        return 0
    lax.fori_loop(0, ROWS_PER_TILE // 16, _zden, 0)

    base = sid * ROWS_PER_TILE
    for t in range(ROWS_PER_TILE // K):
        pltpu.sync_copy(rows_f, acc_sh.at[pl.ds(base + t * K, K)])
    pltpu.sync_copy(zden_v, den_sh.at[pl.ds(base, ROWS_PER_TILE)])
    plsc.subcore_barrier()

    def _row(c):
        return wid * RPW + c

    def _start_idx(c, b):
        pltpu.async_copy(src_hbm.at[_row(c)], src_c.at[b], isems[b])
        pltpu.async_copy(dst_hbm.at[_row(c)], dst_c.at[b], isems[b])

    def _wait_idx(c, b):
        pltpu.make_async_copy(src_hbm.at[_row(c)], src_c.at[b],
                              isems[b]).wait()
        pltpu.make_async_copy(dst_hbm.at[_row(c)], dst_c.at[b],
                              isems[b]).wait()

    def _start_data(c, b):
        pltpu.async_copy(h_hbm.at[dst_c.at[b]], rows_p.at[b], sems[b])
        pltpu.async_copy(s1_hbm.at[src_c.at[b]], s1_b.at[b], sems[b])
        pltpu.async_copy(s2_hbm.at[dst_c.at[b]], s2_b.at[b], sems[b])

    def _wait_data(c, b):
        pltpu.make_async_copy(h_hbm.at[dst_c.at[b]], rows_p.at[b],
                              sems[b]).wait()
        pltpu.make_async_copy(s1_hbm.at[src_c.at[b]], s1_b.at[b],
                              sems[b]).wait()
        pltpu.make_async_copy(s2_hbm.at[dst_c.at[b]], s2_b.at[b],
                              sems[b]).wait()

    def _process(c, b):
        @pl.when(c + 1 < RPW)
        def _():
            _wait_idx(c + 1, 1 - b)
            _start_data(c + 1, 1 - b)

        _wait_data(c, b)
        vmask = (_row(c) < valid_rows).astype(jnp.float32)
        for j in range(8):
            sl = pl.ds(j * 16, 16)
            v = s1_b[b, sl] + s2_b[b, sl]
            lr = jnp.where(v > 0.0, v, ALPHA * v)
            w_v[sl] = jnp.exp(lr) * vmask

        @plsc.parallel_loop(0, K, 1, unroll=8)
        def _scale(e):
            we = plsc.load_gather(w_v, [jnp.full((16,), e, jnp.int32)])
            for j in range(4):
                pw = rows_p[b, e, pl.ds(j * 16, 16)]
                bfv = plsc.bitcast(pw, jnp.bfloat16)
                lo, hi = plsc.unpack(bfv, format=plsc.PackFormat.INTERLEAVED)
                rows_f[e, pl.ds(j * 16, 16)] = lo * we
                rows_f[e, pl.ds(64 + j * 16, 16)] = hi * we

        pltpu.sync_copy(rows_f, acc_sh.at[src_c.at[b]], add=True)
        pltpu.sync_copy(w_v, den_sh.at[src_c.at[b]], add=True)

        @pl.when(c + 2 < RPW)
        def _():
            _start_idx(c + 2, b)

    _start_idx(0, 0)
    _wait_idx(0, 0)
    _start_data(0, 0)
    _start_idx(1, 1)

    def _pair(g, _):
        _process(2 * g, 0)
        _process(2 * g + 1, 1)
        return 0
    lax.fori_loop(0, RPW // 2, _pair, 0)

    plsc.subcore_barrier()
    pltpu.sync_copy(acc_sh.at[pl.ds(base, ROWS_PER_TILE)],
                    num_out.at[cid, pl.ds(base, ROWS_PER_TILE)])
    pltpu.sync_copy(den_sh.at[pl.ds(base, ROWS_PER_TILE)],
                    den_out.at[cid, pl.ds(base, ROWS_PER_TILE)])


def _combine_body(num_ref, den_ref, out_ref):
    hp = num_ref[0] + num_ref[1]
    d = den_ref[0] + den_ref[1]
    hp = hp / (d[:, None] + 1e-15)
    out_ref[...] = jnp.where(hp > 0.0, hp, jnp.exp(hp) - 1.0)


@jax.jit
def kernel(inputs, edge_index, W, a):
    n = inputs.shape[0]
    e = edge_index.shape[1]
    x = jnp.zeros((N_PAD, D), jnp.float32).at[:n].set(inputs)
    a1 = a[:, :D]
    a2 = a[:, D:]

    h, s2d, hpk = pl.pallas_call(
        _mm_body,
        grid=(N_PAD // BLK,),
        in_specs=[
            pl.BlockSpec((BLK, D), lambda i: (i, 0)),
            pl.BlockSpec((D, D), lambda i: (0, 0)),
            pl.BlockSpec((1, D), lambda i: (0, 0)),
            pl.BlockSpec((1, D), lambda i: (0, 0)),
        ],
        out_specs=[
            pl.BlockSpec((BLK, D), lambda i: (i, 0)),
            pl.BlockSpec((2, BLK), lambda i: (0, i)),
            pl.BlockSpec((BLK, D // 2), lambda i: (i, 0)),
        ],
        out_shape=[
            jax.ShapeDtypeStruct((N_PAD, D), jnp.float32),
            jax.ShapeDtypeStruct((2, N_PAD), jnp.float32),
            jax.ShapeDtypeStruct((N_PAD, D // 2), jnp.int32),
        ],
    )(x, W, a1, a2)

    pad_e = NROW * K - e
    srcm = jnp.pad(edge_index[0], (0, pad_e)).reshape(NROW, K)
    dstm = jnp.pad(edge_index[1], (0, pad_e)).reshape(NROW, K)

    mesh = plsc.VectorSubcoreMesh(core_axis_name="c", subcore_axis_name="s",
                                  num_cores=NC, num_subcores=NS)
    sc = pl.kernel(
        functools.partial(_sc_body, e // K),
        out_type=[
            jax.ShapeDtypeStruct((NC, N_PAD, D), jnp.float32),
            jax.ShapeDtypeStruct((NC, N_PAD), jnp.float32),
        ],
        mesh=mesh,
        compiler_params=pltpu.CompilerParams(needs_layout_passes=False, use_tc_tiling_on_sc=False),
        scratch_types=[
            pltpu.VMEM((2, K), jnp.int32),
            pltpu.VMEM((2, K), jnp.int32),
            pltpu.VMEM((2, K, D // 2), jnp.int32),
            pltpu.VMEM((K, D), jnp.float32),
            pltpu.VMEM((2, K), jnp.float32),
            pltpu.VMEM((2, K), jnp.float32),
            pltpu.VMEM((K,), jnp.float32),
            pltpu.VMEM((ROWS_PER_TILE,), jnp.float32),
            pltpu.VMEM_SHARED((N_PAD, D), jnp.float32),
            pltpu.VMEM_SHARED((N_PAD,), jnp.float32),
            pltpu.SemaphoreType.DMA,
            pltpu.SemaphoreType.DMA,
            pltpu.SemaphoreType.DMA,
            pltpu.SemaphoreType.DMA,
        ],
    )
    num, den = sc(hpk, s2d[0], s2d[1], srcm, dstm)

    out = pl.pallas_call(
        _combine_body,
        grid=(N_PAD // BLK,),
        in_specs=[
            pl.BlockSpec((NC, BLK, D), lambda i: (0, i, 0)),
            pl.BlockSpec((NC, BLK), lambda i: (0, i)),
        ],
        out_specs=pl.BlockSpec((BLK, D), lambda i: (i, 0)),
        out_shape=jax.ShapeDtypeStruct((N_PAD, D), jnp.float32),
    )(num, den)
    return out[:n]

# --- scband reference (transcript-rebuilt; emitter-appended) ---
"""Pipeline reference for scband-spgat-6751688589922 (READ-ONLY COPY).

The authoritative reference and input builder live on the scoring server;
editing this copy changes nothing except your own understanding.
"""

import jax, jax.numpy as jnp
import numpy as np

N = 10000
E = 320000
D_IN = 128
D_OUT = 128
ALPHA = 0.2


def setup_inputs(seed: int = 0) -> dict:
    key = jax.random.key(seed)
    k1, k2, k3, k4 = jax.random.split(key, 4)
    inputs = jax.random.normal(k1, (N, D_IN), dtype=jnp.float32)
    edge_index = jax.random.randint(k2, (2, E), 0, N, dtype=jnp.int32)
    # xavier_normal_ with gain=1.414
    w_std = 1.414 * np.sqrt(2.0 / (D_IN + D_OUT))
    W = jax.random.normal(k3, (D_IN, D_OUT), dtype=jnp.float32) * w_std
    a_std = 1.414 * np.sqrt(2.0 / (1 + 2 * D_OUT))
    a = jax.random.normal(k4, (1, 2 * D_OUT), dtype=jnp.float32) * a_std
    return {"inputs": inputs, "edge_index": edge_index, "W": W, "a": a}


def reference(inputs, edge_index, W, a):
    # dropout=0.0 -> identity; concat=True -> ELU output
    n = inputs.shape[0]
    h = inputs @ W  # [N, D_OUT]
    src = edge_index[0, :]
    dst = edge_index[1, :]
    edge_h = jnp.concatenate([h[src, :], h[dst, :]], axis=1)  # [E, 2*D_OUT]
    values = edge_h @ a[0]  # [E]
    edge_value_a = jax.nn.leaky_relu(values, negative_slope=ALPHA)
    edge_value = jnp.exp(edge_value_a - jnp.max(edge_value_a))  # [E]
    # e_rowsum = A @ ones([N,1]) : sum of edge values per row (src)
    e_rowsum = jax.ops.segment_sum(edge_value, src, num_segments=n)[:, None]  # [N,1]
    # h_prime = A @ h : scatter-add of edge_value * h[dst] into src rows
    h_prime = jax.ops.segment_sum(edge_value[:, None] * h[dst, :], src, num_segments=n)  # [N, D_OUT]
    h_prime = h_prime / (e_rowsum + 1e-15)
    return jax.nn.elu(h_prime)

if __name__ == "__main__":
    import jax
    _d = setup_inputs()
    print(jax.jit(kernel)(*tuple(_d.values())))

</pallas_src>

<mosaic_0001>
#map = affine_map<(d0, d1) -> (0, 0)>
#map1 = affine_map<(d0, d1) -> (0)>
#map2 = affine_map<(d0, d1) -> (0, 0, 0)>
module attributes {stable_mosaic.version = 14 : i64} {
  func.func @_sc_body(%arg0: i32, %arg1: i32, %arg2: memref<10240x64xi32, #tpu.memory_space<hbm>>, %arg3: memref<10240xf32, #tpu.memory_space<hbm>>, %arg4: memref<10240xf32, #tpu.memory_space<hbm>>, %arg5: memref<2560x128xi32, #tpu.memory_space<hbm>>, %arg6: memref<2560x128xi32, #tpu.memory_space<hbm>>, %arg7: memref<2x10240x128xf32, #tpu.memory_space<hbm>>, %arg8: memref<2x10240xf32, #tpu.memory_space<hbm>>, %arg9: memref<2x128xi32, #tpu.memory_space<vmem>>, %arg10: memref<2x128xi32, #tpu.memory_space<vmem>>, %arg11: memref<2x128x64xi32, #tpu.memory_space<vmem>>, %arg12: memref<128x128xf32, #tpu.memory_space<vmem>>, %arg13: memref<2x128xf32, #tpu.memory_space<vmem>>, %arg14: memref<2x128xf32, #tpu.memory_space<vmem>>, %arg15: memref<128xf32, #tpu.memory_space<vmem>>, %arg16: memref<640xf32, #tpu.memory_space<vmem>>, %arg17: memref<10240x128xf32, #tpu.memory_space<vmem_shared>>, %arg18: memref<10240xf32, #tpu.memory_space<vmem_shared>>, %arg19: memref<!tpu.dma_semaphore, #tpu.memory_space<semaphore_mem>>, %arg20: memref<!tpu.dma_semaphore, #tpu.memory_space<semaphore_mem>>, %arg21: memref<!tpu.dma_semaphore, #tpu.memory_space<semaphore_mem>>, %arg22: memref<!tpu.dma_semaphore, #tpu.memory_space<semaphore_mem>>) attributes {dimension_semantics = [#tpu.dimension_semantics<core_parallel>, #tpu.dimension_semantics<subcore_parallel>], iteration_bounds = array<i64: 2, 16>, scalar_prefetch = 0 : i64, scratch_operands = 14 : i64, tpu.core_type = #tpu.core_type<sc_vector_subcore>, window_params = [{transform_indices = #map}, {transform_indices = #map1}, {transform_indices = #map1}, {transform_indices = #map}, {transform_indices = #map}, {transform_indices = #map2}, {transform_indices = #map}]} {
    %mul3A = arith.constant 2 : i32
    %mul3A_0 = arith.muli %arg1, %mul3A : i32
    %add3A = arith.addi %mul3A_0, %arg0 : i32
    %broadcast_in_dim3A = arith.constant 0.000000e+00 : f32
    %broadcast_in_dim3A_1 = vector.broadcast %broadcast_in_dim3A : f32 to vector<16xf32>
    %scan3A = arith.constant 0 : i32
    %scan3A_2 = arith.constant 0 : i32
    %scan3A_3 = arith.constant 128 : i32
    %scan3A_4 = arith.addi %scan3A_2, %scan3A_3 : i32
    %scan3A_5 = arith.constant 1 : i32
    %scan3A_6 = scf.for %scan3A_167 = %scan3A_2 to %scan3A_4 step %scan3A_5 iter_args(%scan3A_168 = %scan3A) -> (i32)  : i32 {
      %swap3A = arith.index_cast %scan3A_167 : i32 to index
      %swap3A_169 = arith.constant 0 : index
      %swap3A_170 = tpu.vector_load %arg12[%swap3A, %swap3A_169] {strides = array<i32>} : memref<128x128xf32, #tpu.memory_space<vmem>>, vector<16xf32>,
      tpu.vector_store %arg12[%swap3A, %swap3A_169], %broadcast_in_dim3A_1 {strides = array<i32>} : memref<128x128xf32, #tpu.memory_space<vmem>>, vector<16xf32>,
      %swap3A_171 = arith.index_cast %scan3A_167 : i32 to index
      %swap3A_172 = arith.constant 16 : index
      %swap3A_173 = tpu.vector_load %arg12[%swap3A_171, %swap3A_172] {strides = array<i32>} : memref<128x128xf32, #tpu.memory_space<vmem>>, vector<16xf32>,
      tpu.vector_store %arg12[%swap3A_171, %swap3A_172], %broadcast_in_dim3A_1 {strides = array<i32>} : memref<128x128xf32, #tpu.memory_space<vmem>>, vector<16xf32>,
      %swap3A_174 = arith.index_cast %scan3A_167 : i32 to index
      %swap3A_175 = arith.constant 32 : index
      %swap3A_176 = tpu.vector_load %arg12[%swap3A_174, %swap3A_175] {strides = array<i32>} : memref<128x128xf32, #tpu.memory_space<vmem>>, vector<16xf32>,
      tpu.vector_store %arg12[%swap3A_174, %swap3A_175], %broadcast_in_dim3A_1 {strides = array<i32>} : memref<128x128xf32, #tpu.memory_space<vmem>>, vector<16xf32>,
      %swap3A_177 = arith.index_cast %scan3A_167 : i32 to index
      %swap3A_178 = arith.constant 48 : index
      %swap3A_179 = tpu.vector_load %arg12[%swap3A_177, %swap3A_178] {strides = array<i32>} : memref<128x128xf32, #tpu.memory_space<vmem>>, vector<16xf32>,
      tpu.vector_store %arg12[%swap3A_177, %swap3A_178], %broadcast_in_dim3A_1 {strides = array<i32>} : memref<128x128xf32, #tpu.memory_space<vmem>>, vector<16xf32>,
      %swap3A_180 = arith.index_cast %scan3A_167 : i32 to index
      %swap3A_181 = arith.constant 64 : index
      %swap3A_182 = tpu.vector_load %arg12[%swap3A_180, %swap3A_181] {strides = array<i32>} : memref<128x128xf32, #tpu.memory_space<vmem>>, vector<16xf32>,
      tpu.vector_store %arg12[%swap3A_180, %swap3A_181], %broadcast_in_dim3A_1 {strides = array<i32>} : memref<128x128xf32, #tpu.memory_space<vmem>>, vector<16xf32>,
      %swap3A_183 = arith.index_cast %scan3A_167 : i32 to index
      %swap3A_184 = arith.constant 80 : index
      %swap3A_185 = tpu.vector_load %arg12[%swap3A_183, %swap3A_184] {strides = array<i32>} : memref<128x128xf32, #tpu.memory_space<vmem>>, vector<16xf32>,
      tpu.vector_store %arg12[%swap3A_183, %swap3A_184], %broadcast_in_dim3A_1 {strides = array<i32>} : memref<128x128xf32, #tpu.memory_space<vmem>>, vector<16xf32>,
      %swap3A_186 = arith.index_cast %scan3A_167 : i32 to index
      %swap3A_187 = arith.constant 96 : index
      %swap3A_188 = tpu.vector_load %arg12[%swap3A_186, %swap3A_187] {strides = array<i32>} : memref<128x128xf32, #tpu.memory_space<vmem>>, vector<16xf32>,
      tpu.vector_store %arg12[%swap3A_186, %swap3A_187], %broadcast_in_dim3A_1 {strides = array<i32>} : memref<128x128xf32, #tpu.memory_space<vmem>>, vector<16xf32>,
      %swap3A_189 = arith.index_cast %scan3A_167 : i32 to index
      %swap3A_190 = arith.constant 112 : index
      %swap3A_191 = tpu.vector_load %arg12[%swap3A_189, %swap3A_190] {strides = array<i32>} : memref<128x128xf32, #tpu.memory_space<vmem>>, vector<16xf32>,
      tpu.vector_store %arg12[%swap3A_189, %swap3A_190], %broadcast_in_dim3A_1 {strides = array<i32>} : memref<128x128xf32, #tpu.memory_space<vmem>>, vector<16xf32>,
      %scan3A_192 = arith.constant 0 : i32
      scf.yield %scan3A_192 : i32
    }
    %scan3A_7 = arith.constant 128 : i32
    %scan3A_8 = arith.constant 0 : i32
    %scan3A_9 = arith.constant 0 : i32
    %scan3A_10 = arith.constant 40 : i32
    %scan3A_11 = arith.addi %scan3A_9, %scan3A_10 : i32
    %scan3A_12 = arith.constant 1 : i32
    %scan3A_13 = scf.for %scan3A_167 = %scan3A_9 to %scan3A_11 step %scan3A_12 iter_args(%scan3A_168 = %scan3A_8) -> (i32)  : i32 {
      %mul3A_169 = arith.constant 16 : i32
      %mul3A_170 = arith.muli %scan3A_167, %mul3A_169 : i32
      %swap3A = arith.index_cast %mul3A_170 : i32 to index
      %swap3A_171 = tpu.vector_load %arg16[%swap3A] {strides = array<i32>} : memref<640xf32, #tpu.memory_space<vmem>>, vector<16xf32>,
      tpu.vector_store %arg16[%swap3A], %broadcast_in_dim3A_1 {strides = array<i32>} : memref<640xf32, #tpu.memory_space<vmem>>, vector<16xf32>,
      %scan3A_172 = arith.constant 0 : i32
      scf.yield %scan3A_172 : i32
    }
    %scan3A_14 = arith.constant 40 : i32
    %mul3A_15 = arith.constant 640 : i32
    %mul3A_16 = arith.muli %arg1, %mul3A_15 : i32
    %add3A_17 = arith.constant 0 : i32
    %add3A_18 = arith.addi %mul3A_16, %add3A_17 : i32
    "tpu.region"() ({
      %run_scoped3A = tpu.sem_alloc : memref<!tpu.dma_semaphore, #tpu.memory_space<semaphore_mem>>
      %dma_start3A_167 = arith.constant 0 : i32
      %dma_start3A_168 = tpu.memref_slice %arg17[%add3A_18, %dma_start3A_167] : memref<10240x128xf32, #tpu.memory_space<vmem_shared>> -> memref<128x128xf32, #tpu.memory_space<vmem_shared>>
      %dma_start3A_169 = arith.constant 0 : i32
      %dma_start3A_170 = tpu.memref_slice %arg17[%add3A_18, %dma_start3A_169] : memref<10240x128xf32, #tpu.memory_space<vmem_shared>> -> memref<128x128xf32, #tpu.memory_space<vmem_shared>>
      tpu.enqueue_dma source(%arg12 : memref<128x128xf32, #tpu.memory_space<vmem>>) target(%dma_start3A_170 : memref<128x128xf32, #tpu.memory_space<vmem_shared>>) target_semaphore(%run_scoped3A : memref<!tpu.dma_semaphore, #tpu.memory_space<semaphore_mem>>)
      %dma_wait3A_171 = arith.constant 0 : i32
      %dma_wait3A_172 = tpu.memref_slice %arg17[%add3A_18, %dma_wait3A_171] : memref<10240x128xf32, #tpu.memory_space<vmem_shared>> -> memref<128x128xf32, #tpu.memory_space<vmem_shared>>
      %dma_wait3A_173 = arith.constant 0 : i32
      %dma_wait3A_174 = tpu.memref_slice %arg17[%add3A_18, %dma_wait3A_173] : memref<10240x128xf32, #tpu.memory_space<vmem_shared>> -> memref<128x128xf32, #tpu.memory_space<vmem_shared>>
      tpu.wait_dma2 semaphore(%run_scoped3A : memref<!tpu.dma_semaphore, #tpu.memory_space<semaphore_mem>>) src(%arg12 : memref<128x128xf32, #tpu.memory_space<vmem>>) dst(%dma_wait3A_174 : memref<128x128xf32, #tpu.memory_space<vmem_shared>>)
      tpu.yield
    }) : () -> ()
    %add3A_19 = arith.constant 128 : i32
    %add3A_20 = arith.addi %mul3A_16, %add3A_19 : i32
    "tpu.region"() ({
      %run_scoped3A = tpu.sem_alloc : memref<!tpu.dma_semaphore, #tpu.memory_space<semaphore_mem>>
      %dma_start3A_167 = arith.constant 0 : i32
      %dma_start3A_168 = tpu.memref_slice %arg17[%add3A_20, %dma_start3A_167] : memref<10240x128xf32, #tpu.memory_space<vmem_shared>> -> memref<128x128xf32, #tpu.memory_space<vmem_shared>>
      %dma_start3A_169 = arith.constant 0 : i32
      %dma_start3A_170 = tpu.memref_slice %arg17[%add3A_20, %dma_start3A_169] : memref<10240x128xf32, #tpu.memory_space<vmem_shared>> -> memref<128x128xf32, #tpu.memory_space<vmem_shared>>
      tpu.enqueue_dma source(%arg12 : memref<128x128xf32, #tpu.memory_space<vmem>>) target(%dma_start3A_170 : memref<128x128xf32, #tpu.memory_space<vmem_shared>>) target_semaphore(%run_scoped3A : memref<!tpu.dma_semaphore, #tpu.memory_space<semaphore_mem>>)
      %dma_wait3A_171 = arith.constant 0 : i32
      %dma_wait3A_172 = tpu.memref_slice %arg17[%add3A_20, %dma_wait3A_171] : memref<10240x128xf32, #tpu.memory_space<vmem_shared>> -> memref<128x128xf32, #tpu.memory_space<vmem_shared>>
      %dma_wait3A_173 = arith.constant 0 : i32
      %dma_wait3A_174 = tpu.memref_slice %arg17[%add3A_20, %dma_wait3A_173] : memref<10240x128xf32, #tpu.memory_space<vmem_shared>> -> memref<128x128xf32, #tpu.memory_space<vmem_shared>>
      tpu.wait_dma2 semaphore(%run_scoped3A : memref<!tpu.dma_semaphore, #tpu.memory_space<semaphore_mem>>) src(%arg12 : memref<128x128xf32, #tpu.memory_space<vmem>>) dst(%dma_wait3A_174 : memref<128x128xf32, #tpu.memory_space<vmem_shared>>)
      tpu.yield
    }) : () -> ()
    %add3A_21 = arith.constant 256 : i32
    %add3A_22 = arith.addi %mul3A_16, %add3A_21 : i32
    "tpu.region"() ({
      %run_scoped3A = tpu.sem_alloc : memref<!tpu.dma_semaphore, #tpu.memory_space<semaphore_mem>>
      %dma_start3A_167 = arith.constant 0 : i32
      %dma_start3A_168 = tpu.memref_slice %arg17[%add3A_22, %dma_start3A_167] : memref<10240x128xf32, #tpu.memory_space<vmem_shared>> -> memref<128x128xf32, #tpu.memory_space<vmem_shared>>
      %dma_start3A_169 = arith.constant 0 : i32
      %dma_start3A_170 = tpu.memref_slice %arg17[%add3A_22, %dma_start3A_169] : memref<10240x128xf32, #tpu.memory_space<vmem_shared>> -> memref<128x128xf32, #tpu.memory_space<vmem_shared>>
      tpu.enqueue_dma source(%arg12 : memref<128x128xf32, #tpu.memory_space<vmem>>) target(%dma_start3A_170 : memref<128x128xf32, #tpu.memory_space<vmem_shared>>) target_semaphore(%run_scoped3A : memref<!tpu.dma_semaphore, #tpu.memory_space<semaphore_mem>>)
      %dma_wait3A_171 = arith.constant 0 : i32
      %dma_wait3A_172 = tpu.memref_slice %arg17[%add3A_22, %dma_wait3A_171] : memref<10240x128xf32, #tpu.memory_space<vmem_shared>> -> memref<128x128xf32, #tpu.memory_space<vmem_shared>>
      %dma_wait3A_173 = arith.constant 0 : i32
      %dma_wait3A_174 = tpu.memref_slice %arg17[%add3A_22, %dma_wait3A_173] : memref<10240x128xf32, #tpu.memory_space<vmem_shared>> -> memref<128x128xf32, #tpu.memory_space<vmem_shared>>
      tpu.wait_dma2 semaphore(%run_scoped3A : memref<!tpu.dma_semaphore, #tpu.memory_space<semaphore_mem>>) src(%arg12 : memref<128x128xf32, #tpu.memory_space<vmem>>) dst(%dma_wait3A_174 : memref<128x128xf32, #tpu.memory_space<vmem_shared>>)
      tpu.yield
    }) : () -> ()
    %add3A_23 = arith.constant 384 : i32
    %add3A_24 = arith.addi %mul3A_16, %add3A_23 : i32
    "tpu.region"() ({
      %run_scoped3A = tpu.sem_alloc : memref<!tpu.dma_semaphore, #tpu.memory_space<semaphore_mem>>
      %dma_start3A_167 = arith.constant 0 : i32
      %dma_start3A_168 = tpu.memref_slice %arg17[%add3A_24, %dma_start3A_167] : memref<10240x128xf32, #tpu.memory_space<vmem_shared>> -> memref<128x128xf32, #tpu.memory_space<vmem_shared>>
      %dma_start3A_169 = arith.constant 0 : i32
      %dma_start3A_170 = tpu.memref_slice %arg17[%add3A_24, %dma_start3A_169] : memref<10240x128xf32, #tpu.memory_space<vmem_shared>> -> memref<128x128xf32, #tpu.memory_space<vmem_shared>>
      tpu.enqueue_dma source(%arg12 : memref<128x128xf32, #tpu.memory_space<vmem>>) target(%dma_start3A_170 : memref<128x128xf32, #tpu.memory_space<vmem_shared>>) target_semaphore(%run_scoped3A : memref<!tpu.dma_semaphore, #tpu.memory_space<semaphore_mem>>)
      %dma_wait3A_171 = arith.constant 0 : i32
      %dma_wait3A_172 = tpu.memref_slice %arg17[%add3A_24, %dma_wait3A_171] : memref<10240x128xf32, #tpu.memory_space<vmem_shared>> -> memref<128x128xf32, #tpu.memory_space<vmem_shared>>
      %dma_wait3A_173 = arith.constant 0 : i32
      %dma_wait3A_174 = tpu.memref_slice %arg17[%add3A_24, %dma_wait3A_173] : memref<10240x128xf32, #tpu.memory_space<vmem_shared>> -> memref<128x128xf32, #tpu.memory_space<vmem_shared>>
      tpu.wait_dma2 semaphore(%run_scoped3A : memref<!tpu.dma_semaphore, #tpu.memory_space<semaphore_mem>>) src(%arg12 : memref<128x128xf32, #tpu.memory_space<vmem>>) dst(%dma_wait3A_174 : memref<128x128xf32, #tpu.memory_space<vmem_shared>>)
      tpu.yield
    }) : () -> ()
    %add3A_25 = arith.constant 512 : i32
    %add3A_26 = arith.addi %mul3A_16, %add3A_25 : i32
    "tpu.region"() ({
      %run_scoped3A = tpu.sem_alloc : memref<!tpu.dma_semaphore, #tpu.memory_space<semaphore_mem>>
      %dma_start3A_167 = arith.constant 0 : i32
      %dma_start3A_168 = tpu.memref_slice %arg17[%add3A_26, %dma_start3A_167] : memref<10240x128xf32, #tpu.memory_space<vmem_shared>> -> memref<128x128xf32, #tpu.memory_space<vmem_shared>>
      %dma_start3A_169 = arith.constant 0 : i32
      %dma_start3A_170 = tpu.memref_slice %arg17[%add3A_26, %dma_start3A_169] : memref<10240x128xf32, #tpu.memory_space<vmem_shared>> -> memref<128x128xf32, #tpu.memory_space<vmem_shared>>
      tpu.enqueue_dma source(%arg12 : memref<128x128xf32, #tpu.memory_space<vmem>>) target(%dma_start3A_170 : memref<128x128xf32, #tpu.memory_space<vmem_shared>>) target_semaphore(%run_scoped3A : memref<!tpu.dma_semaphore, #tpu.memory_space<semaphore_mem>>)
      %dma_wait3A_171 = arith.constant 0 : i32
      %dma_wait3A_172 = tpu.memref_slice %arg17[%add3A_26, %dma_wait3A_171] : memref<10240x128xf32, #tpu.memory_space<vmem_shared>> -> memref<128x128xf32, #tpu.memory_space<vmem_shared>>
      %dma_wait3A_173 = arith.constant 0 : i32
      %dma_wait3A_174 = tpu.memref_slice %arg17[%add3A_26, %dma_wait3A_173] : memref<10240x128xf32, #tpu.memory_space<vmem_shared>> -> memref<128x128xf32, #tpu.memory_space<vmem_shared>>
      tpu.wait_dma2 semaphore(%run_scoped3A : memref<!tpu.dma_semaphore, #tpu.memory_space<semaphore_mem>>) src(%arg12 : memref<128x128xf32, #tpu.memory_space<vmem>>) dst(%dma_wait3A_174 : memref<128x128xf32, #tpu.memory_space<vmem_shared>>)
      tpu.yield
    }) : () -> ()
    "tpu.region"() ({
      %run_scoped3A = tpu.sem_alloc : memref<!tpu.dma_semaphore, #tpu.memory_space<semaphore_mem>>
      %dma_start3A_167 = tpu.memref_slice %arg18[%mul3A_16] : memref<10240xf32, #tpu.memory_space<vmem_shared>> -> memref<640xf32, #tpu.memory_space<vmem_shared>>
      %dma_start3A_168 = tpu.memref_slice %arg18[%mul3A_16] : memref<10240xf32, #tpu.memory_space<vmem_shared>> -> memref<640xf32, #tpu.memory_space<vmem_shared>>
      tpu.enqueue_dma source(%arg16 : memref<640xf32, #tpu.memory_space<vmem>>) target(%dma_start3A_168 : memref<640xf32, #tpu.memory_space<vmem_shared>>) target_semaphore(%run_scoped3A : memref<!tpu.dma_semaphore, #tpu.memory_space<semaphore_mem>>)
      %dma_wait3A_169 = tpu.memref_slice %arg18[%mul3A_16] : memref<10240xf32, #tpu.memory_space<vmem_shared>> -> memref<640xf32, #tpu.memory_space<vmem_shared>>
      %dma_wait3A_170 = tpu.memref_slice %arg18[%mul3A_16] : memref<10240xf32, #tpu.memory_space<vmem_shared>> -> memref<640xf32, #tpu.memory_space<vmem_shared>>
      tpu.wait_dma2 semaphore(%run_scoped3A : memref<!tpu.dma_semaphore, #tpu.memory_space<semaphore_mem>>) src(%arg16 : memref<640xf32, #tpu.memory_space<vmem>>) dst(%dma_wait3A_170 : memref<640xf32, #tpu.memory_space<vmem_shared>>)
      tpu.yield
    }) : () -> ()
    %barrier3A = arith.constant 0 : index
    tpu.barrier barrier_id(%barrier3A)
    %mul3A_27 = arith.constant 80 : i32
    %mul3A_28 = arith.muli %add3A, %mul3A_27 : i32
    %add3A_29 = arith.constant 0 : i32
    %add3A_30 = arith.addi %mul3A_28, %add3A_29 : i32
    %dma_start3A = arith.constant 0 : i32
    %dma_start3A_31 = arith.constant 0 : i32
    %dma_start3A_32 = tpu.memref_slice %arg9[%dma_start3A, %dma_start3A_31] : memref<2x128xi32, #tpu.memory_space<vmem>> -> memref<1x128xi32, #tpu.memory_space<vmem>>
    %dma_start3A_33 = tpu.memref_squeeze %dma_start3A_32 : memref<1x128xi32, #tpu.memory_space<vmem>> -> memref<128xi32, #tpu.memory_space<vmem>>
    %dma_start3A_34 = arith.constant 0 : i32
    %dma_start3A_35 = tpu.memref_slice %arg5[%add3A_30, %dma_start3A_34] : memref<2560x128xi32, #tpu.memory_space<hbm>> -> memref<1x128xi32, #tpu.memory_space<hbm>>
    %dma_start3A_36 = tpu.memref_squeeze %dma_start3A_35 : memref<1x128xi32, #tpu.memory_space<hbm>> -> memref<128xi32, #tpu.memory_space<hbm>>
    %dma_start3A_37 = arith.constant 0 : i32
    %dma_start3A_38 = tpu.memref_slice %arg9[%dma_start3A, %dma_start3A_37] : memref<2x128xi32, #tpu.memory_space<vmem>> -> memref<1x128xi32, #tpu.memory_space<vmem>>
    %dma_start3A_39 = tpu.memref_squeeze %dma_start3A_38 : memref<1x128xi32, #tpu.memory_space<vmem>> -> memref<128xi32, #tpu.memory_space<vmem>>
    %dma_start3A_40 = arith.constant 0 : i32
    %dma_start3A_41 = tpu.memref_slice %arg5[%add3A_30, %dma_start3A_40] : memref<2560x128xi32, #tpu.memory_space<hbm>> -> memref<1x128xi32, #tpu.memory_space<hbm>>
    %dma_start3A_42 = tpu.memref_squeeze %dma_start3A_41 : memref<1x128xi32, #tpu.memory_space<hbm>> -> memref<128xi32, #tpu.memory_space<hbm>>
    tpu.enqueue_dma source(%dma_start3A_42 : memref<128xi32, #tpu.memory_space<hbm>>) target(%dma_start3A_39 : memref<128xi32, #tpu.memory_space<vmem>>) target_semaphore(%arg21 : memref<!tpu.dma_semaphore, #tpu.memory_space<semaphore_mem>>)
    %mul3A_43 = arith.constant 80 : i32
    %mul3A_44 = arith.muli %add3A, %mul3A_43 : i32
    %add3A_45 = arith.constant 0 : i32
    %add3A_46 = arith.addi %mul3A_44, %add3A_45 : i32
    %dma_start3A_47 = arith.constant 0 : i32
    %dma_start3A_48 = arith.constant 0 : i32
    %dma_start3A_49 = tpu.memref_slice %arg10[%dma_start3A_47, %dma_start3A_48] : memref<2x128xi32, #tpu.memory_space<vmem>> -> memref<1x128xi32, #tpu.memory_space<vmem>>
    %dma_start3A_50 = tpu.memref_squeeze %dma_start3A_49 : memref<1x128xi32, #tpu.memory_space<vmem>> -> memref<128xi32, #tpu.memory_space<vmem>>
    %dma_start3A_51 = arith.constant 0 : i32
    %dma_start3A_52 = tpu.memref_slice %arg6[%add3A_46, %dma_start3A_51] : memref<2560x128xi32, #tpu.memory_space<hbm>> -> memref<1x128xi32, #tpu.memory_space<hbm>>
    %dma_start3A_53 = tpu.memref_squeeze %dma_start3A_52 : memref<1x128xi32, #tpu.memory_space<hbm>> -> memref<128xi32, #tpu.memory_space<hbm>>
    %dma_start3A_54 = arith.constant 0 : i32
    %dma_start3A_55 = tpu.memref_slice %arg10[%dma_start3A_47, %dma_start3A_54] : memref<2x128xi32, #tpu.memory_space<vmem>> -> memref<1x128xi32, #tpu.memory_space<vmem>>
    %dma_start3A_56 = tpu.memref_squeeze %dma_start3A_55 : memref<1x128xi32, #tpu.memory_space<vmem>> -> memref<128xi32, #tpu.memory_space<vmem>>
    %dma_start3A_57 = arith.constant 0 : i32
    %dma_start3A_58 = tpu.memref_slice %arg6[%add3A_46, %dma_start3A_57] : memref<2560x128xi32, #tpu.memory_space<hbm>> -> memref<1x128xi32, #tpu.memory_space<hbm>>
    %dma_start3A_59 = tpu.memref_squeeze %dma_start3A_58 : memref<1x128xi32, #tpu.memory_space<hbm>> -> memref<128xi32, #tpu.memory_space<hbm>>
    tpu.enqueue_dma source(%dma_start3A_59 : memref<128xi32, #tpu.memory_space<hbm>>) target(%dma_start3A_56 : memref<128xi32, #tpu.memory_space<vmem>>) target_semaphore(%arg21 : memref<!tpu.dma_semaphore, #tpu.memory_space<semaphore_mem>>)
    %mul3A_60 = arith.constant 80 : i32
    %mul3A_61 = arith.muli %add3A, %mul3A_60 : i32
    %add3A_62 = arith.constant 0 : i32
    %add3A_63 = arith.addi %mul3A_61, %add3A_62 : i32
    %dma_wait3A = arith.constant 0 : i32
    %dma_wait3A_64 = arith.constant 0 : i32
    %dma_wait3A_65 = tpu.memref_slice %arg9[%dma_wait3A, %dma_wait3A_64] : memref<2x128xi32, #tpu.memory_space<vmem>> -> memref<1x128xi32, #tpu.memory_space<vmem>>
    %dma_wait3A_66 = tpu.memref_squeeze %dma_wait3A_65 : memref<1x128xi32, #tpu.memory_space<vmem>> -> memref<128xi32, #tpu.memory_space<vmem>>
    %dma_wait3A_67 = arith.constant 0 : i32
    %dma_wait3A_68 = tpu.memref_slice %arg5[%add3A_63, %dma_wait3A_67] : memref<2560x128xi32, #tpu.memory_space<hbm>> -> memref<1x128xi32, #tpu.memory_space<hbm>>
    %dma_wait3A_69 = tpu.memref_squeeze %dma_wait3A_68 : memref<1x128xi32, #tpu.memory_space<hbm>> -> memref<128xi32, #tpu.memory_space<hbm>>
    %dma_wait3A_70 = arith.constant 0 : i32
    %dma_wait3A_71 = tpu.memref_slice %arg9[%dma_wait3A, %dma_wait3A_70] : memref<2x128xi32, #tpu.memory_space<vmem>> -> memref<1x128xi32, #tpu.memory_space<vmem>>
    %dma_wait3A_72 = tpu.memref_squeeze %dma_wait3A_71 : memref<1x128xi32, #tpu.memory_space<vmem>> -> memref<128xi32, #tpu.memory_space<vmem>>
    %dma_wait3A_73 = arith.constant 0 : i32
    %dma_wait3A_74 = tpu.memref_slice %arg5[%add3A_63, %dma_wait3A_73] : memref<2560x128xi32, #tpu.memory_space<hbm>> -> memref<1x128xi32, #tpu.memory_space<hbm>>
    %dma_wait3A_75 = tpu.memref_squeeze %dma_wait3A_74 : memref<1x128xi32, #tpu.memory_space<hbm>> -> memref<128xi32, #tpu.memory_space<hbm>>
    tpu.wait_dma2 semaphore(%arg21 : memref<!tpu.dma_semaphore, #tpu.memory_space<semaphore_mem>>) src(%dma_wait3A_75 : memref<128xi32, #tpu.memory_space<hbm>>) dst(%dma_wait3A_72 : memref<128xi32, #tpu.memory_space<vmem>>)
    %mul3A_76 = arith.constant 80 : i32
    %mul3A_77 = arith.muli %add3A, %mul3A_76 : i32
    %add3A_78 = arith.constant 0 : i32
    %add3A_79 = arith.addi %mul3A_77, %add3A_78 : i32
    %dma_wait3A_80 = arith.constant 0 : i32
    %dma_wait3A_81 = arith.constant 0 : i32
    %dma_wait3A_82 = tpu.memref_slice %arg10[%dma_wait3A_80, %dma_wait3A_81] : memref<2x128xi32, #tpu.memory_space<vmem>> -> memref<1x128xi32, #tpu.memory_space<vmem>>
    %dma_wait3A_83 = tpu.memref_squeeze %dma_wait3A_82 : memref<1x128xi32, #tpu.memory_space<vmem>> -> memref<128xi32, #tpu.memory_space<vmem>>
    %dma_wait3A_84 = arith.constant 0 : i32
    %dma_wait3A_85 = tpu.memref_slice %arg6[%add3A_79, %dma_wait3A_84] : memref<2560x128xi32, #tpu.memory_space<hbm>> -> memref<1x128xi32, #tpu.memory_space<hbm>>
    %dma_wait3A_86 = tpu.memref_squeeze %dma_wait3A_85 : memref<1x128xi32, #tpu.memory_space<hbm>> -> memref<128xi32, #tpu.memory_space<hbm>>
    %dma_wait3A_87 = arith.constant 0 : i32
    %dma_wait3A_88 = tpu.memref_slice %arg10[%dma_wait3A_80, %dma_wait3A_87] : memref<2x128xi32, #tpu.memory_space<vmem>> -> memref<1x128xi32, #tpu.memory_space<vmem>>
    %dma_wait3A_89 = tpu.memref_squeeze %dma_wait3A_88 : memref<1x128xi32, #tpu.memory_space<vmem>> -> memref<128xi32, #tpu.memory_space<vmem>>
    %dma_wait3A_90 = arith.constant 0 : i32
    %dma_wait3A_91 = tpu.memref_slice %arg6[%add3A_79, %dma_wait3A_90] : memref<2560x128xi32, #tpu.memory_space<hbm>> -> memref<1x128xi32, #tpu.memory_space<hbm>>
    %dma_wait3A_92 = tpu.memref_squeeze %dma_wait3A_91 : memref<1x128xi32, #tpu.memory_space<hbm>> -> memref<128xi32, #tpu.memory_space<hbm>>
    tpu.wait_dma2 semaphore(%arg21 : memref<!tpu.dma_semaphore, #tpu.memory_space<semaphore_mem>>) src(%dma_wait3A_92 : memref<128xi32, #tpu.memory_space<hbm>>) dst(%dma_wait3A_89 : memref<128xi32, #tpu.memory_space<vmem>>)
    %dma_start3A_93 = arith.constant 0 : i32
    %dma_start3A_94 = arith.constant 0 : i32
    %dma_start3A_95 = arith.constant 0 : i32
    %dma_start3A_96 = arith.constant 0 : i32
    %dma_start3A_97 = tpu.memref_slice %arg11[%dma_start3A_94, %dma_start3A_95, %dma_start3A_96] : memref<2x128x64xi32, #tpu.memory_space<vmem>> -> memref<1x128x64xi32, #tpu.memory_space<vmem>>
    %dma_start3A_98 = tpu.memref_squeeze %dma_start3A_97 : memref<1x128x64xi32, #tpu.memory_space<vmem>> -> memref<128x64xi32, #tpu.memory_space<vmem>>
    %dma_start3A_99 = arith.constant 0 : i32
    %dma_start3A_100 = tpu.memref_slice %arg10[%dma_start3A_93, %dma_start3A_99] : memref<2x128xi32, #tpu.memory_space<vmem>> -> memref<1x128xi32, #tpu.memory_space<vmem>>
    %dma_start3A_101 = tpu.memref_squeeze %dma_start3A_100 : memref<1x128xi32, #tpu.memory_space<vmem>> -> memref<128xi32, #tpu.memory_space<vmem>>
    %dma_start3A_102 = arith.constant 0 : i32
    %dma_start3A_103 = arith.constant 0 : i32
    %dma_start3A_104 = tpu.memref_slice %arg2[%dma_start3A_102, %dma_start3A_103] : memref<10240x64xi32, #tpu.memory_space<hbm>> -> memref<10240x64xi32, #tpu.memory_space<hbm>>
    tpu.enqueue_indirect_dma source(%dma_start3A_104 : memref<10240x64xi32, #tpu.memory_space<hbm>>) target(%dma_start3A_98 : memref<128x64xi32, #tpu.memory_space<vmem>>) offsets(%dma_start3A_101 : memref<128xi32, #tpu.memory_space<vmem>>) semaphore(%arg19 : memref<!tpu.dma_semaphore, #tpu.memory_space<semaphore_mem>>)
    %dma_start3A_105 = arith.constant 0 : i32
    %dma_start3A_106 = arith.constant 0 : i32
    %dma_start3A_107 = arith.constant 0 : i32
    %dma_start3A_108 = tpu.memref_slice %arg13[%dma_start3A_106, %dma_start3A_107] : memref<2x128xf32, #tpu.memory_space<vmem>> -> memref<1x128xf32, #tpu.memory_space<vmem>>
    %dma_start3A_109 = tpu.memref_squeeze %dma_start3A_108 : memref<1x128xf32, #tpu.memory_space<vmem>> -> memref<128xf32, #tpu.memory_space<vmem>>
    %dma_start3A_110 = arith.constant 0 : i32
    %dma_start3A_111 = tpu.memref_slice %arg9[%dma_start3A_105, %dma_start3A_110] : memref<2x128xi32, #tpu.memory_space<vmem>> -> memref<1x128xi32, #tpu.memory_space<vmem>>
    %dma_start3A_112 = tpu.memref_squeeze %dma_start3A_111 : memref<1x128xi32, #tpu.memory_space<vmem>> -> memref<128xi32, #tpu.memory_space<vmem>>
    %dma_start3A_113 = arith.constant 0 : i32
    %dma_start3A_114 = tpu.memref_slice %arg3[%dma_start3A_113] : memref<10240xf32, #tpu.memory_space<hbm>> -> memref<10240xf32, #tpu.memory_space<hbm>>
    tpu.enqueue_indirect_dma source(%dma_start3A_114 : memref<10240xf32, #tpu.memory_space<hbm>>) target(%dma_start3A_109 : memref<128xf32, #tpu.memory_space<vmem>>) offsets(%dma_start3A_112 : memref<128xi32, #tpu.memory_space<vmem>>) semaphore(%arg19 : memref<!tpu.dma_semaphore, #tpu.memory_space<semaphore_mem>>)
    %dma_start3A_115 = arith.constant 0 : i32
    %dma_start3A_116 = arith.constant 0 : i32
    %dma_start3A_117 = arith.constant 0 : i32
    %dma_start3A_118 = tpu.memref_slice %arg14[%dma_start3A_116, %dma_start3A_117] : memref<2x128xf32, #tpu.memory_space<vmem>> -> memref<1x128xf32, #tpu.memory_space<vmem>>
    %dma_start3A_119 = tpu.memref_squeeze %dma_start3A_118 : memref<1x128xf32, #tpu.memory_space<vmem>> -> memref<128xf32, #tpu.memory_space<vmem>>
    %dma_start3A_120 = arith.constant 0 : i32
    %dma_start3A_121 = tpu.memref_slice %arg10[%dma_start3A_115, %dma_start3A_120] : memref<2x128xi32, #tpu.memory_space<vmem>> -> memref<1x128xi32, #tpu.memory_space<vmem>>
    %dma_start3A_122 = tpu.memref_squeeze %dma_start3A_121 : memref<1x128xi32, #tpu.memory_space<vmem>> -> memref<128xi32, #tpu.memory_space<vmem>>
    %dma_start3A_123 = arith.constant 0 : i32
    %dma_start3A_124 = tpu.memref_slice %arg4[%dma_start3A_123] : memref<10240xf32, #tpu.memory_space<hbm>> -> memref<10240xf32, #tpu.memory_space<hbm>>
    tpu.enqueue_indirect_dma source(%dma_start3A_124 : memref<10240xf32, #tpu.memory_space<hbm>>) target(%dma_start3A_119 : memref<128xf32, #tpu.memory_space<vmem>>) offsets(%dma_start3A_122 : memref<128xi32, #tpu.memory_space<vmem>>) semaphore(%arg19 : memref<!tpu.dma_semaphore, #tpu.memory_space<semaphore_mem>>)
    %mul3A_125 = arith.constant 80 : i32
    %mul3A_126 = arith.muli %add3A, %mul3A_125 : i32
    %add3A_127 = arith.constant 1 : i32
    %add3A_128 = arith.addi %mul3A_126, %add3A_127 : i32
    %dma_start3A_129 = arith.constant 1 : i32
    %dma_start3A_130 = arith.constant 0 : i32
    %dma_start3A_131 = tpu.memref_slice %arg9[%dma_start3A_129, %dma_start3A_130] : memref<2x128xi32, #tpu.memory_space<vmem>> -> memref<1x128xi32, #tpu.memory_space<vmem>>
    %dma_start3A_132 = tpu.memref_squeeze %dma_start3A_131 : memref<1x128xi32, #tpu.memory_space<vmem>> -> memref<128xi32, #tpu.memory_space<vmem>>
    %dma_start3A_133 = arith.constant 0 : i32
    %dma_start3A_134 = tpu.memref_slice %arg5[%add3A_128, %dma_start3A_133] : memref<2560x128xi32, #tpu.memory_space<hbm>> -> memref<1x128xi32, #tpu.memory_space<hbm>>
    %dma_start3A_135 = tpu.memref_squeeze %dma_start3A_134 : memref<1x128xi32, #tpu.memory_space<hbm>> -> memref<128xi32, #tpu.memory_space<hbm>>
    %dma_start3A_136 = arith.constant 0 : i32
    %dma_start3A_137 = tpu.memref_slice %arg9[%dma_start3A_129, %dma_start3A_136] : memref<2x128xi32, #tpu.memory_space<vmem>> -> memref<1x128xi32, #tpu.memory_space<vmem>>
    %dma_start3A_138 = tpu.memref_squeeze %dma_start3A_137 : memref<1x128xi32, #tpu.memory_space<vmem>> -> memref<128xi32, #tpu.memory_space<vmem>>
    %dma_start3A_139 = arith.constant 0 : i32
    %dma_start3A_140 = tpu.memref_slice %arg5[%add3A_128, %dma_start3A_139] : memref<2560x128xi32, #tpu.memory_space<hbm>> -> memref<1x128xi32, #tpu.memory_space<hbm>>
    %dma_start3A_141 = tpu.memref_squeeze %dma_start3A_140 : memref<1x128xi32, #tpu.memory_space<hbm>> -> memref<128xi32, #tpu.memory_space<hbm>>
    tpu.enqueue_dma source(%dma_start3A_141 : memref<128xi32, #tpu.memory_space<hbm>>) target(%dma_start3A_138 : memref<128xi32, #tpu.memory_space<vmem>>) target_semaphore(%arg22 : memref<!tpu.dma_semaphore, #tpu.memory_space<semaphore_mem>>)
    %mul3A_142 = arith.constant 80 : i32
    %mul3A_143 = arith.muli %add3A, %mul3A_142 : i32
    %add3A_144 = arith.constant 1 : i32
    %add3A_145 = arith.addi %mul3A_143, %add3A_144 : i32
    %dma_start3A_146 = arith.constant 1 : i32
    %dma_start3A_147 = arith.constant 0 : i32
    %dma_start3A_148 = tpu.memref_slice %arg10[%dma_start3A_146, %dma_start3A_147] : memref<2x128xi32, #tpu.memory_space<vmem>> -> memref<1x128xi32, #tpu.memory_space<vmem>>
    %dma_start3A_149 = tpu.memref_squeeze %dma_start3A_148 : memref<1x128xi32, #tpu.memory_space<vmem>> -> memref<128xi32, #tpu.memory_space<vmem>>
    %dma_start3A_150 = arith.constant 0 : i32
    %dma_start3A_151 = tpu.memref_slice %arg6[%add3A_145, %dma_start3A_150] : memref<2560x128xi32, #tpu.memory_space<hbm>> -> memref<1x128xi32, #tpu.memory_space<hbm>>
    %dma_start3A_152 = tpu.memref_squeeze %dma_start3A_151 : memref<1x128xi32, #tpu.memory_space<hbm>> -> memref<128xi32, #tpu.memory_space<hbm>>
    %dma_start3A_153 = arith.constant 0 : i32
    %dma_start3A_154 = tpu.memref_slice %arg10[%dma_start3A_146, %dma_start3A_153] : memref<2x128xi32, #tpu.memory_space<vmem>> -> memref<1x128xi32, #tpu.memory_space<vmem>>
    %dma_start3A_155 = tpu.memref_squeeze %dma_start3A_154 : memref<1x128xi32, #tpu.memory_space<vmem>> -> memref<128xi32, #tpu.memory_space<vmem>>
    %dma_start3A_156 = arith.constant 0 : i32
    %dma_start3A_157 = tpu.memref_slice %arg6[%add3A_145, %dma_start3A_156] : memref<2560x128xi32, #tpu.memory_space<hbm>> -> memref<1x128xi32, #tpu.memory_space<hbm>>
    %dma_start3A_158 = tpu.memref_squeeze %dma_start3A_157 : memref<1x128xi32, #tpu.memory_space<hbm>> -> memref<128xi32, #tpu.memory_space<hbm>>
    tpu.enqueue_dma source(%dma_start3A_158 : memref<128xi32, #tpu.memory_space<hbm>>) target(%dma_start3A_155 : memref<128xi32, #tpu.memory_space<vmem>>) target_semaphore(%arg22 : memref<!tpu.dma_semaphore, #tpu.memory_space<semaphore_mem>>)
    %scan3A_159 = arith.constant 0 : i32
    %scan3A_160 = arith.constant 0 : i32
    %scan3A_161 = arith.constant 40 : i32
    %scan3A_162 = arith.addi %scan3A_160, %scan3A_161 : i32
    %scan3A_163 = arith.constant 1 : i32
    %scan3A_164 = scf.for %scan3A_167 = %scan3A_160 to %scan3A_162 step %scan3A_163 iter_args(%scan3A_168 = %scan3A_159) -> (i32)  : i32 {
      %mul3A_169 = arith.constant 2 : i32
      %mul3A_170 = arith.muli %mul3A_169, %scan3A_167 : i32
      %add3A_171 = arith.constant 1 : i32
      %add3A_172 = arith.addi %mul3A_170, %add3A_171 : i32
      %lt3A = arith.constant 80 : i32
      %lt3A_173 = arith.cmpi slt, %add3A_172, %lt3A : i32
      %convert_element_type3A = arith.extui %lt3A_173 : i1 to i32
      %cond3A = arith.constant 0 : i32
      %cond3A_174 = arith.cmpi ne, %convert_element_type3A, %cond3A : i32
      scf.if %cond3A_174 {
        %add3A_618 = arith.constant 1 : i32
        %add3A_619 = arith.addi %mul3A_170, %add3A_618 : i32
        %mul3A_620 = arith.constant 80 : i32
        %mul3A_621 = arith.muli %add3A, %mul3A_620 : i32
        %add3A_622 = arith.addi %mul3A_621, %add3A_619 : i32
        %dma_wait3A_623 = arith.constant 1 : i32
        %dma_wait3A_624 = arith.constant 0 : i32
        %dma_wait3A_625 = tpu.memref_slice %arg9[%dma_wait3A_623, %dma_wait3A_624] : memref<2x128xi32, #tpu.memory_space<vmem>> -> memref<1x128xi32, #tpu.memory_space<vmem>>
        %dma_wait3A_626 = tpu.memref_squeeze %dma_wait3A_625 : memref<1x128xi32, #tpu.memory_space<vmem>> -> memref<128xi32, #tpu.memory_space<vmem>>
        %dma_wait3A_627 = arith.constant 0 : i32
        %dma_wait3A_628 = tpu.memref_slice %arg5[%add3A_622, %dma_wait3A_627] : memref<2560x128xi32, #tpu.memory_space<hbm>> -> memref<1x128xi32, #tpu.memory_space<hbm>>
        %dma_wait3A_629 = tpu.memref_squeeze %dma_wait3A_628 : memref<1x128xi32, #tpu.memory_space<hbm>> -> memref<128xi32, #tpu.memory_space<hbm>>
        %dma_wait3A_630 = arith.constant 0 : i32
        %dma_wait3A_631 = tpu.memref_slice %arg9[%dma_wait3A_623, %dma_wait3A_630] : memref<2x128xi32, #tpu.memory_space<vmem>> -> memref<1x128xi32, #tpu.memory_space<vmem>>
        %dma_wait3A_632 = tpu.memref_squeeze %dma_wait3A_631 : memref<1x128xi32, #tpu.memory_space<vmem>> -> memref<128xi32, #tpu.memory_space<vmem>>
        %dma_wait3A_633 = arith.constant 0 : i32
        %dma_wait3A_634 = tpu.memref_slice %arg5[%add3A_622, %dma_wait3A_633] : memref<2560x128xi32, #tpu.memory_space<hbm>> -> memref<1x128xi32, #tpu.memory_space<hbm>>
        %dma_wait3A_635 = tpu.memref_squeeze %dma_wait3A_634 : memref<1x128xi32, #tpu.memory_space<hbm>> -> memref<128xi32, #tpu.memory_space<hbm>>
        tpu.wait_dma2 semaphore(%arg22 : memref<!tpu.dma_semaphore, #tpu.memory_space<semaphore_mem>>) src(%dma_wait3A_635 : memref<128xi32, #tpu.memory_space<hbm>>) dst(%dma_wait3A_632 : memref<128xi32, #tpu.memory_space<vmem>>)
        %mul3A_636 = arith.constant 80 : i32
        %mul3A_637 = arith.muli %add3A, %mul3A_636 : i32
        %add3A_638 = arith.addi %mul3A_637, %add3A_619 : i32
        %dma_wait3A_639 = arith.constant 1 : i32
        %dma_wait3A_640 = arith.constant 0 : i32
        %dma_wait3A_641 = tpu.memref_slice %arg10[%dma_wait3A_639, %dma_wait3A_640] : memref<2x128xi32, #tpu.memory_space<vmem>> -> memref<1x128xi32, #tpu.memory_space<vmem>>
        %dma_wait3A_642 = tpu.memref_squeeze %dma_wait3A_641 : memref<1x128xi32, #tpu.memory_space<vmem>> -> memref<128xi32, #tpu.memory_space<vmem>>
        %dma_wait3A_643 = arith.constant 0 : i32
        %dma_wait3A_644 = tpu.memref_slice %arg6[%add3A_638, %dma_wait3A_643] : memref<2560x128xi32, #tpu.memory_space<hbm>> -> memref<1x128xi32, #tpu.memory_space<hbm>>
        %dma_wait3A_645 = tpu.memref_squeeze %dma_wait3A_644 : memref<1x128xi32, #tpu.memory_space<hbm>> -> memref<128xi32, #tpu.memory_space<hbm>>
        %dma_wait3A_646 = arith.constant 0 : i32
        %dma_wait3A_647 = tpu.memref_slice %arg10[%dma_wait3A_639, %dma_wait3A_646] : memref<2x128xi32, #tpu.memory_space<vmem>> -> memref<1x128xi32, #tpu.memory_space<vmem>>
        %dma_wait3A_648 = tpu.memref_squeeze %dma_wait3A_647 : memref<1x128xi32, #tpu.memory_space<vmem>> -> memref<128xi32, #tpu.memory_space<vmem>>
        %dma_wait3A_649 = arith.constant 0 : i32
        %dma_wait3A_650 = tpu.memref_slice %arg6[%add3A_638, %dma_wait3A_649] : memref<2560x128xi32, #tpu.memory_space<hbm>> -> memref<1x128xi32, #tpu.memory_space<hbm>>
        %dma_wait3A_651 = tpu.memref_squeeze %dma_wait3A_650 : memref<1x128xi32, #tpu.memory_space<hbm>> -> memref<128xi32, #tpu.memory_space<hbm>>
        tpu.wait_dma2 semaphore(%arg22 : memref<!tpu.dma_semaphore, #tpu.memory_space<semaphore_mem>>) src(%dma_wait3A_651 : memref<128xi32, #tpu.memory_space<hbm>>) dst(%dma_wait3A_648 : memref<128xi32, #tpu.memory_space<vmem>>)
        %add3A_652 = arith.constant 1 : i32
        %add3A_653 = arith.addi %mul3A_170, %add3A_652 : i32
        %dma_start3A_654 = arith.constant 1 : i32
        %dma_start3A_655 = arith.constant 1 : i32
        %dma_start3A_656 = arith.constant 0 : i32
        %dma_start3A_657 = arith.constant 0 : i32
        %dma_start3A_658 = tpu.memref_slice %arg11[%dma_start3A_655, %dma_start3A_656, %dma_start3A_657] : memref<2x128x64xi32, #tpu.memory_space<vmem>> -> memref<1x128x64xi32, #tpu.memory_space<vmem>>
        %dma_start3A_659 = tpu.memref_squeeze %dma_start3A_658 : memref<1x128x64xi32, #tpu.memory_space<vmem>> -> memref<128x64xi32, #tpu.memory_space<vmem>>
        %dma_start3A_660 = arith.constant 0 : i32
        %dma_start3A_661 = tpu.memref_slice %arg10[%dma_start3A_654, %dma_start3A_660] : memref<2x128xi32, #tpu.memory_space<vmem>> -> memref<1x128xi32, #tpu.memory_space<vmem>>
        %dma_start3A_662 = tpu.memref_squeeze %dma_start3A_661 : memref<1x128xi32, #tpu.memory_space<vmem>> -> memref<128xi32, #tpu.memory_space<vmem>>
        %dma_start3A_663 = arith.constant 0 : i32
        %dma_start3A_664 = arith.constant 0 : i32
        %dma_start3A_665 = tpu.memref_slice %arg2[%dma_start3A_663, %dma_start3A_664] : memref<10240x64xi32, #tpu.memory_space<hbm>> -> memref<10240x64xi32, #tpu.memory_space<hbm>>
        tpu.enqueue_indirect_dma source(%dma_start3A_665 : memref<10240x64xi32, #tpu.memory_space<hbm>>) target(%dma_start3A_659 : memref<128x64xi32, #tpu.memory_space<vmem>>) offsets(%dma_start3A_662 : memref<128xi32, #tpu.memory_space<vmem>>) semaphore(%arg20 : memref<!tpu.dma_semaphore, #tpu.memory_space<semaphore_mem>>)
        %dma_start3A_666 = arith.constant 1 : i32
        %dma_start3A_667 = arith.constant 1 : i32
        %dma_start3A_668 = arith.constant 0 : i32
        %dma_start3A_669 = tpu.memref_slice %arg13[%dma_start3A_667, %dma_start3A_668] : memref<2x128xf32, #tpu.memory_space<vmem>> -> memref<1x128xf32, #tpu.memory_space<vmem>>
        %dma_start3A_670 = tpu.memref_squeeze %dma_start3A_669 : memref<1x128xf32, #tpu.memory_space<vmem>> -> memref<128xf32, #tpu.memory_space<vmem>>
        %dma_start3A_671 = arith.constant 0 : i32
        %dma_start3A_672 = tpu.memref_slice %arg9[%dma_start3A_666, %dma_start3A_671] : memref<2x128xi32, #tpu.memory_space<vmem>> -> memref<1x128xi32, #tpu.memory_space<vmem>>
        %dma_start3A_673 = tpu.memref_squeeze %dma_start3A_672 : memref<1x128xi32, #tpu.memory_space<vmem>> -> memref<128xi32, #tpu.memory_space<vmem>>
        %dma_start3A_674 = arith.constant 0 : i32
        %dma_start3A_675 = tpu.memref_slice %arg3[%dma_start3A_674] : memref<10240xf32, #tpu.memory_space<hbm>> -> memref<10240xf32, #tpu.memory_space<hbm>>
        tpu.enqueue_indirect_dma source(%dma_start3A_675 : memref<10240xf32, #tpu.memory_space<hbm>>) target(%dma_start3A_670 : memref<128xf32, #tpu.memory_space<vmem>>) offsets(%dma_start3A_673 : memref<128xi32, #tpu.memory_space<vmem>>) semaphore(%arg20 : memref<!tpu.dma_semaphore, #tpu.memory_space<semaphore_mem>>)
        %dma_start3A_676 = arith.constant 1 : i32
        %dma_start3A_677 = arith.constant 1 : i32
        %dma_start3A_678 = arith.constant 0 : i32
        %dma_start3A_679 = tpu.memref_slice %arg14[%dma_start3A_677, %dma_start3A_678] : memref<2x128xf32, #tpu.memory_space<vmem>> -> memref<1x128xf32, #tpu.memory_space<vmem>>
        %dma_start3A_680 = tpu.memref_squeeze %dma_start3A_679 : memref<1x128xf32, #tpu.memory_space<vmem>> -> memref<128xf32, #tpu.memory_space<vmem>>
        %dma_start3A_681 = arith.constant 0 : i32
        %dma_start3A_682 = tpu.memref_slice %arg10[%dma_start3A_676, %dma_start3A_681] : memref<2x128xi32, #tpu.memory_space<vmem>> -> memref<1x128xi32, #tpu.memory_space<vmem>>
        %dma_start3A_683 = tpu.memref_squeeze %dma_start3A_682 : memref<1x128xi32, #tpu.memory_space<vmem>> -> memref<128xi32, #tpu.memory_space<vmem>>
        %dma_start3A_684 = arith.constant 0 : i32
        %dma_start3A_685 = tpu.memref_slice %arg4[%dma_start3A_684] : memref<10240xf32, #tpu.memory_space<hbm>> -> memref<10240xf32, #tpu.memory_space<hbm>>
        tpu.enqueue_indirect_dma source(%dma_start3A_685 : memref<10240xf32, #tpu.memory_space<hbm>>) target(%dma_start3A_680 : memref<128xf32, #tpu.memory_space<vmem>>) offsets(%dma_start3A_683 : memref<128xi32, #tpu.memory_space<vmem>>) semaphore(%arg20 : memref<!tpu.dma_semaphore, #tpu.memory_space<semaphore_mem>>)
      } else {
      }
      %dma_wait3A_175 = arith.constant 0 : i32
      %dma_wait3A_176 = arith.constant 0 : i32
      %dma_wait3A_177 = arith.constant 0 : i32
      %dma_wait3A_178 = arith.constant 0 : i32
      %dma_wait3A_179 = tpu.memref_slice %arg11[%dma_wait3A_176, %dma_wait3A_177, %dma_wait3A_178] : memref<2x128x64xi32, #tpu.memory_space<vmem>> -> memref<1x128x64xi32, #tpu.memory_space<vmem>>
      %dma_wait3A_180 = tpu.memref_squeeze %dma_wait3A_179 : memref<1x128x64xi32, #tpu.memory_space<vmem>> -> memref<128x64xi32, #tpu.memory_space<vmem>>
      %dma_wait3A_181 = arith.constant 0 : i32
      %dma_wait3A_182 = tpu.memref_slice %arg10[%dma_wait3A_175, %dma_wait3A_181] : memref<2x128xi32, #tpu.memory_space<vmem>> -> memref<1x128xi32, #tpu.memory_space<vmem>>
      %dma_wait3A_183 = tpu.memref_squeeze %dma_wait3A_182 : memref<1x128xi32, #tpu.memory_space<vmem>> -> memref<128xi32, #tpu.memory_space<vmem>>
      %dma_wait3A_184 = arith.constant 0 : i32
      %dma_wait3A_185 = arith.constant 0 : i32
      %dma_wait3A_186 = tpu.memref_slice %arg2[%dma_wait3A_184, %dma_wait3A_185] : memref<10240x64xi32, #tpu.memory_space<hbm>> -> memref<10240x64xi32, #tpu.memory_space<hbm>>
      tpu.wait_indirect_dma semaphore(%arg19 : memref<!tpu.dma_semaphore, #tpu.memory_space<semaphore_mem>>) src(%dma_wait3A_186 : memref<10240x64xi32, #tpu.memory_space<hbm>>) dst(%dma_wait3A_180 : memref<128x64xi32, #tpu.memory_space<vmem>>)
      %dma_wait3A_187 = arith.constant 0 : i32
      %dma_wait3A_188 = arith.constant 0 : i32
      %dma_wait3A_189 = arith.constant 0 : i32
      %dma_wait3A_190 = tpu.memref_slice %arg13[%dma_wait3A_188, %dma_wait3A_189] : memref<2x128xf32, #tpu.memory_space<vmem>> -> memref<1x128xf32, #tpu.memory_space<vmem>>
      %dma_wait3A_191 = tpu.memref_squeeze %dma_wait3A_190 : memref<1x128xf32, #tpu.memory_space<vmem>> -> memref<128xf32, #tpu.memory_space<vmem>>
      %dma_wait3A_192 = arith.constant 0 : i32
      %dma_wait3A_193 = tpu.memref_slice %arg9[%dma_wait3A_187, %dma_wait3A_192] : memref<2x128xi32, #tpu.memory_space<vmem>> -> memref<1x128xi32, #tpu.memory_space<vmem>>
      %dma_wait3A_194 = tpu.memref_squeeze %dma_wait3A_193 : memref<1x128xi32, #tpu.memory_space<vmem>> -> memref<128xi32, #tpu.memory_space<vmem>>
      %dma_wait3A_195 = arith.constant 0 : i32
      %dma_wait3A_196 = tpu.memref_slice %arg3[%dma_wait3A_195] : memref<10240xf32, #tpu.memory_space<hbm>> -> memref<10240xf32, #tpu.memory_space<hbm>>
      tpu.wait_indirect_dma semaphore(%arg19 : memref<!tpu.dma_semaphore, #tpu.memory_space<semaphore_mem>>) src(%dma_wait3A_196 : memref<10240xf32, #tpu.memory_space<hbm>>) dst(%dma_wait3A_191 : memref<128xf32, #tpu.memory_space<vmem>>)
      %dma_wait3A_197 = arith.constant 0 : i32
      %dma_wait3A_198 = arith.constant 0 : i32
      %dma_wait3A_199 = arith.constant 0 : i32
      %dma_wait3A_200 = tpu.memref_slice %arg14[%dma_wait3A_198, %dma_wait3A_199] : memref<2x128xf32, #tpu.memory_space<vmem>> -> memref<1x128xf32, #tpu.memory_space<vmem>>
      %dma_wait3A_201 = tpu.memref_squeeze %dma_wait3A_200 : memref<1x128xf32, #tpu.memory_space<vmem>> -> memref<128xf32, #tpu.memory_space<vmem>>
      %dma_wait3A_202 = arith.constant 0 : i32
      %dma_wait3A_203 = tpu.memref_slice %arg10[%dma_wait3A_197, %dma_wait3A_202] : memref<2x128xi32, #tpu.memory_space<vmem>> -> memref<1x128xi32, #tpu.memory_space<vmem>>
      %dma_wait3A_204 = tpu.memref_squeeze %dma_wait3A_203 : memref<1x128xi32, #tpu.memory_space<vmem>> -> memref<128xi32, #tpu.memory_space<vmem>>
      %dma_wait3A_205 = arith.constant 0 : i32
      %dma_wait3A_206 = tpu.memref_slice %arg4[%dma_wait3A_205] : memref<10240xf32, #tpu.memory_space<hbm>> -> memref<10240xf32, #tpu.memory_space<hbm>>
      tpu.wait_indirect_dma semaphore(%arg19 : memref<!tpu.dma_semaphore, #tpu.memory_space<semaphore_mem>>) src(%dma_wait3A_206 : memref<10240xf32, #tpu.memory_space<hbm>>) dst(%dma_wait3A_201 : memref<128xf32, #tpu.memory_space<vmem>>)
      %mul3A_207 = arith.constant 80 : i32
      %mul3A_208 = arith.muli %add3A, %mul3A_207 : i32
      %add3A_209 = arith.addi %mul3A_208, %mul3A_170 : i32
      %lt3A_210 = arith.constant 2500 : i32
      %lt3A_211 = arith.cmpi slt, %add3A_209, %lt3A_210 : i32
      %convert_element_type3A_212 = arith.extui %lt3A_211 : i1 to i32
      %convert_element_type3A_213 = arith.sitofp %convert_element_type3A_212 : i32 to f32
      %get3A = arith.constant 0 : i32
      %get3A_214 = arith.index_cast %get3A : i32 to index
      %get3A_215 = arith.constant 0 : index
      %get3A_216 = tpu.vector_load %arg13[%get3A_214, %get3A_215] {strides = array<i32>} : memref<2x128xf32, #tpu.memory_space<vmem>>, vector<16xf32>,
      %get3A_217 = arith.constant 0 : i32
      %get3A_218 = arith.index_cast %get3A_217 : i32 to index
      %get3A_219 = arith.constant 0 : index
      %get3A_220 = tpu.vector_load %arg14[%get3A_218, %get3A_219] {strides = array<i32>} : memref<2x128xf32, #tpu.memory_space<vmem>>, vector<16xf32>,
      %add3A_221 = arith.addf %get3A_216, %get3A_220 : vector<16xf32>
      %gt3A = arith.constant 0.000000e+00 : f32
      %gt3A_222 = vector.broadcast %gt3A : f32 to vector<16xf32>
      %gt3A_223 = arith.cmpf ogt, %add3A_221, %gt3A_222 : vector<16xf32>
      %mul3A_224 = arith.constant 2.000000e-01 : f32
      %mul3A_225 = vector.broadcast %mul3A_224 : f32 to vector<16xf32>
      %mul3A_226 = arith.mulf %mul3A_225, %add3A_221 : vector<16xf32>
      %select_n3A = arith.select %gt3A_223, %add3A_221, %mul3A_226 : vector<16xi1>, vector<16xf32>
      %exp3A = math.exp %select_n3A : vector<16xf32>
      %mul3A_227 = vector.broadcast %convert_element_type3A_213 : f32 to vector<16xf32>
      %mul3A_228 = arith.mulf %exp3A, %mul3A_227 : vector<16xf32>
      %swap3A = arith.constant 0 : index
      %swap3A_229 = tpu.vector_load %arg15[%swap3A] {strides = array<i32>} : memref<128xf32, #tpu.memory_space<vmem>>, vector<16xf32>,
      tpu.vector_store %arg15[%swap3A], %mul3A_228 {strides = array<i32>} : memref<128xf32, #tpu.memory_space<vmem>>, vector<16xf32>,
      %get3A_230 = arith.constant 0 : i32
      %get3A_231 = arith.index_cast %get3A_230 : i32 to index
      %get3A_232 = arith.constant 16 : index
      %get3A_233 = tpu.vector_load %arg13[%get3A_231, %get3A_232] {strides = array<i32>} : memref<2x128xf32, #tpu.memory_space<vmem>>, vector<16xf32>,
      %get3A_234 = arith.constant 0 : i32
      %get3A_235 = arith.index_cast %get3A_234 : i32 to index
      %get3A_236 = arith.constant 16 : index
      %get3A_237 = tpu.vector_load %arg14[%get3A_235, %get3A_236] {strides = array<i32>} : memref<2x128xf32, #tpu.memory_space<vmem>>, vector<16xf32>,
      %add3A_238 = arith.addf %get3A_233, %get3A_237 : vector<16xf32>
      %gt3A_239 = arith.constant 0.000000e+00 : f32
      %gt3A_240 = vector.broadcast %gt3A_239 : f32 to vector<16xf32>
      %gt3A_241 = arith.cmpf ogt, %add3A_238, %gt3A_240 : vector<16xf32>
      %mul3A_242 = arith.constant 2.000000e-01 : f32
      %mul3A_243 = vector.broadcast %mul3A_242 : f32 to vector<16xf32>
      %mul3A_244 = arith.mulf %mul3A_243, %add3A_238 : vector<16xf32>
      %select_n3A_245 = arith.select %gt3A_241, %add3A_238, %mul3A_244 : vector<16xi1>, vector<16xf32>
      %exp3A_246 = math.exp %select_n3A_245 : vector<16xf32>
      %mul3A_247 = vector.broadcast %convert_element_type3A_213 : f32 to vector<16xf32>
      %mul3A_248 = arith.mulf %exp3A_246, %mul3A_247 : vector<16xf32>
      %swap3A_249 = arith.constant 16 : index
      %swap3A_250 = tpu.vector_load %arg15[%swap3A_249] {strides = array<i32>} : memref<128xf32, #tpu.memory_space<vmem>>, vector<16xf32>,
      tpu.vector_store %arg15[%swap3A_249], %mul3A_248 {strides = array<i32>} : memref<128xf32, #tpu.memory_space<vmem>>, vector<16xf32>,
      %get3A_251 = arith.constant 0 : i32
      %get3A_252 = arith.index_cast %get3A_251 : i32 to index
      %get3A_253 = arith.constant 32 : index
      %get3A_254 = tpu.vector_load %arg13[%get3A_252, %get3A_253] {strides = array<i32>} : memref<2x128xf32, #tpu.memory_space<vmem>>, vector<16xf32>,
      %get3A_255 = arith.constant 0 : i32
      %get3A_256 = arith.index_cast %get3A_255 : i32 to index
      %get3A_257 = arith.constant 32 : index
      %get3A_258 = tpu.vector_load %arg14[%get3A_256, %get3A_257] {strides = array<i32>} : memref<2x128xf32, #tpu.memory_space<vmem>>, vector<16xf32>,
      %add3A_259 = arith.addf %get3A_254, %get3A_258 : vector<16xf32>
      %gt3A_260 = arith.constant 0.000000e+00 : f32
      %gt3A_261 = vector.broadcast %gt3A_260 : f32 to vector<16xf32>
      %gt3A_262 = arith.cmpf ogt, %add3A_259, %gt3A_261 : vector<16xf32>
      %mul3A_263 = arith.constant 2.000000e-01 : f32
      %mul3A_264 = vector.broadcast %mul3A_263 : f32 to vector<16xf32>
      %mul3A_265 = arith.mulf %mul3A_264, %add3A_259 : vector<16xf32>
      %select_n3A_266 = arith.select %gt3A_262, %add3A_259, %mul3A_265 : vector<16xi1>, vector<16xf32>
      %exp3A_267 = math.exp %select_n3A_266 : vector<16xf32>
      %mul3A_268 = vector.broadcast %convert_element_type3A_213 : f32 to vector<16xf32>
      %mul3A_269 = arith.mulf %exp3A_267, %mul3A_268 : vector<16xf32>
      %swap3A_270 = arith.constant 32 : index
      %swap3A_271 = tpu.vector_load %arg15[%swap3A_270] {strides = array<i32>} : memref<128xf32, #tpu.memory_space<vmem>>, vector<16xf32>,
      tpu.vector_store %arg15[%swap3A_270], %mul3A_269 {strides = array<i32>} : memref<128xf32, #tpu.memory_space<vmem>>, vector<16xf32>,
      %get3A_272 = arith.constant 0 : i32
      %get3A_273 = arith.index_cast %get3A_272 : i32 to index
      %get3A_274 = arith.constant 48 : index
      %get3A_275 = tpu.vector_load %arg13[%get3A_273, %get3A_274] {strides = array<i32>} : memref<2x128xf32, #tpu.memory_space<vmem>>, vector<16xf32>,
      %get3A_276 = arith.constant 0 : i32
      %get3A_277 = arith.index_cast %get3A_276 : i32 to index
      %get3A_278 = arith.constant 48 : index
      %get3A_279 = tpu.vector_load %arg14[%get3A_277, %get3A_278] {strides = array<i32>} : memref<2x128xf32, #tpu.memory_space<vmem>>, vector<16xf32>,
      %add3A_280 = arith.addf %get3A_275, %get3A_279 : vector<16xf32>
      %gt3A_281 = arith.constant 0.000000e+00 : f32
      %gt3A_282 = vector.broadcast %gt3A_281 : f32 to vector<16xf32>
      %gt3A_283 = arith.cmpf ogt, %add3A_280, %gt3A_282 : vector<16xf32>
      %mul3A_284 = arith.constant 2.000000e-01 : f32
      %mul3A_285 = vector.broadcast %mul3A_284 : f32 to vector<16xf32>
      %mul3A_286 = arith.mulf %mul3A_285, %add3A_280 : vector<16xf32>
      %select_n3A_287 = arith.select %gt3A_283, %add3A_280, %mul3A_286 : vector<16xi1>, vector<16xf32>
      %exp3A_288 = math.exp %select_n3A_287 : vector<16xf32>
      %mul3A_289 = vector.broadcast %convert_element_type3A_213 : f32 to vector<16xf32>
      %mul3A_290 = arith.mulf %exp3A_288, %mul3A_289 : vector<16xf32>
      %swap3A_291 = arith.constant 48 : index
      %swap3A_292 = tpu.vector_load %arg15[%swap3A_291] {strides = array<i32>} : memref<128xf32, #tpu.memory_space<vmem>>, vector<16xf32>,
      tpu.vector_store %arg15[%swap3A_291], %mul3A_290 {strides = array<i32>} : memref<128xf32, #tpu.memory_space<vmem>>, vector<16xf32>,
      %get3A_293 = arith.constant 0 : i32
      %get3A_294 = arith.index_cast %get3A_293 : i32 to index
      %get3A_295 = arith.constant 64 : index
      %get3A_296 = tpu.vector_load %arg13[%get3A_294, %get3A_295] {strides = array<i32>} : memref<2x128xf32, #tpu.memory_space<vmem>>, vector<16xf32>,
      %get3A_297 = arith.constant 0 : i32
      %get3A_298 = arith.index_cast %get3A_297 : i32 to index
      %get3A_299 = arith.constant 64 : index
      %get3A_300 = tpu.vector_load %arg14[%get3A_298, %get3A_299] {strides = array<i32>} : memref<2x128xf32, #tpu.memory_space<vmem>>, vector<16xf32>,
      %add3A_301 = arith.addf %get3A_296, %get3A_300 : vector<16xf32>
      %gt3A_302 = arith.constant 0.000000e+00 : f32
      %gt3A_303 = vector.broadcast %gt3A_302 : f32 to vector<16xf32>
      %gt3A_304 = arith.cmpf ogt, %add3A_301, %gt3A_303 : vector<16xf32>
      %mul3A_305 = arith.constant 2.000000e-01 : f32
      %mul3A_306 = vector.broadcast %mul3A_305 : f32 to vector<16xf32>
      %mul3A_307 = arith.mulf %mul3A_306, %add3A_301 : vector<16xf32>
      %select_n3A_308 = arith.select %gt3A_304, %add3A_301, %mul3A_307 : vector<16xi1>, vector<16xf32>
      %exp3A_309 = math.exp %select_n3A_308 : vector<16xf32>
      %mul3A_310 = vector.broadcast %convert_element_type3A_213 : f32 to vector<16xf32>
      %mul3A_311 = arith.mulf %exp3A_309, %mul3A_310 : vector<16xf32>
      %swap3A_312 = arith.constant 64 : index
      %swap3A_313 = tpu.vector_load %arg15[%swap3A_312] {strides = array<i32>} : memref<128xf32, #tpu.memory_space<vmem>>, vector<16xf32>,
      tpu.vector_store %arg15[%swap3A_312], %mul3A_311 {strides = array<i32>} : memref<128xf32, #tpu.memory_space<vmem>>, vector<16xf32>,
      %get3A_314 = arith.constant 0 : i32
      %get3A_315 = arith.index_cast %get3A_314 : i32 to index
      %get3A_316 = arith.constant 80 : index
      %get3A_317 = tpu.vector_load %arg13[%get3A_315, %get3A_316] {strides = array<i32>} : memref<2x128xf32, #tpu.memory_space<vmem>>, vector<16xf32>,
      %get3A_318 = arith.constant 0 : i32
      %get3A_319 = arith.index_cast %get3A_318 : i32 to index
      %get3A_320 = arith.constant 80 : index
      %get3A_321 = tpu.vector_load %arg14[%get3A_319, %get3A_320] {strides = array<i32>} : memref<2x128xf32, #tpu.memory_space<vmem>>, vector<16xf32>,
      %add3A_322 = arith.addf %get3A_317, %get3A_321 : vector<16xf32>
      %gt3A_323 = arith.constant 0.000000e+00 : f32
      %gt3A_324 = vector.broadcast %gt3A_323 : f32 to vector<16xf32>
      %gt3A_325 = arith.cmpf ogt, %add3A_322, %gt3A_324 : vector<16xf32>
      %mul3A_326 = arith.constant 2.000000e-01 : f32
      %mul3A_327 = vector.broadcast %mul3A_326 : f32 to vector<16xf32>
      %mul3A_328 = arith.mulf %mul3A_327, %add3A_322 : vector<16xf32>
      %select_n3A_329 = arith.select %gt3A_325, %add3A_322, %mul3A_328 : vector<16xi1>, vector<16xf32>
      %exp3A_330 = math.exp %select_n3A_329 : vector<16xf32>
      %mul3A_331 = vector.broadcast %convert_element_type3A_213 : f32 to vector<16xf32>
      %mul3A_332 = arith.mulf %exp3A_330, %mul3A_331 : vector<16xf32>
      %swap3A_333 = arith.constant 80 : index
      %swap3A_334 = tpu.vector_load %arg15[%swap3A_333] {strides = array<i32>} : memref<128xf32, #tpu.memory_space<vmem>>, vector<16xf32>,
      tpu.vector_store %arg15[%swap3A_333], %mul3A_332 {strides = array<i32>} : memref<128xf32, #tpu.memory_space<vmem>>, vector<16xf32>,
      %get3A_335 = arith.constant 0 : i32
      %get3A_336 = arith.index_cast %get3A_335 : i32 to index
      %get3A_337 = arith.constant 96 : index
      %get3A_338 = tpu.vector_load %arg13[%get3A_336, %get3A_337] {strides = array<i32>} : memref<2x128xf32, #tpu.memory_space<vmem>>, vector<16xf32>,
      %get3A_339 = arith.constant 0 : i32
      %get3A_340 = arith.index_cast %get3A_339 : i32 to index
      %get3A_341 = arith.constant 96 : index
      %get3A_342 = tpu.vector_load %arg14[%get3A_340, %get3A_341] {strides = array<i32>} : memref<2x128xf32, #tpu.memory_space<vmem>>, vector<16xf32>,
      %add3A_343 = arith.addf %get3A_338, %get3A_342 : vector<16xf32>
      %gt3A_344 = arith.constant 0.000000e+00 : f32
      %gt3A_345 = vector.broadcast %gt3A_344 : f32 to vector<16xf32>
      %gt3A_346 = arith.cmpf ogt, %add3A_343, %gt3A_345 : vector<16xf32>
      %mul3A_347 = arith.constant 2.000000e-01 : f32
      %mul3A_348 = vector.broadcast %mul3A_347 : f32 to vector<16xf32>
      %mul3A_349 = arith.mulf %mul3A_348, %add3A_343 : vector<16xf32>
      %select_n3A_350 = arith.select %gt3A_346, %add3A_343, %mul3A_349 : vector<16xi1>, vector<16xf32>
      %exp3A_351 = math.exp %select_n3A_350 : vector<16xf32>
      %mul3A_352 = vector.broadcast %convert_element_type3A_213 : f32 to vector<16xf32>
      %mul3A_353 = arith.mulf %exp3A_351, %mul3A_352 : vector<16xf32>
      %swap3A_354 = arith.constant 96 : index
      %swap3A_355 = tpu.vector_load %arg15[%swap3A_354] {strides = array<i32>} : memref<128xf32, #tpu.memory_space<vmem>>, vector<16xf32>,
      tpu.vector_store %arg15[%swap3A_354], %mul3A_353 {strides = array<i32>} : memref<128xf32, #tpu.memory_space<vmem>>, vector<16xf32>,
      %get3A_356 = arith.constant 0 : i32
      %get3A_357 = arith.index_cast %get3A_356 : i32 to index
      %get3A_358 = arith.constant 112 : index
      %get3A_359 = tpu.vector_load %arg13[%get3A_357, %get3A_358] {strides = array<i32>} : memref<2x128xf32, #tpu.memory_space<vmem>>, vector<16xf32>,
      %get3A_360 = arith.constant 0 : i32
      %get3A_361 = arith.index_cast %get3A_360 : i32 to index
      %get3A_362 = arith.constant 112 : index
      %get3A_363 = tpu.vector_load %arg14[%get3A_361, %get3A_362] {strides = array<i32>} : memref<2x128xf32, #tpu.memory_space<vmem>>, vector<16xf32>,
      %add3A_364 = arith.addf %get3A_359, %get3A_363 : vector<16xf32>
      %gt3A_365 = arith.constant 0.000000e+00 : f32
      %gt3A_366 = vector.broadcast %gt3A_365 : f32 to vector<16xf32>
      %gt3A_367 = arith.cmpf ogt, %add3A_364, %gt3A_366 : vector<16xf32>
      %mul3A_368 = arith.constant 2.000000e-01 : f32
      %mul3A_369 = vector.broadcast %mul3A_368 : f32 to vector<16xf32>
      %mul3A_370 = arith.mulf %mul3A_369, %add3A_364 : vector<16xf32>
      %select_n3A_371 = arith.select %gt3A_367, %add3A_364, %mul3A_370 : vector<16xi1>, vector<16xf32>
      %exp3A_372 = math.exp %select_n3A_371 : vector<16xf32>
      %mul3A_373 = vector.broadcast %convert_element_type3A_213 : f32 to vector<16xf32>
      %mul3A_374 = arith.mulf %exp3A_372, %mul3A_373 : vector<16xf32>
      %swap3A_375 = arith.constant 112 : index
      %swap3A_376 = tpu.vector_load %arg15[%swap3A_375] {strides = array<i32>} : memref<128xf32, #tpu.memory_space<vmem>>, vector<16xf32>,
      tpu.vector_store %arg15[%swap3A_375], %mul3A_374 {strides = array<i32>} : memref<128xf32, #tpu.memory_space<vmem>>, vector<16xf32>,
      %parallel_loop3A = arith.constant 0 : i32
      %parallel_loop3A_377 = arith.constant 128 : i32
      %parallel_loop3A_378 = arith.constant 1 : i32
      scf.for %parallel_loop3A_618 = %parallel_loop3A to %parallel_loop3A_377 step %parallel_loop3A_378  : i32 {
        %parallel_loop3A_619 = vector.broadcast %parallel_loop3A_618 : i32 to vector<16xi32>
        %parallel_loop3A_620 = tpu.vector_load_idx %arg15[%parallel_loop3A_619] : memref<128xf32, #tpu.memory_space<vmem>>[vector<16xi32>], vector<16xf32>,
        %parallel_loop3A_621 = arith.constant 0 : i32
        %parallel_loop3A_622 = arith.index_cast %parallel_loop3A_621 : i32 to index
        %parallel_loop3A_623 = arith.index_cast %parallel_loop3A_618 : i32 to index
        %parallel_loop3A_624 = arith.constant 0 : index
        %parallel_loop3A_625 = tpu.vector_load %arg11[%parallel_loop3A_622, %parallel_loop3A_623, %parallel_loop3A_624] {strides = array<i32>} : memref<2x128x64xi32, #tpu.memory_space<vmem>>, vector<16xi32>,
        %parallel_loop3A_626 = vector.bitcast %parallel_loop3A_625 : vector<16xi32> to vector<32xbf16>
        %parallel_loop3A_627 = tpu.unpack_subelements %parallel_loop3A_626, 0 {pack_format = #tpu.pack_format<interleaved>} : vector<32xbf16> -> vector<16xf32>
        %parallel_loop3A_628 = tpu.unpack_subelements %parallel_loop3A_626, 1 {pack_format = #tpu.pack_format<interleaved>} : vector<32xbf16> -> vector<16xf32>
        %parallel_loop3A_629 = arith.mulf %parallel_loop3A_627, %parallel_loop3A_620 : vector<16xf32>
        %parallel_loop3A_630 = arith.index_cast %parallel_loop3A_618 : i32 to index
        %parallel_loop3A_631 = arith.constant 0 : index
        %parallel_loop3A_632 = tpu.vector_load %arg12[%parallel_loop3A_630, %parallel_loop3A_631] {strides = array<i32>} : memref<128x128xf32, #tpu.memory_space<vmem>>, vector<16xf32>,
        tpu.vector_store %arg12[%parallel_loop3A_630, %parallel_loop3A_631], %parallel_loop3A_629 {strides = array<i32>} : memref<128x128xf32, #tpu.memory_space<vmem>>, vector<16xf32>,
        %parallel_loop3A_633 = arith.mulf %parallel_loop3A_628, %parallel_loop3A_620 : vector<16xf32>
        %parallel_loop3A_634 = arith.index_cast %parallel_loop3A_618 : i32 to index
        %parallel_loop3A_635 = arith.constant 64 : index
        %parallel_loop3A_636 = tpu.vector_load %arg12[%parallel_loop3A_634, %parallel_loop3A_635] {strides = array<i32>} : memref<128x128xf32, #tpu.memory_space<vmem>>, vector<16xf32>,
        tpu.vector_store %arg12[%parallel_loop3A_634, %parallel_loop3A_635], %parallel_loop3A_633 {strides = array<i32>} : memref<128x128xf32, #tpu.memory_space<vmem>>, vector<16xf32>,
        %parallel_loop3A_637 = arith.constant 0 : i32
        %parallel_loop3A_638 = arith.index_cast %parallel_loop3A_637 : i32 to index
        %parallel_loop3A_639 = arith.index_cast %parallel_loop3A_618 : i32 to index
        %parallel_loop3A_640 = arith.constant 16 : index
        %parallel_loop3A_641 = tpu.vector_load %arg11[%parallel_loop3A_638, %parallel_loop3A_639, %parallel_loop3A_640] {strides = array<i32>} : memref<2x128x64xi32, #tpu.memory_space<vmem>>, vector<16xi32>,
        %parallel_loop3A_642 = vector.bitcast %parallel_loop3A_641 : vector<16xi32> to vector<32xbf16>
        %parallel_loop3A_643 = tpu.unpack_subelements %parallel_loop3A_642, 0 {pack_format = #tpu.pack_format<interleaved>} : vector<32xbf16> -> vector<16xf32>
        %parallel_loop3A_644 = tpu.unpack_subelements %parallel_loop3A_642, 1 {pack_format = #tpu.pack_format<interleaved>} : vector<32xbf16> -> vector<16xf32>
        %parallel_loop3A_645 = arith.mulf %parallel_loop3A_643, %parallel_loop3A_620 : vector<16xf32>
        %parallel_loop3A_646 = arith.index_cast %parallel_loop3A_618 : i32 to index
        %parallel_loop3A_647 = arith.constant 16 : index
        %parallel_loop3A_648 = tpu.vector_load %arg12[%parallel_loop3A_646, %parallel_loop3A_647] {strides = array<i32>} : memref<128x128xf32, #tpu.memory_space<vmem>>, vector<16xf32>,
        tpu.vector_store %arg12[%parallel_loop3A_646, %parallel_loop3A_647], %parallel_loop3A_645 {strides = array<i32>} : memref<128x128xf32, #tpu.memory_space<vmem>>, vector<16xf32>,
        %parallel_loop3A_649 = arith.mulf %parallel_loop3A_644, %parallel_loop3A_620 : vector<16xf32>
        %parallel_loop3A_650 = arith.index_cast %parallel_loop3A_618 : i32 to index
        %parallel_loop3A_651 = arith.constant 80 : index
        %parallel_loop3A_652 = tpu.vector_load %arg12[%parallel_loop3A_650, %parallel_loop3A_651] {strides = array<i32>} : memref<128x128xf32, #tpu.memory_space<vmem>>, vector<16xf32>,
        tpu.vector_store %arg12[%parallel_loop3A_650, %parallel_loop3A_651], %parallel_loop3A_649 {strides = array<i32>} : memref<128x128xf32, #tpu.memory_space<vmem>>, vector<16xf32>,
        %parallel_loop3A_653 = arith.constant 0 : i32
        %parallel_loop3A_654 = arith.index_cast %parallel_loop3A_653 : i32 to index
        %parallel_loop3A_655 = arith.index_cast %parallel_loop3A_618 : i32 to index
        %parallel_loop3A_656 = arith.constant 32 : index
        %parallel_loop3A_657 = tpu.vector_load %arg11[%parallel_loop3A_654, %parallel_loop3A_655, %parallel_loop3A_656] {strides = array<i32>} : memref<2x128x64xi32, #tpu.memory_space<vmem>>, vector<16xi32>,
        %parallel_loop3A_658 = vector.bitcast %parallel_loop3A_657 : vector<16xi32> to vector<32xbf16>
        %parallel_loop3A_659 = tpu.unpack_subelements %parallel_loop3A_658, 0 {pack_format = #tpu.pack_format<interleaved>} : vector<32xbf16> -> vector<16xf32>
        %parallel_loop3A_660 = tpu.unpack_subelements %parallel_loop3A_658, 1 {pack_format = #tpu.pack_format<interleaved>} : vector<32xbf16> -> vector<16xf32>
        %parallel_loop3A_661 = arith.mulf %parallel_loop3A_659, %parallel_loop3A_620 : vector<16xf32>
        %parallel_loop3A_662 = arith.index_cast %parallel_loop3A_618 : i32 to index
        %parallel_loop3A_663 = arith.constant 32 : index
        %parallel_loop3A_664 = tpu.vector_load %arg12[%parallel_loop3A_662, %parallel_loop3A_663] {strides = array<i32>} : memref<128x128xf32, #tpu.memory_space<vmem>>, vector<16xf32>,
        tpu.vector_store %arg12[%parallel_loop3A_662, %parallel_loop3A_663], %parallel_loop3A_661 {strides = array<i32>} : memref<128x128xf32, #tpu.memory_space<vmem>>, vector<16xf32>,
        %parallel_loop3A_665 = arith.mulf %parallel_loop3A_660, %parallel_loop3A_620 : vector<16xf32>
        %parallel_loop3A_666 = arith.index_cast %parallel_loop3A_618 : i32 to index
        %parallel_loop3A_667 = arith.constant 96 : index
        %parallel_loop3A_668 = tpu.vector_load %arg12[%parallel_loop3A_666, %parallel_loop3A_667] {strides = array<i32>} : memref<128x128xf32, #tpu.memory_space<vmem>>, vector<16xf32>,
        tpu.vector_store %arg12[%parallel_loop3A_666, %parallel_loop3A_667], %parallel_loop3A_665 {strides = array<i32>} : memref<128x128xf32, #tpu.memory_space<vmem>>, vector<16xf32>,
        %parallel_loop3A_669 = arith.constant 0 : i32
        %parallel_loop3A_670 = arith.index_cast %parallel_loop3A_669 : i32 to index
        %parallel_loop3A_671 = arith.index_cast %parallel_loop3A_618 : i32 to index
        %parallel_loop3A_672 = arith.constant 48 : index
        %parallel_loop3A_673 = tpu.vector_load %arg11[%parallel_loop3A_670, %parallel_loop3A_671, %parallel_loop3A_672] {strides = array<i32>} : memref<2x128x64xi32, #tpu.memory_space<vmem>>, vector<16xi32>,
        %parallel_loop3A_674 = vector.bitcast %parallel_loop3A_673 : vector<16xi32> to vector<32xbf16>
        %parallel_loop3A_675 = tpu.unpack_subelements %parallel_loop3A_674, 0 {pack_format = #tpu.pack_format<interleaved>} : vector<32xbf16> -> vector<16xf32>
        %parallel_loop3A_676 = tpu.unpack_subelements %parallel_loop3A_674, 1 {pack_format = #tpu.pack_format<interleaved>} : vector<32xbf16> -> vector<16xf32>
        %parallel_loop3A_677 = arith.mulf %parallel_loop3A_675, %parallel_loop3A_620 : vector<16xf32>
        %parallel_loop3A_678 = arith.index_cast %parallel_loop3A_618 : i32 to index
        %parallel_loop3A_679 = arith.constant 48 : index
        %parallel_loop3A_680 = tpu.vector_load %arg12[%parallel_loop3A_678, %parallel_loop3A_679] {strides = array<i32>} : memref<128x128xf32, #tpu.memory_space<vmem>>, vector<16xf32>,
        tpu.vector_store %arg12[%parallel_loop3A_678, %parallel_loop3A_679], %parallel_loop3A_677 {strides = array<i32>} : memref<128x128xf32, #tpu.memory_space<vmem>>, vector<16xf32>,
        %parallel_loop3A_681 = arith.mulf %parallel_loop3A_676, %parallel_loop3A_620 : vector<16xf32>
        %parallel_loop3A_682 = arith.index_cast %parallel_loop3A_618 : i32 to index
        %parallel_loop3A_683 = arith.constant 112 : index
        %parallel_loop3A_684 = tpu.vector_load %arg12[%parallel_loop3A_682, %parallel_loop3A_683] {strides = array<i32>} : memref<128x128xf32, #tpu.memory_space<vmem>>, vector<16xf32>,
        tpu.vector_store %arg12[%parallel_loop3A_682, %parallel_loop3A_683], %parallel_loop3A_681 {strides = array<i32>} : memref<128x128xf32, #tpu.memory_space<vmem>>, vector<16xf32>,
      } {sc.loop_unroll_factor = 8 : i64, sc.parallel_access}
      %run_scoped3A = arith.constant 0 : i32
      "tpu.region"() ({
        %run_scoped3A_618 = tpu.sem_alloc : memref<!tpu.dma_semaphore, #tpu.memory_space<semaphore_mem>>
        %dma_start3A_619 = arith.constant 0 : i32
        %dma_start3A_620 = tpu.memref_slice %arg9[%run_scoped3A, %dma_start3A_619] : memref<2x128xi32, #tpu.memory_space<vmem>> -> memref<1x128xi32, #tpu.memory_space<vmem>>
        %dma_start3A_621 = tpu.memref_squeeze %dma_start3A_620 : memref<1x128xi32, #tpu.memory_space<vmem>> -> memref<128xi32, #tpu.memory_space<vmem>>
        %dma_start3A_622 = arith.constant 0 : i32
        %dma_start3A_623 = arith.constant 0 : i32
        %dma_start3A_624 = tpu.memref_slice %arg17[%dma_start3A_622, %dma_start3A_623] : memref<10240x128xf32, #tpu.memory_space<vmem_shared>> -> memref<10240x128xf32, #tpu.memory_space<vmem_shared>>
        tpu.enqueue_indirect_dma source(%arg12 : memref<128x128xf32, #tpu.memory_space<vmem>>) target(%dma_start3A_624 : memref<10240x128xf32, #tpu.memory_space<vmem_shared>>) offsets(%dma_start3A_621 : memref<128xi32, #tpu.memory_space<vmem>>) semaphore(%run_scoped3A_618 : memref<!tpu.dma_semaphore, #tpu.memory_space<semaphore_mem>>) {add = true}
        %dma_wait3A_625 = arith.constant 0 : i32
        %dma_wait3A_626 = tpu.memref_slice %arg9[%run_scoped3A, %dma_wait3A_625] : memref<2x128xi32, #tpu.memory_space<vmem>> -> memref<1x128xi32, #tpu.memory_space<vmem>>
        %dma_wait3A_627 = tpu.memref_squeeze %dma_wait3A_626 : memref<1x128xi32, #tpu.memory_space<vmem>> -> memref<128xi32, #tpu.memory_space<vmem>>
        %dma_wait3A_628 = arith.constant 0 : i32
        %dma_wait3A_629 = arith.constant 0 : i32
        %dma_wait3A_630 = tpu.memref_slice %arg17[%dma_wait3A_628, %dma_wait3A_629] : memref<10240x128xf32, #tpu.memory_space<vmem_shared>> -> memref<10240x128xf32, #tpu.memory_space<vmem_shared>>
        tpu.wait_indirect_dma semaphore(%run_scoped3A_618 : memref<!tpu.dma_semaphore, #tpu.memory_space<semaphore_mem>>) src(%arg12 : memref<128x128xf32, #tpu.memory_space<vmem>>) dst(%dma_wait3A_630 : memref<10240x128xf32, #tpu.memory_space<vmem_shared>>)
        tpu.yield
      }) : () -> ()
      %run_scoped3A_379 = arith.constant 0 : i32
      "tpu.region"() ({
        %run_scoped3A_618 = tpu.sem_alloc : memref<!tpu.dma_semaphore, #tpu.memory_space<semaphore_mem>>
        %dma_start3A_619 = arith.constant 0 : i32
        %dma_start3A_620 = tpu.memref_slice %arg9[%run_scoped3A_379, %dma_start3A_619] : memref<2x128xi32, #tpu.memory_space<vmem>> -> memref<1x128xi32, #tpu.memory_space<vmem>>
        %dma_start3A_621 = tpu.memref_squeeze %dma_start3A_620 : memref<1x128xi32, #tpu.memory_space<vmem>> -> memref<128xi32, #tpu.memory_space<vmem>>
        %dma_start3A_622 = arith.constant 0 : i32
        %dma_start3A_623 = tpu.memref_slice %arg18[%dma_start3A_622] : memref<10240xf32, #tpu.memory_space<vmem_shared>> -> memref<10240xf32, #tpu.memory_space<vmem_shared>>
        tpu.enqueue_indirect_dma source(%arg15 : memref<128xf32, #tpu.memory_space<vmem>>) target(%dma_start3A_623 : memref<10240xf32, #tpu.memory_space<vmem_shared>>) offsets(%dma_start3A_621 : memref<128xi32, #tpu.memory_space<vmem>>) semaphore(%run_scoped3A_618 : memref<!tpu.dma_semaphore, #tpu.memory_space<semaphore_mem>>) {add = true}
        %dma_wait3A_624 = arith.constant 0 : i32
        %dma_wait3A_625 = tpu.memref_slice %arg9[%run_scoped3A_379, %dma_wait3A_624] : memref<2x128xi32, #tpu.memory_space<vmem>> -> memref<1x128xi32, #tpu.memory_space<vmem>>
        %dma_wait3A_626 = tpu.memref_squeeze %dma_wait3A_625 : memref<1x128xi32, #tpu.memory_space<vmem>> -> memref<128xi32, #tpu.memory_space<vmem>>
        %dma_wait3A_627 = arith.constant 0 : i32
        %dma_wait3A_628 = tpu.memref_slice %arg18[%dma_wait3A_627] : memref<10240xf32, #tpu.memory_space<vmem_shared>> -> memref<10240xf32, #tpu.memory_space<vmem_shared>>
        tpu.wait_indirect_dma semaphore(%run_scoped3A_618 : memref<!tpu.dma_semaphore, #tpu.memory_space<semaphore_mem>>) src(%arg15 : memref<128xf32, #tpu.memory_space<vmem>>) dst(%dma_wait3A_628 : memref<10240xf32, #tpu.memory_space<vmem_shared>>)
        tpu.yield
      }) : () -> ()
      %add3A_380 = arith.constant 2 : i32
      %add3A_381 = arith.addi %mul3A_170, %add3A_380 : i32
      %lt3A_382 = arith.constant 80 : i32
      %lt3A_383 = arith.cmpi slt, %add3A_381, %lt3A_382 : i32
      %convert_element_type3A_384 = arith.extui %lt3A_383 : i1 to i32
      %cond3A_385 = arith.constant 0 : i32
      %cond3A_386 = arith.cmpi ne, %convert_element_type3A_384, %cond3A_385 : i32
      scf.if %cond3A_386 {
        %add3A_618 = arith.constant 2 : i32
        %add3A_619 = arith.addi %mul3A_170, %add3A_618 : i32
        %mul3A_620 = arith.constant 80 : i32
        %mul3A_621 = arith.muli %add3A, %mul3A_620 : i32
        %add3A_622 = arith.addi %mul3A_621, %add3A_619 : i32
        %dma_start3A_623 = arith.constant 0 : i32
        %dma_start3A_624 = arith.constant 0 : i32
        %dma_start3A_625 = tpu.memref_slice %arg9[%dma_start3A_623, %dma_start3A_624] : memref<2x128xi32, #tpu.memory_space<vmem>> -> memref<1x128xi32, #tpu.memory_space<vmem>>
        %dma_start3A_626 = tpu.memref_squeeze %dma_start3A_625 : memref<1x128xi32, #tpu.memory_space<vmem>> -> memref<128xi32, #tpu.memory_space<vmem>>
        %dma_start3A_627 = arith.constant 0 : i32
        %dma_start3A_628 = tpu.memref_slice %arg5[%add3A_622, %dma_start3A_627] : memref<2560x128xi32, #tpu.memory_space<hbm>> -> memref<1x128xi32, #tpu.memory_space<hbm>>
        %dma_start3A_629 = tpu.memref_squeeze %dma_start3A_628 : memref<1x128xi32, #tpu.memory_space<hbm>> -> memref<128xi32, #tpu.memory_space<hbm>>
        %dma_start3A_630 = arith.constant 0 : i32
        %dma_start3A_631 = tpu.memref_slice %arg9[%dma_start3A_623, %dma_start3A_630] : memref<2x128xi32, #tpu.memory_space<vmem>> -> memref<1x128xi32, #tpu.memory_space<vmem>>
        %dma_start3A_632 = tpu.memref_squeeze %dma_start3A_631 : memref<1x128xi32, #tpu.memory_space<vmem>> -> memref<128xi32, #tpu.memory_space<vmem>>
        %dma_start3A_633 = arith.constant 0 : i32
        %dma_start3A_634 = tpu.memref_slice %arg5[%add3A_622, %dma_start3A_633] : memref<2560x128xi32, #tpu.memory_space<hbm>> -> memref<1x128xi32, #tpu.memory_space<hbm>>
        %dma_start3A_635 = tpu.memref_squeeze %dma_start3A_634 : memref<1x128xi32, #tpu.memory_space<hbm>> -> memref<128xi32, #tpu.memory_space<hbm>>
        tpu.enqueue_dma source(%dma_start3A_635 : memref<128xi32, #tpu.memory_space<hbm>>) target(%dma_start3A_632 : memref<128xi32, #tpu.memory_space<vmem>>) target_semaphore(%arg21 : memref<!tpu.dma_semaphore, #tpu.memory_space<semaphore_mem>>)
        %mul3A_636 = arith.constant 80 : i32
        %mul3A_637 = arith.muli %add3A, %mul3A_636 : i32
        %add3A_638 = arith.addi %mul3A_637, %add3A_619 : i32
        %dma_start3A_639 = arith.constant 0 : i32
        %dma_start3A_640 = arith.constant 0 : i32
        %dma_start3A_641 = tpu.memref_slice %arg10[%dma_start3A_639, %dma_start3A_640] : memref<2x128xi32, #tpu.memory_space<vmem>> -> memref<1x128xi32, #tpu.memory_space<vmem>>
        %dma_start3A_642 = tpu.memref_squeeze %dma_start3A_641 : memref<1x128xi32, #tpu.memory_space<vmem>> -> memref<128xi32, #tpu.memory_space<vmem>>
        %dma_start3A_643 = arith.constant 0 : i32
        %dma_start3A_644 = tpu.memref_slice %arg6[%add3A_638, %dma_start3A_643] : memref<2560x128xi32, #tpu.memory_space<hbm>> -> memref<1x128xi32, #tpu.memory_space<hbm>>
        %dma_start3A_645 = tpu.memref_squeeze %dma_start3A_644 : memref<1x128xi32, #tpu.memory_space<hbm>> -> memref<128xi32, #tpu.memory_space<hbm>>
        %dma_start3A_646 = arith.constant 0 : i32
        %dma_start3A_647 = tpu.memref_slice %arg10[%dma_start3A_639, %dma_start3A_646] : memref<2x128xi32, #tpu.memory_space<vmem>> -> memref<1x128xi32, #tpu.memory_space<vmem>>
        %dma_start3A_648 = tpu.memref_squeeze %dma_start3A_647 : memref<1x128xi32, #tpu.memory_space<vmem>> -> memref<128xi32, #tpu.memory_space<vmem>>
        %dma_start3A_649 = arith.constant 0 : i32
        %dma_start3A_650 = tpu.memref_slice %arg6[%add3A_638, %dma_start3A_649] : memref<2560x128xi32, #tpu.memory_space<hbm>> -> memref<1x128xi32, #tpu.memory_space<hbm>>
        %dma_start3A_651 = tpu.memref_squeeze %dma_start3A_650 : memref<1x128xi32, #tpu.memory_space<hbm>> -> memref<128xi32, #tpu.memory_space<hbm>>
        tpu.enqueue_dma source(%dma_start3A_651 : memref<128xi32, #tpu.memory_space<hbm>>) target(%dma_start3A_648 : memref<128xi32, #tpu.memory_space<vmem>>) target_semaphore(%arg21 : memref<!tpu.dma_semaphore, #tpu.memory_space<semaphore_mem>>)
      } else {
      }
      %mul3A_387 = arith.constant 2 : i32
      %mul3A_388 = arith.muli %mul3A_387, %scan3A_167 : i32
      %add3A_389 = arith.constant 1 : i32
      %add3A_390 = arith.addi %mul3A_388, %add3A_389 : i32
      %add3A_391 = arith.constant 1 : i32
      %add3A_392 = arith.addi %add3A_390, %add3A_391 : i32
      %lt3A_393 = arith.constant 80 : i32
      %lt3A_394 = arith.cmpi slt, %add3A_392, %lt3A_393 : i32
      %convert_element_type3A_395 = arith.extui %lt3A_394 : i1 to i32
      %cond3A_396 = arith.constant 0 : i32
      %cond3A_397 = arith.cmpi ne, %convert_element_type3A_395, %cond3A_396 : i32
      scf.if %cond3A_397 {
        %add3A_618 = arith.constant 1 : i32
        %add3A_619 = arith.addi %add3A_390, %add3A_618 : i32
        %mul3A_620 = arith.constant 80 : i32
        %mul3A_621 = arith.muli %add3A, %mul3A_620 : i32
        %add3A_622 = arith.addi %mul3A_621, %add3A_619 : i32
        %dma_wait3A_623 = arith.constant 0 : i32
        %dma_wait3A_624 = arith.constant 0 : i32
        %dma_wait3A_625 = tpu.memref_slice %arg9[%dma_wait3A_623, %dma_wait3A_624] : memref<2x128xi32, #tpu.memory_space<vmem>> -> memref<1x128xi32, #tpu.memory_space<vmem>>
        %dma_wait3A_626 = tpu.memref_squeeze %dma_wait3A_625 : memref<1x128xi32, #tpu.memory_space<vmem>> -> memref<128xi32, #tpu.memory_space<vmem>>
        %dma_wait3A_627 = arith.constant 0 : i32
        %dma_wait3A_628 = tpu.memref_slice %arg5[%add3A_622, %dma_wait3A_627] : memref<2560x128xi32, #tpu.memory_space<hbm>> -> memref<1x128xi32, #tpu.memory_space<hbm>>
        %dma_wait3A_629 = tpu.memref_squeeze %dma_wait3A_628 : memref<1x128xi32, #tpu.memory_space<hbm>> -> memref<128xi32, #tpu.memory_space<hbm>>
        %dma_wait3A_630 = arith.constant 0 : i32
        %dma_wait3A_631 = tpu.memref_slice %arg9[%dma_wait3A_623, %dma_wait3A_630] : memref<2x128xi32, #tpu.memory_space<vmem>> -> memref<1x128xi32, #tpu.memory_space<vmem>>
        %dma_wait3A_632 = tpu.memref_squeeze %dma_wait3A_631 : memref<1x128xi32, #tpu.memory_space<vmem>> -> memref<128xi32, #tpu.memory_space<vmem>>
        %dma_wait3A_633 = arith.constant 0 : i32
        %dma_wait3A_634 = tpu.memref_slice %arg5[%add3A_622, %dma_wait3A_633] : memref<2560x128xi32, #tpu.memory_space<hbm>> -> memref<1x128xi32, #tpu.memory_space<hbm>>
        %dma_wait3A_635 = tpu.memref_squeeze %dma_wait3A_634 : memref<1x128xi32, #tpu.memory_space<hbm>> -> memref<128xi32, #tpu.memory_space<hbm>>
        tpu.wait_dma2 semaphore(%arg21 : memref<!tpu.dma_semaphore, #tpu.memory_space<semaphore_mem>>) src(%dma_wait3A_635 : memref<128xi32, #tpu.memory_space<hbm>>) dst(%dma_wait3A_632 : memref<128xi32, #tpu.memory_space<vmem>>)
        %mul3A_636 = arith.constant 80 : i32
        %mul3A_637 = arith.muli %add3A, %mul3A_636 : i32
        %add3A_638 = arith.addi %mul3A_637, %add3A_619 : i32
        %dma_wait3A_639 = arith.constant 0 : i32
        %dma_wait3A_640 = arith.constant 0 : i32
        %dma_wait3A_641 = tpu.memref_slice %arg10[%dma_wait3A_639, %dma_wait3A_640] : memref<2x128xi32, #tpu.memory_space<vmem>> -> memref<1x128xi32, #tpu.memory_space<vmem>>
        %dma_wait3A_642 = tpu.memref_squeeze %dma_wait3A_641 : memref<1x128xi32, #tpu.memory_space<vmem>> -> memref<128xi32, #tpu.memory_space<vmem>>
        %dma_wait3A_643 = arith.constant 0 : i32
        %dma_wait3A_644 = tpu.memref_slice %arg6[%add3A_638, %dma_wait3A_643] : memref<2560x128xi32, #tpu.memory_space<hbm>> -> memref<1x128xi32, #tpu.memory_space<hbm>>
        %dma_wait3A_645 = tpu.memref_squeeze %dma_wait3A_644 : memref<1x128xi32, #tpu.memory_space<hbm>> -> memref<128xi32, #tpu.memory_space<hbm>>
        %dma_wait3A_646 = arith.constant 0 : i32
        %dma_wait3A_647 = tpu.memref_slice %arg10[%dma_wait3A_639, %dma_wait3A_646] : memref<2x128xi32, #tpu.memory_space<vmem>> -> memref<1x128xi32, #tpu.memory_space<vmem>>
        %dma_wait3A_648 = tpu.memref_squeeze %dma_wait3A_647 : memref<1x128xi32, #tpu.memory_space<vmem>> -> memref<128xi32, #tpu.memory_space<vmem>>
        %dma_wait3A_649 = arith.constant 0 : i32
        %dma_wait3A_650 = tpu.memref_slice %arg6[%add3A_638, %dma_wait3A_649] : memref<2560x128xi32, #tpu.memory_space<hbm>> -> memref<1x128xi32, #tpu.memory_space<hbm>>
        %dma_wait3A_651 = tpu.memref_squeeze %dma_wait3A_650 : memref<1x128xi32, #tpu.memory_space<hbm>> -> memref<128xi32, #tpu.memory_space<hbm>>
        tpu.wait_dma2 semaphore(%arg21 : memref<!tpu.dma_semaphore, #tpu.memory_space<semaphore_mem>>) src(%dma_wait3A_651 : memref<128xi32, #tpu.memory_space<hbm>>) dst(%dma_wait3A_648 : memref<128xi32, #tpu.memory_space<vmem>>)
        %add3A_652 = arith.constant 1 : i32
        %add3A_653 = arith.addi %add3A_390, %add3A_652 : i32
        %dma_start3A_654 = arith.constant 0 : i32
        %dma_start3A_655 = arith.constant 0 : i32
        %dma_start3A_656 = arith.constant 0 : i32
        %dma_start3A_657 = arith.constant 0 : i32
        %dma_start3A_658 = tpu.memref_slice %arg11[%dma_start3A_655, %dma_start3A_656, %dma_start3A_657] : memref<2x128x64xi32, #tpu.memory_space<vmem>> -> memref<1x128x64xi32, #tpu.memory_space<vmem>>
        %dma_start3A_659 = tpu.memref_squeeze %dma_start3A_658 : memref<1x128x64xi32, #tpu.memory_space<vmem>> -> memref<128x64xi32, #tpu.memory_space<vmem>>
        %dma_start3A_660 = arith.constant 0 : i32
        %dma_start3A_661 = tpu.memref_slice %arg10[%dma_start3A_654, %dma_start3A_660] : memref<2x128xi32, #tpu.memory_space<vmem>> -> memref<1x128xi32, #tpu.memory_space<vmem>>
        %dma_start3A_662 = tpu.memref_squeeze %dma_start3A_661 : memref<1x128xi32, #tpu.memory_space<vmem>> -> memref<128xi32, #tpu.memory_space<vmem>>
        %dma_start3A_663 = arith.constant 0 : i32
        %dma_start3A_664 = arith.constant 0 : i32
        %dma_start3A_665 = tpu.memref_slice %arg2[%dma_start3A_663, %dma_start3A_664] : memref<10240x64xi32, #tpu.memory_space<hbm>> -> memref<10240x64xi32, #tpu.memory_space<hbm>>
        tpu.enqueue_indirect_dma source(%dma_start3A_665 : memref<10240x64xi32, #tpu.memory_space<hbm>>) target(%dma_start3A_659 : memref<128x64xi32, #tpu.memory_space<vmem>>) offsets(%dma_start3A_662 : memref<128xi32, #tpu.memory_space<vmem>>) semaphore(%arg19 : memref<!tpu.dma_semaphore, #tpu.memory_space<semaphore_mem>>)
        %dma_start3A_666 = arith.constant 0 : i32
        %dma_start3A_667 = arith.constant 0 : i32
        %dma_start3A_668 = arith.constant 0 : i32
        %dma_start3A_669 = tpu.memref_slice %arg13[%dma_start3A_667, %dma_start3A_668] : memref<2x128xf32, #tpu.memory_space<vmem>> -> memref<1x128xf32, #tpu.memory_space<vmem>>
        %dma_start3A_670 = tpu.memref_squeeze %dma_start3A_669 : memref<1x128xf32, #tpu.memory_space<vmem>> -> memref<128xf32, #tpu.memory_space<vmem>>
        %dma_start3A_671 = arith.constant 0 : i32
        %dma_start3A_672 = tpu.memref_slice %arg9[%dma_start3A_666, %dma_start3A_671] : memref<2x128xi32, #tpu.memory_space<vmem>> -> memref<1x128xi32, #tpu.memory_space<vmem>>
        %dma_start3A_673 = tpu.memref_squeeze %dma_start3A_672 : memref<1x128xi32, #tpu.memory_space<vmem>> -> memref<128xi32, #tpu.memory_space<vmem>>
        %dma_start3A_674 = arith.constant 0 : i32
        %dma_start3A_675 = tpu.memref_slice %arg3[%dma_start3A_674] : memref<10240xf32, #tpu.memory_space<hbm>> -> memref<10240xf32, #tpu.memory_space<hbm>>
        tpu.enqueue_indirect_dma source(%dma_start3A_675 : memref<10240xf32, #tpu.memory_space<hbm>>) target(%dma_start3A_670 : memref<128xf32, #tpu.memory_space<vmem>>) offsets(%dma_start3A_673 : memref<128xi32, #tpu.memory_space<vmem>>) semaphore(%arg19 : memref<!tpu.dma_semaphore, #tpu.memory_space<semaphore_mem>>)
        %dma_start3A_676 = arith.constant 0 : i32
        %dma_start3A_677 = arith.constant 0 : i32
        %dma_start3A_678 = arith.constant 0 : i32
        %dma_start3A_679 = tpu.memref_slice %arg14[%dma_start3A_677, %dma_start3A_678] : memref<2x128xf32, #tpu.memory_space<vmem>> -> memref<1x128xf32, #tpu.memory_space<vmem>>
        %dma_start3A_680 = tpu.memref_squeeze %dma_start3A_679 : memref<1x128xf32, #tpu.memory_space<vmem>> -> memref<128xf32, #tpu.memory_space<vmem>>
        %dma_start3A_681 = arith.constant 0 : i32
        %dma_start3A_682 = tpu.memref_slice %arg10[%dma_start3A_676, %dma_start3A_681] : memref<2x128xi32, #tpu.memory_space<vmem>> -> memref<1x128xi32, #tpu.memory_space<vmem>>
        %dma_start3A_683 = tpu.memref_squeeze %dma_start3A_682 : memref<1x128xi32, #tpu.memory_space<vmem>> -> memref<128xi32, #tpu.memory_space<vmem>>
        %dma_start3A_684 = arith.constant 0 : i32
        %dma_start3A_685 = tpu.memref_slice %arg4[%dma_start3A_684] : memref<10240xf32, #tpu.memory_space<hbm>> -> memref<10240xf32, #tpu.memory_space<hbm>>
        tpu.enqueue_indirect_dma source(%dma_start3A_685 : memref<10240xf32, #tpu.memory_space<hbm>>) target(%dma_start3A_680 : memref<128xf32, #tpu.memory_space<vmem>>) offsets(%dma_start3A_683 : memref<128xi32, #tpu.memory_space<vmem>>) semaphore(%arg19 : memref<!tpu.dma_semaphore, #tpu.memory_space<semaphore_mem>>)
      } else {
      }
      %dma_wait3A_398 = arith.constant 1 : i32
      %dma_wait3A_399 = arith.constant 1 : i32
      %dma_wait3A_400 = arith.constant 0 : i32
      %dma_wait3A_401 = arith.constant 0 : i32
      %dma_wait3A_402 = tpu.memref_slice %arg11[%dma_wait3A_399, %dma_wait3A_400, %dma_wait3A_401] : memref<2x128x64xi32, #tpu.memory_space<vmem>> -> memref<1x128x64xi32, #tpu.memory_space<vmem>>
      %dma_wait3A_403 = tpu.memref_squeeze %dma_wait3A_402 : memref<1x128x64xi32, #tpu.memory_space<vmem>> -> memref<128x64xi32, #tpu.memory_space<vmem>>
      %dma_wait3A_404 = arith.constant 0 : i32
      %dma_wait3A_405 = tpu.memref_slice %arg10[%dma_wait3A_398, %dma_wait3A_404] : memref<2x128xi32, #tpu.memory_space<vmem>> -> memref<1x128xi32, #tpu.memory_space<vmem>>
      %dma_wait3A_406 = tpu.memref_squeeze %dma_wait3A_405 : memref<1x128xi32, #tpu.memory_space<vmem>> -> memref<128xi32, #tpu.memory_space<vmem>>
      %dma_wait3A_407 = arith.constant 0 : i32
      %dma_wait3A_408 = arith.constant 0 : i32
      %dma_wait3A_409 = tpu.memref_slice %arg2[%dma_wait3A_407, %dma_wait3A_408] : memref<10240x64xi32, #tpu.memory_space<hbm>> -> memref<10240x64xi32, #tpu.memory_space<hbm>>
      tpu.wait_indirect_dma semaphore(%arg20 : memref<!tpu.dma_semaphore, #tpu.memory_space<semaphore_mem>>) src(%dma_wait3A_409 : memref<10240x64xi32, #tpu.memory_space<hbm>>) dst(%dma_wait3A_403 : memref<128x64xi32, #tpu.memory_space<vmem>>)
      %dma_wait3A_410 = arith.constant 1 : i32
      %dma_wait3A_411 = arith.constant 1 : i32
      %dma_wait3A_412 = arith.constant 0 : i32
      %dma_wait3A_413 = tpu.memref_slice %arg13[%dma_wait3A_411, %dma_wait3A_412] : memref<2x128xf32, #tpu.memory_space<vmem>> -> memref<1x128xf32, #tpu.memory_space<vmem>>
      %dma_wait3A_414 = tpu.memref_squeeze %dma_wait3A_413 : memref<1x128xf32, #tpu.memory_space<vmem>> -> memref<128xf32, #tpu.memory_space<vmem>>
      %dma_wait3A_415 = arith.constant 0 : i32
      %dma_wait3A_416 = tpu.memref_slice %arg9[%dma_wait3A_410, %dma_wait3A_415] : memref<2x128xi32, #tpu.memory_space<vmem>> -> memref<1x128xi32, #tpu.memory_space<vmem>>
      %dma_wait3A_417 = tpu.memref_squeeze %dma_wait3A_416 : memref<1x128xi32, #tpu.memory_space<vmem>> -> memref<128xi32, #tpu.memory_space<vmem>>
      %dma_wait3A_418 = arith.constant 0 : i32
      %dma_wait3A_419 = tpu.memref_slice %arg3[%dma_wait3A_418] : memref<10240xf32, #tpu.memory_space<hbm>> -> memref<10240xf32, #tpu.memory_space<hbm>>
      tpu.wait_indirect_dma semaphore(%arg20 : memref<!tpu.dma_semaphore, #tpu.memory_space<semaphore_mem>>) src(%dma_wait3A_419 : memref<10240xf32, #tpu.memory_space<hbm>>) dst(%dma_wait3A_414 : memref<128xf32, #tpu.memory_space<vmem>>)
      %dma_wait3A_420 = arith.constant 1 : i32
      %dma_wait3A_421 = arith.constant 1 : i32
      %dma_wait3A_422 = arith.constant 0 : i32
      %dma_wait3A_423 = tpu.memref_slice %arg14[%dma_wait3A_421, %dma_wait3A_422] : memref<2x128xf32, #tpu.memory_space<vmem>> -> memref<1x128xf32, #tpu.memory_space<vmem>>
      %dma_wait3A_424 = tpu.memref_squeeze %dma_wait3A_423 : memref<1x128xf32, #tpu.memory_space<vmem>> -> memref<128xf32, #tpu.memory_space<vmem>>
      %dma_wait3A_425 = arith.constant 0 : i32
      %dma_wait3A_426 = tpu.memref_slice %arg10[%dma_wait3A_420, %dma_wait3A_425] : memref<2x128xi32, #tpu.memory_space<vmem>> -> memref<1x128xi32, #tpu.memory_space<vmem>>
      %dma_wait3A_427 = tpu.memref_squeeze %dma_wait3A_426 : memref<1x128xi32, #tpu.memory_space<vmem>> -> memref<128xi32, #tpu.memory_space<vmem>>
      %dma_wait3A_428 = arith.constant 0 : i32
      %dma_wait3A_429 = tpu.memref_slice %arg4[%dma_wait3A_428] : memref<10240xf32, #tpu.memory_space<hbm>> -> memref<10240xf32, #tpu.memory_space<hbm>>
      tpu.wait_indirect_dma semaphore(%arg20 : memref<!tpu.dma_semaphore, #tpu.memory_space<semaphore_mem>>) src(%dma_wait3A_429 : memref<10240xf32, #tpu.memory_space<hbm>>) dst(%dma_wait3A_424 : memref<128xf32, #tpu.memory_space<vmem>>)
      %mul3A_430 = arith.constant 80 : i32
      %mul3A_431 = arith.muli %add3A, %mul3A_430 : i32
      %add3A_432 = arith.addi %mul3A_431, %add3A_390 : i32
      %lt3A_433 = arith.constant 2500 : i32
      %lt3A_434 = arith.cmpi slt, %add3A_432, %lt3A_433 : i32
      %convert_element_type3A_435 = arith.extui %lt3A_434 : i1 to i32
      %convert_element_type3A_436 = arith.sitofp %convert_element_type3A_435 : i32 to f32
      %get3A_437 = arith.constant 1 : i32
      %get3A_438 = arith.index_cast %get3A_437 : i32 to index
      %get3A_439 = arith.constant 0 : index
      %get3A_440 = tpu.vector_load %arg13[%get3A_438, %get3A_439] {strides = array<i32>} : memref<2x128xf32, #tpu.memory_space<vmem>>, vector<16xf32>,
      %get3A_441 = arith.constant 1 : i32
      %get3A_442 = arith.index_cast %get3A_441 : i32 to index
      %get3A_443 = arith.constant 0 : index
      %get3A_444 = tpu.vector_load %arg14[%get3A_442, %get3A_443] {strides = array<i32>} : memref<2x128xf32, #tpu.memory_space<vmem>>, vector<16xf32>,
      %add3A_445 = arith.addf %get3A_440, %get3A_444 : vector<16xf32>
      %gt3A_446 = arith.constant 0.000000e+00 : f32
      %gt3A_447 = vector.broadcast %gt3A_446 : f32 to vector<16xf32>
      %gt3A_448 = arith.cmpf ogt, %add3A_445, %gt3A_447 : vector<16xf32>
      %mul3A_449 = arith.constant 2.000000e-01 : f32
      %mul3A_450 = vector.broadcast %mul3A_449 : f32 to vector<16xf32>
      %mul3A_451 = arith.mulf %mul3A_450, %add3A_445 : vector<16xf32>
      %select_n3A_452 = arith.select %gt3A_448, %add3A_445, %mul3A_451 : vector<16xi1>, vector<16xf32>
      %exp3A_453 = math.exp %select_n3A_452 : vector<16xf32>
      %mul3A_454 = vector.broadcast %convert_element_type3A_436 : f32 to vector<16xf32>
      %mul3A_455 = arith.mulf %exp3A_453, %mul3A_454 : vector<16xf32>
      %swap3A_456 = arith.constant 0 : index
      %swap3A_457 = tpu.vector_load %arg15[%swap3A_456] {strides = array<i32>} : memref<128xf32, #tpu.memory_space<vmem>>, vector<16xf32>,
      tpu.vector_store %arg15[%swap3A_456], %mul3A_455 {strides = array<i32>} : memref<128xf32, #tpu.memory_space<vmem>>, vector<16xf32>,
      %get3A_458 = arith.constant 1 : i32
      %get3A_459 = arith.index_cast %get3A_458 : i32 to index
      %get3A_460 = arith.constant 16 : index
      %get3A_461 = tpu.vector_load %arg13[%get3A_459, %get3A_460] {strides = array<i32>} : memref<2x128xf32, #tpu.memory_space<vmem>>, vector<16xf32>,
      %get3A_462 = arith.constant 1 : i32
      %get3A_463 = arith.index_cast %get3A_462 : i32 to index
      %get3A_464 = arith.constant 16 : index
      %get3A_465 = tpu.vector_load %arg14[%get3A_463, %get3A_464] {strides = array<i32>} : memref<2x128xf32, #tpu.memory_space<vmem>>, vector<16xf32>,
      %add3A_466 = arith.addf %get3A_461, %get3A_465 : vector<16xf32>
      %gt3A_467 = arith.constant 0.000000e+00 : f32
      %gt3A_468 = vector.broadcast %gt3A_467 : f32 to vector<16xf32>
      %gt3A_469 = arith.cmpf ogt, %add3A_466, %gt3A_468 : vector<16xf32>
      %mul3A_470 = arith.constant 2.000000e-01 : f32
      %mul3A_471 = vector.broadcast %mul3A_470 : f32 to vector<16xf32>
      %mul3A_472 = arith.mulf %mul3A_471, %add3A_466 : vector<16xf32>
      %select_n3A_473 = arith.select %gt3A_469, %add3A_466, %mul3A_472 : vector<16xi1>, vector<16xf32>
      %exp3A_474 = math.exp %select_n3A_473 : vector<16xf32>
      %mul3A_475 = vector.broadcast %convert_element_type3A_436 : f32 to vector<16xf32>
      %mul3A_476 = arith.mulf %exp3A_474, %mul3A_475 : vector<16xf32>
      %swap3A_477 = arith.constant 16 : index
      %swap3A_478 = tpu.vector_load %arg15[%swap3A_477] {strides = array<i32>} : memref<128xf32, #tpu.memory_space<vmem>>, vector<16xf32>,
      tpu.vector_store %arg15[%swap3A_477], %mul3A_476 {strides = array<i32>} : memref<128xf32, #tpu.memory_space<vmem>>, vector<16xf32>,
      %get3A_479 = arith.constant 1 : i32
      %get3A_480 = arith.index_cast %get3A_479 : i32 to index
      %get3A_481 = arith.constant 32 : index
      %get3A_482 = tpu.vector_load %arg13[%get3A_480, %get3A_481] {strides = array<i32>} : memref<2x128xf32, #tpu.memory_space<vmem>>, vector<16xf32>,
      %get3A_483 = arith.constant 1 : i32
      %get3A_484 = arith.index_cast %get3A_483 : i32 to index
      %get3A_485 = arith.constant 32 : index
      %get3A_486 = tpu.vector_load %arg14[%get3A_484, %get3A_485] {strides = array<i32>} : memref<2x128xf32, #tpu.memory_space<vmem>>, vector<16xf32>,
      %add3A_487 = arith.addf %get3A_482, %get3A_486 : vector<16xf32>
      %gt3A_488 = arith.constant 0.000000e+00 : f32
      %gt3A_489 = vector.broadcast %gt3A_488 : f32 to vector<16xf32>
      %gt3A_490 = arith.cmpf ogt, %add3A_487, %gt3A_489 : vector<16xf32>
      %mul3A_491 = arith.constant 2.000000e-01 : f32
      %mul3A_492 = vector.broadcast %mul3A_491 : f32 to vector<16xf32>
      %mul3A_493 = arith.mulf %mul3A_492, %add3A_487 : vector<16xf32>
      %select_n3A_494 = arith.select %gt3A_490, %add3A_487, %mul3A_493 : vector<16xi1>, vector<16xf32>
      %exp3A_495 = math.exp %select_n3A_494 : vector<16xf32>
      %mul3A_496 = vector.broadcast %convert_element_type3A_436 : f32 to vector<16xf32>
      %mul3A_497 = arith.mulf %exp3A_495, %mul3A_496 : vector<16xf32>
      %swap3A_498 = arith.constant 32 : index
      %swap3A_499 = tpu.vector_load %arg15[%swap3A_498] {strides = array<i32>} : memref<128xf32, #tpu.memory_space<vmem>>, vector<16xf32>,
      tpu.vector_store %arg15[%swap3A_498], %mul3A_497 {strides = array<i32>} : memref<128xf32, #tpu.memory_space<vmem>>, vector<16xf32>,
      %get3A_500 = arith.constant 1 : i32
      %get3A_501 = arith.index_cast %get3A_500 : i32 to index
      %get3A_502 = arith.constant 48 : index
      %get3A_503 = tpu.vector_load %arg13[%get3A_501, %get3A_502] {strides = array<i32>} : memref<2x128xf32, #tpu.memory_space<vmem>>, vector<16xf32>,
      %get3A_504 = arith.constant 1 : i32
      %get3A_505 = arith.index_cast %get3A_504 : i32 to index
      %get3A_506 = arith.constant 48 : index
      %get3A_507 = tpu.vector_load %arg14[%get3A_505, %get3A_506] {strides = array<i32>} : memref<2x128xf32, #tpu.memory_space<vmem>>, vector<16xf32>,
      %add3A_508 = arith.addf %get3A_503, %get3A_507 : vector<16xf32>
      %gt3A_509 = arith.constant 0.000000e+00 : f32
      %gt3A_510 = vector.broadcast %gt3A_509 : f32 to vector<16xf32>
      %gt3A_511 = arith.cmpf ogt, %add3A_508, %gt3A_510 : vector<16xf32>
      %mul3A_512 = arith.constant 2.000000e-01 : f32
      %mul3A_513 = vector.broadcast %mul3A_512 : f32 to vector<16xf32>
      %mul3A_514 = arith.mulf %mul3A_513, %add3A_508 : vector<16xf32>
      %select_n3A_515 = arith.select %gt3A_511, %add3A_508, %mul3A_514 : vector<16xi1>, vector<16xf32>
      %exp3A_516 = math.exp %select_n3A_515 : vector<16xf32>
      %mul3A_517 = vector.broadcast %convert_element_type3A_436 : f32 to vector<16xf32>
      %mul3A_518 = arith.mulf %exp3A_516, %mul3A_517 : vector<16xf32>
      %swap3A_519 = arith.constant 48 : index
      %swap3A_520 = tpu.vector_load %arg15[%swap3A_519] {strides = array<i32>} : memref<128xf32, #tpu.memory_space<vmem>>, vector<16xf32>,
      tpu.vector_store %arg15[%swap3A_519], %mul3A_518 {strides = array<i32>} : memref<128xf32, #tpu.memory_space<vmem>>, vector<16xf32>,
      %get3A_521 = arith.constant 1 : i32
      %get3A_522 = arith.index_cast %get3A_521 : i32 to index
      %get3A_523 = arith.constant 64 : index
      %get3A_524 = tpu.vector_load %arg13[%get3A_522, %get3A_523] {strides = array<i32>} : memref<2x128xf32, #tpu.memory_space<vmem>>, vector<16xf32>,
      %get3A_525 = arith.constant 1 : i32
      %get3A_526 = arith.index_cast %get3A_525 : i32 to index
      %get3A_527 = arith.constant 64 : index
      %get3A_528 = tpu.vector_load %arg14[%get3A_526, %get3A_527] {strides = array<i32>} : memref<2x128xf32, #tpu.memory_space<vmem>>, vector<16xf32>,
      %add3A_529 = arith.addf %get3A_524, %get3A_528 : vector<16xf32>
      %gt3A_530 = arith.constant 0.000000e+00 : f32
      %gt3A_531 = vector.broadcast %gt3A_530 : f32 to vector<16xf32>
      %gt3A_532 = arith.cmpf ogt, %add3A_529, %gt3A_531 : vector<16xf32>
      %mul3A_533 = arith.constant 2.000000e-01 : f32
      %mul3A_534 = vector.broadcast %mul3A_533 : f32 to vector<16xf32>
      %mul3A_535 = arith.mulf %mul3A_534, %add3A_529 : vector<16xf32>
      %select_n3A_536 = arith.select %gt3A_532, %add3A_529, %mul3A_535 : vector<16xi1>, vector<16xf32>
      %exp3A_537 = math.exp %select_n3A_536 : vector<16xf32>
      %mul3A_538 = vector.broadcast %convert_element_type3A_436 : f32 to vector<16xf32>
      %mul3A_539 = arith.mulf %exp3A_537, %mul3A_538 : vector<16xf32>
      %swap3A_540 = arith.constant 64 : index
      %swap3A_541 = tpu.vector_load %arg15[%swap3A_540] {strides = array<i32>} : memref<128xf32, #tpu.memory_space<vmem>>, vector<16xf32>,
      tpu.vector_store %arg15[%swap3A_540], %mul3A_539 {strides = array<i32>} : memref<128xf32, #tpu.memory_space<vmem>>, vector<16xf32>,
      %get3A_542 = arith.constant 1 : i32
      %get3A_543 = arith.index_cast %get3A_542 : i32 to index
      %get3A_544 = arith.constant 80 : index
      %get3A_545 = tpu.vector_load %arg13[%get3A_543, %get3A_544] {strides = array<i32>} : memref<2x128xf32, #tpu.memory_space<vmem>>, vector<16xf32>,
      %get3A_546 = arith.constant 1 : i32
      %get3A_547 = arith.index_cast %get3A_546 : i32 to index
      %get3A_548 = arith.constant 80 : index
      %get3A_549 = tpu.vector_load %arg14[%get3A_547, %get3A_548] {strides = array<i32>} : memref<2x128xf32, #tpu.memory_space<vmem>>, vector<16xf32>,
      %add3A_550 = arith.addf %get3A_545, %get3A_549 : vector<16xf32>
      %gt3A_551 = arith.constant 0.000000e+00 : f32
      %gt3A_552 = vector.broadcast %gt3A_551 : f32 to vector<16xf32>
      %gt3A_553 = arith.cmpf ogt, %add3A_550, %gt3A_552 : vector<16xf32>
      %mul3A_554 = arith.constant 2.000000e-01 : f32
      %mul3A_555 = vector.broadcast %mul3A_554 : f32 to vector<16xf32>
      %mul3A_556 = arith.mulf %mul3A_555, %add3A_550 : vector<16xf32>
      %select_n3A_557 = arith.select %gt3A_553, %add3A_550, %mul3A_556 : vector<16xi1>, vector<16xf32>
      %exp3A_558 = math.exp %select_n3A_557 : vector<16xf32>
      %mul3A_559 = vector.broadcast %convert_element_type3A_436 : f32 to vector<16xf32>
      %mul3A_560 = arith.mulf %exp3A_558, %mul3A_559 : vector<16xf32>
      %swap3A_561 = arith.constant 80 : index
      %swap3A_562 = tpu.vector_load %arg15[%swap3A_561] {strides = array<i32>} : memref<128xf32, #tpu.memory_space<vmem>>, vector<16xf32>,
      tpu.vector_store %arg15[%swap3A_561], %mul3A_560 {strides = array<i32>} : memref<128xf32, #tpu.memory_space<vmem>>, vector<16xf32>,
      %get3A_563 = arith.constant 1 : i32
      %get3A_564 = arith.index_cast %get3A_563 : i32 to index
      %get3A_565 = arith.constant 96 : index
      %get3A_566 = tpu.vector_load %arg13[%get3A_564, %get3A_565] {strides = array<i32>} : memref<2x128xf32, #tpu.memory_space<vmem>>, vector<16xf32>,
      %get3A_567 = arith.constant 1 : i32
      %get3A_568 = arith.index_cast %get3A_567 : i32 to index
      %get3A_569 = arith.constant 96 : index
      %get3A_570 = tpu.vector_load %arg14[%get3A_568, %get3A_569] {strides = array<i32>} : memref<2x128xf32, #tpu.memory_space<vmem>>, vector<16xf32>,
      %add3A_571 = arith.addf %get3A_566, %get3A_570 : vector<16xf32>
      %gt3A_572 = arith.constant 0.000000e+00 : f32
      %gt3A_573 = vector.broadcast %gt3A_572 : f32 to vector<16xf32>
      %gt3A_574 = arith.cmpf ogt, %add3A_571, %gt3A_573 : vector<16xf32>
      %mul3A_575 = arith.constant 2.000000e-01 : f32
      %mul3A_576 = vector.broadcast %mul3A_575 : f32 to vector<16xf32>
      %mul3A_577 = arith.mulf %mul3A_576, %add3A_571 : vector<16xf32>
      %select_n3A_578 = arith.select %gt3A_574, %add3A_571, %mul3A_577 : vector<16xi1>, vector<16xf32>
      %exp3A_579 = math.exp %select_n3A_578 : vector<16xf32>
      %mul3A_580 = vector.broadcast %convert_element_type3A_436 : f32 to vector<16xf32>
      %mul3A_581 = arith.mulf %exp3A_579, %mul3A_580 : vector<16xf32>
      %swap3A_582 = arith.constant 96 : index
      %swap3A_583 = tpu.vector_load %arg15[%swap3A_582] {strides = array<i32>} : memref<128xf32, #tpu.memory_space<vmem>>, vector<16xf32>,
      tpu.vector_store %arg15[%swap3A_582], %mul3A_581 {strides = array<i32>} : memref<128xf32, #tpu.memory_space<vmem>>, vector<16xf32>,
      %get3A_584 = arith.constant 1 : i32
      %get3A_585 = arith.index_cast %get3A_584 : i32 to index
      %get3A_586 = arith.constant 112 : index
      %get3A_587 = tpu.vector_load %arg13[%get3A_585, %get3A_586] {strides = array<i32>} : memref<2x128xf32, #tpu.memory_space<vmem>>, vector<16xf32>,
      %get3A_588 = arith.constant 1 : i32
      %get3A_589 = arith.index_cast %get3A_588 : i32 to index
      %get3A_590 = arith.constant 112 : index
      %get3A_591 = tpu.vector_load %arg14[%get3A_589, %get3A_590] {strides = array<i32>} : memref<2x128xf32, #tpu.memory_space<vmem>>, vector<16xf32>,
      %add3A_592 = arith.addf %get3A_587, %get3A_591 : vector<16xf32>
      %gt3A_593 = arith.constant 0.000000e+00 : f32
      %gt3A_594 = vector.broadcast %gt3A_593 : f32 to vector<16xf32>
      %gt3A_595 = arith.cmpf ogt, %add3A_592, %gt3A_594 : vector<16xf32>
      %mul3A_596 = arith.constant 2.000000e-01 : f32
      %mul3A_597 = vector.broadcast %mul3A_596 : f32 to vector<16xf32>
      %mul3A_598 = arith.mulf %mul3A_597, %add3A_592 : vector<16xf32>
      %select_n3A_599 = arith.select %gt3A_595, %add3A_592, %mul3A_598 : vector<16xi1>, vector<16xf32>
      %exp3A_600 = math.exp %select_n3A_599 : vector<16xf32>
      %mul3A_601 = vector.broadcast %convert_element_type3A_436 : f32 to vector<16xf32>
      %mul3A_602 = arith.mulf %exp3A_600, %mul3A_601 : vector<16xf32>
      %swap3A_603 = arith.constant 112 : index
      %swap3A_604 = tpu.vector_load %arg15[%swap3A_603] {strides = array<i32>} : memref<128xf32, #tpu.memory_space<vmem>>, vector<16xf32>,
      tpu.vector_store %arg15[%swap3A_603], %mul3A_602 {strides = array<i32>} : memref<128xf32, #tpu.memory_space<vmem>>, vector<16xf32>,
      %parallel_loop3A_605 = arith.constant 0 : i32
      %parallel_loop3A_606 = arith.constant 128 : i32
      %parallel_loop3A_607 = arith.constant 1 : i32
      scf.for %parallel_loop3A_618 = %parallel_loop3A_605 to %parallel_loop3A_606 step %parallel_loop3A_607  : i32 {
        %parallel_loop3A_619 = vector.broadcast %parallel_loop3A_618 : i32 to vector<16xi32>
        %parallel_loop3A_620 = tpu.vector_load_idx %arg15[%parallel_loop3A_619] : memref<128xf32, #tpu.memory_space<vmem>>[vector<16xi32>], vector<16xf32>,
        %parallel_loop3A_621 = arith.constant 1 : i32
        %parallel_loop3A_622 = arith.index_cast %parallel_loop3A_621 : i32 to index
        %parallel_loop3A_623 = arith.index_cast %parallel_loop3A_618 : i32 to index
        %parallel_loop3A_624 = arith.constant 0 : index
        %parallel_loop3A_625 = tpu.vector_load %arg11[%parallel_loop3A_622, %parallel_loop3A_623, %parallel_loop3A_624] {strides = array<i32>} : memref<2x128x64xi32, #tpu.memory_space<vmem>>, vector<16xi32>,
        %parallel_loop3A_626 = vector.bitcast %parallel_loop3A_625 : vector<16xi32> to vector<32xbf16>
        %parallel_loop3A_627 = tpu.unpack_subelements %parallel_loop3A_626, 0 {pack_format = #tpu.pack_format<interleaved>} : vector<32xbf16> -> vector<16xf32>
        %parallel_loop3A_628 = tpu.unpack_subelements %parallel_loop3A_626, 1 {pack_format = #tpu.pack_format<interleaved>} : vector<32xbf16> -> vector<16xf32>
        %parallel_loop3A_629 = arith.mulf %parallel_loop3A_627, %parallel_loop3A_620 : vector<16xf32>
        %parallel_loop3A_630 = arith.index_cast %parallel_loop3A_618 : i32 to index
        %parallel_loop3A_631 = arith.constant 0 : index
        %parallel_loop3A_632 = tpu.vector_load %arg12[%parallel_loop3A_630, %parallel_loop3A_631] {strides = array<i32>} : memref<128x128xf32, #tpu.memory_space<vmem>>, vector<16xf32>,
        tpu.vector_store %arg12[%parallel_loop3A_630, %parallel_loop3A_631], %parallel_loop3A_629 {strides = array<i32>} : memref<128x128xf32, #tpu.memory_space<vmem>>, vector<16xf32>,
        %parallel_loop3A_633 = arith.mulf %parallel_loop3A_628, %parallel_loop3A_620 : vector<16xf32>
        %parallel_loop3A_634 = arith.index_cast %parallel_loop3A_618 : i32 to index
        %parallel_loop3A_635 = arith.constant 64 : index
        %parallel_loop3A_636 = tpu.vector_load %arg12[%parallel_loop3A_634, %parallel_loop3A_635] {strides = array<i32>} : memref<128x128xf32, #tpu.memory_space<vmem>>, vector<16xf32>,
        tpu.vector_store %arg12[%parallel_loop3A_634, %parallel_loop3A_635], %parallel_loop3A_633 {strides = array<i32>} : memref<128x128xf32, #tpu.memory_space<vmem>>, vector<16xf32>,
        %parallel_loop3A_637 = arith.constant 1 : i32
        %parallel_loop3A_638 = arith.index_cast %parallel_loop3A_637 : i32 to index
        %parallel_loop3A_639 = arith.index_cast %parallel_loop3A_618 : i32 to index
        %parallel_loop3A_640 = arith.constant 16 : index
        %parallel_loop3A_641 = tpu.vector_load %arg11[%parallel_loop3A_638, %parallel_loop3A_639, %parallel_loop3A_640] {strides = array<i32>} : memref<2x128x64xi32, #tpu.memory_space<vmem>>, vector<16xi32>,
        %parallel_loop3A_642 = vector.bitcast %parallel_loop3A_641 : vector<16xi32> to vector<32xbf16>
        %parallel_loop3A_643 = tpu.unpack_subelements %parallel_loop3A_642, 0 {pack_format = #tpu.pack_format<interleaved>} : vector<32xbf16> -> vector<16xf32>
        %parallel_loop3A_644 = tpu.unpack_subelements %parallel_loop3A_642, 1 {pack_format = #tpu.pack_format<interleaved>} : vector<32xbf16> -> vector<16xf32>
        %parallel_loop3A_645 = arith.mulf %parallel_loop3A_643, %parallel_loop3A_620 : vector<16xf32>
        %parallel_loop3A_646 = arith.index_cast %parallel_loop3A_618 : i32 to index
        %parallel_loop3A_647 = arith.constant 16 : index
        %parallel_loop3A_648 = tpu.vector_load %arg12[%parallel_loop3A_646, %parallel_loop3A_647] {strides = array<i32>} : memref<128x128xf32, #tpu.memory_space<vmem>>, vector<16xf32>,
        tpu.vector_store %arg12[%parallel_loop3A_646, %parallel_loop3A_647], %parallel_loop3A_645 {strides = array<i32>} : memref<128x128xf32, #tpu.memory_space<vmem>>, vector<16xf32>,
        %parallel_loop3A_649 = arith.mulf %parallel_loop3A_644, %parallel_loop3A_620 : vector<16xf32>
        %parallel_loop3A_650 = arith.index_cast %parallel_loop3A_618 : i32 to index
        %parallel_loop3A_651 = arith.constant 80 : index
        %parallel_loop3A_652 = tpu.vector_load %arg12[%parallel_loop3A_650, %parallel_loop3A_651] {strides = array<i32>} : memref<128x128xf32, #tpu.memory_space<vmem>>, vector<16xf32>,
        tpu.vector_store %arg12[%parallel_loop3A_650, %parallel_loop3A_651], %parallel_loop3A_649 {strides = array<i32>} : memref<128x128xf32, #tpu.memory_space<vmem>>, vector<16xf32>,
        %parallel_loop3A_653 = arith.constant 1 : i32
        %parallel_loop3A_654 = arith.index_cast %parallel_loop3A_653 : i32 to index
        %parallel_loop3A_655 = arith.index_cast %parallel_loop3A_618 : i32 to index
        %parallel_loop3A_656 = arith.constant 32 : index
        %parallel_loop3A_657 = tpu.vector_load %arg11[%parallel_loop3A_654, %parallel_loop3A_655, %parallel_loop3A_656] {strides = array<i32>} : memref<2x128x64xi32, #tpu.memory_space<vmem>>, vector<16xi32>,
        %parallel_loop3A_658 = vector.bitcast %parallel_loop3A_657 : vector<16xi32> to vector<32xbf16>
        %parallel_loop3A_659 = tpu.unpack_subelements %parallel_loop3A_658, 0 {pack_format = #tpu.pack_format<interleaved>} : vector<32xbf16> -> vector<16xf32>
        %parallel_loop3A_660 = tpu.unpack_subelements %parallel_loop3A_658, 1 {pack_format = #tpu.pack_format<interleaved>} : vector<32xbf16> -> vector<16xf32>
        %parallel_loop3A_661 = arith.mulf %parallel_loop3A_659, %parallel_loop3A_620 : vector<16xf32>
        %parallel_loop3A_662 = arith.index_cast %parallel_loop3A_618 : i32 to index
        %parallel_loop3A_663 = arith.constant 32 : index
        %parallel_loop3A_664 = tpu.vector_load %arg12[%parallel_loop3A_662, %parallel_loop3A_663] {strides = array<i32>} : memref<128x128xf32, #tpu.memory_space<vmem>>, vector<16xf32>,
        tpu.vector_store %arg12[%parallel_loop3A_662, %parallel_loop3A_663], %parallel_loop3A_661 {strides = array<i32>} : memref<128x128xf32, #tpu.memory_space<vmem>>, vector<16xf32>,
        %parallel_loop3A_665 = arith.mulf %parallel_loop3A_660, %parallel_loop3A_620 : vector<16xf32>
        %parallel_loop3A_666 = arith.index_cast %parallel_loop3A_618 : i32 to index
        %parallel_loop3A_667 = arith.constant 96 : index
        %parallel_loop3A_668 = tpu.vector_load %arg12[%parallel_loop3A_666, %parallel_loop3A_667] {strides = array<i32>} : memref<128x128xf32, #tpu.memory_space<vmem>>, vector<16xf32>,
        tpu.vector_store %arg12[%parallel_loop3A_666, %parallel_loop3A_667], %parallel_loop3A_665 {strides = array<i32>} : memref<128x128xf32, #tpu.memory_space<vmem>>, vector<16xf32>,
        %parallel_loop3A_669 = arith.constant 1 : i32
        %parallel_loop3A_670 = arith.index_cast %parallel_loop3A_669 : i32 to index
        %parallel_loop3A_671 = arith.index_cast %parallel_loop3A_618 : i32 to index
        %parallel_loop3A_672 = arith.constant 48 : index
        %parallel_loop3A_673 = tpu.vector_load %arg11[%parallel_loop3A_670, %parallel_loop3A_671, %parallel_loop3A_672] {strides = array<i32>} : memref<2x128x64xi32, #tpu.memory_space<vmem>>, vector<16xi32>,
        %parallel_loop3A_674 = vector.bitcast %parallel_loop3A_673 : vector<16xi32> to vector<32xbf16>
        %parallel_loop3A_675 = tpu.unpack_subelements %parallel_loop3A_674, 0 {pack_format = #tpu.pack_format<interleaved>} : vector<32xbf16> -> vector<16xf32>
        %parallel_loop3A_676 = tpu.unpack_subelements %parallel_loop3A_674, 1 {pack_format = #tpu.pack_format<interleaved>} : vector<32xbf16> -> vector<16xf32>
        %parallel_loop3A_677 = arith.mulf %parallel_loop3A_675, %parallel_loop3A_620 : vector<16xf32>
        %parallel_loop3A_678 = arith.index_cast %parallel_loop3A_618 : i32 to index
        %parallel_loop3A_679 = arith.constant 48 : index
        %parallel_loop3A_680 = tpu.vector_load %arg12[%parallel_loop3A_678, %parallel_loop3A_679] {strides = array<i32>} : memref<128x128xf32, #tpu.memory_space<vmem>>, vector<16xf32>,
        tpu.vector_store %arg12[%parallel_loop3A_678, %parallel_loop3A_679], %parallel_loop3A_677 {strides = array<i32>} : memref<128x128xf32, #tpu.memory_space<vmem>>, vector<16xf32>,
        %parallel_loop3A_681 = arith.mulf %parallel_loop3A_676, %parallel_loop3A_620 : vector<16xf32>
        %parallel_loop3A_682 = arith.index_cast %parallel_loop3A_618 : i32 to index
        %parallel_loop3A_683 = arith.constant 112 : index
        %parallel_loop3A_684 = tpu.vector_load %arg12[%parallel_loop3A_682, %parallel_loop3A_683] {strides = array<i32>} : memref<128x128xf32, #tpu.memory_space<vmem>>, vector<16xf32>,
        tpu.vector_store %arg12[%parallel_loop3A_682, %parallel_loop3A_683], %parallel_loop3A_681 {strides = array<i32>} : memref<128x128xf32, #tpu.memory_space<vmem>>, vector<16xf32>,
      } {sc.loop_unroll_factor = 8 : i64, sc.parallel_access}
      %run_scoped3A_608 = arith.constant 1 : i32
      "tpu.region"() ({
        %run_scoped3A_618 = tpu.sem_alloc : memref<!tpu.dma_semaphore, #tpu.memory_space<semaphore_mem>>
        %dma_start3A_619 = arith.constant 0 : i32
        %dma_start3A_620 = tpu.memref_slice %arg9[%run_scoped3A_608, %dma_start3A_619] : memref<2x128xi32, #tpu.memory_space<vmem>> -> memref<1x128xi32, #tpu.memory_space<vmem>>
        %dma_start3A_621 = tpu.memref_squeeze %dma_start3A_620 : memref<1x128xi32, #tpu.memory_space<vmem>> -> memref<128xi32, #tpu.memory_space<vmem>>
        %dma_start3A_622 = arith.constant 0 : i32
        %dma_start3A_623 = arith.constant 0 : i32
        %dma_start3A_624 = tpu.memref_slice %arg17[%dma_start3A_622, %dma_start3A_623] : memref<10240x128xf32, #tpu.memory_space<vmem_shared>> -> memref<10240x128xf32, #tpu.memory_space<vmem_shared>>
        tpu.enqueue_indirect_dma source(%arg12 : memref<128x128xf32, #tpu.memory_space<vmem>>) target(%dma_start3A_624 : memref<10240x128xf32, #tpu.memory_space<vmem_shared>>) offsets(%dma_start3A_621 : memref<128xi32, #tpu.memory_space<vmem>>) semaphore(%run_scoped3A_618 : memref<!tpu.dma_semaphore, #tpu.memory_space<semaphore_mem>>) {add = true}
        %dma_wait3A_625 = arith.constant 0 : i32
        %dma_wait3A_626 = tpu.memref_slice %arg9[%run_scoped3A_608, %dma_wait3A_625] : memref<2x128xi32, #tpu.memory_space<vmem>> -> memref<1x128xi32, #tpu.memory_space<vmem>>
        %dma_wait3A_627 = tpu.memref_squeeze %dma_wait3A_626 : memref<1x128xi32, #tpu.memory_space<vmem>> -> memref<128xi32, #tpu.memory_space<vmem>>
        %dma_wait3A_628 = arith.constant 0 : i32
        %dma_wait3A_629 = arith.constant 0 : i32
        %dma_wait3A_630 = tpu.memref_slice %arg17[%dma_wait3A_628, %dma_wait3A_629] : memref<10240x128xf32, #tpu.memory_space<vmem_shared>> -> memref<10240x128xf32, #tpu.memory_space<vmem_shared>>
        tpu.wait_indirect_dma semaphore(%run_scoped3A_618 : memref<!tpu.dma_semaphore, #tpu.memory_space<semaphore_mem>>) src(%arg12 : memref<128x128xf32, #tpu.memory_space<vmem>>) dst(%dma_wait3A_630 : memref<10240x128xf32, #tpu.memory_space<vmem_shared>>)
        tpu.yield
      }) : () -> ()
      %run_scoped3A_609 = arith.constant 1 : i32
      "tpu.region"() ({
        %run_scoped3A_618 = tpu.sem_alloc : memref<!tpu.dma_semaphore, #tpu.memory_space<semaphore_mem>>
        %dma_start3A_619 = arith.constant 0 : i32
        %dma_start3A_620 = tpu.memref_slice %arg9[%run_scoped3A_609, %dma_start3A_619] : memref<2x128xi32, #tpu.memory_space<vmem>> -> memref<1x128xi32, #tpu.memory_space<vmem>>
        %dma_start3A_621 = tpu.memref_squeeze %dma_start3A_620 : memref<1x128xi32, #tpu.memory_space<vmem>> -> memref<128xi32, #tpu.memory_space<vmem>>
        %dma_start3A_622 = arith.constant 0 : i32
        %dma_start3A_623 = tpu.memref_slice %arg18[%dma_start3A_622] : memref<10240xf32, #tpu.memory_space<vmem_shared>> -> memref<10240xf32, #tpu.memory_space<vmem_shared>>
        tpu.enqueue_indirect_dma source(%arg15 : memref<128xf32, #tpu.memory_space<vmem>>) target(%dma_start3A_623 : memref<10240xf32, #tpu.memory_space<vmem_shared>>) offsets(%dma_start3A_621 : memref<128xi32, #tpu.memory_space<vmem>>) semaphore(%run_scoped3A_618 : memref<!tpu.dma_semaphore, #tpu.memory_space<semaphore_mem>>) {add = true}
        %dma_wait3A_624 = arith.constant 0 : i32
        %dma_wait3A_625 = tpu.memref_slice %arg9[%run_scoped3A_609, %dma_wait3A_624] : memref<2x128xi32, #tpu.memory_space<vmem>> -> memref<1x128xi32, #tpu.memory_space<vmem>>
        %dma_wait3A_626 = tpu.memref_squeeze %dma_wait3A_625 : memref<1x128xi32, #tpu.memory_space<vmem>> -> memref<128xi32, #tpu.memory_space<vmem>>
        %dma_wait3A_627 = arith.constant 0 : i32
        %dma_wait3A_628 = tpu.memref_slice %arg18[%dma_wait3A_627] : memref<10240xf32, #tpu.memory_space<vmem_shared>> -> memref<10240xf32, #tpu.memory_space<vmem_shared>>
        tpu.wait_indirect_dma semaphore(%run_scoped3A_618 : memref<!tpu.dma_semaphore, #tpu.memory_space<semaphore_mem>>) src(%arg15 : memref<128xf32, #tpu.memory_space<vmem>>) dst(%dma_wait3A_628 : memref<10240xf32, #tpu.memory_space<vmem_shared>>)
        tpu.yield
      }) : () -> ()
      %add3A_610 = arith.constant 2 : i32
      %add3A_611 = arith.addi %add3A_390, %add3A_610 : i32
      %lt3A_612 = arith.constant 80 : i32
      %lt3A_613 = arith.cmpi slt, %add3A_611, %lt3A_612 : i32
      %convert_element_type3A_614 = arith.extui %lt3A_613 : i1 to i32
      %cond3A_615 = arith.constant 0 : i32
      %cond3A_616 = arith.cmpi ne, %convert_element_type3A_614, %cond3A_615 : i32
      scf.if %cond3A_616 {
        %add3A_618 = arith.constant 2 : i32
        %add3A_619 = arith.addi %add3A_390, %add3A_618 : i32
        %mul3A_620 = arith.constant 80 : i32
        %mul3A_621 = arith.muli %add3A, %mul3A_620 : i32
        %add3A_622 = arith.addi %mul3A_621, %add3A_619 : i32
        %dma_start3A_623 = arith.constant 1 : i32
        %dma_start3A_624 = arith.constant 0 : i32
        %dma_start3A_625 = tpu.memref_slice %arg9[%dma_start3A_623, %dma_start3A_624] : memref<2x128xi32, #tpu.memory_space<vmem>> -> memref<1x128xi32, #tpu.memory_space<vmem>>
        %dma_start3A_626 = tpu.memref_squeeze %dma_start3A_625 : memref<1x128xi32, #tpu.memory_space<vmem>> -> memref<128xi32, #tpu.memory_space<vmem>>
        %dma_start3A_627 = arith.constant 0 : i32
        %dma_start3A_628 = tpu.memref_slice %arg5[%add3A_622, %dma_start3A_627] : memref<2560x128xi32, #tpu.memory_space<hbm>> -> memref<1x128xi32, #tpu.memory_space<hbm>>
        %dma_start3A_629 = tpu.memref_squeeze %dma_start3A_628 : memref<1x128xi32, #tpu.memory_space<hbm>> -> memref<128xi32, #tpu.memory_space<hbm>>
        %dma_start3A_630 = arith.constant 0 : i32
        %dma_start3A_631 = tpu.memref_slice %arg9[%dma_start3A_623, %dma_start3A_630] : memref<2x128xi32, #tpu.memory_space<vmem>> -> memref<1x128xi32, #tpu.memory_space<vmem>>
        %dma_start3A_632 = tpu.memref_squeeze %dma_start3A_631 : memref<1x128xi32, #tpu.memory_space<vmem>> -> memref<128xi32, #tpu.memory_space<vmem>>
        %dma_start3A_633 = arith.constant 0 : i32
        %dma_start3A_634 = tpu.memref_slice %arg5[%add3A_622, %dma_start3A_633] : memref<2560x128xi32, #tpu.memory_space<hbm>> -> memref<1x128xi32, #tpu.memory_space<hbm>>
        %dma_start3A_635 = tpu.memref_squeeze %dma_start3A_634 : memref<1x128xi32, #tpu.memory_space<hbm>> -> memref<128xi32, #tpu.memory_space<hbm>>
        tpu.enqueue_dma source(%dma_start3A_635 : memref<128xi32, #tpu.memory_space<hbm>>) target(%dma_start3A_632 : memref<128xi32, #tpu.memory_space<vmem>>) target_semaphore(%arg22 : memref<!tpu.dma_semaphore, #tpu.memory_space<semaphore_mem>>)
        %mul3A_636 = arith.constant 80 : i32
        %mul3A_637 = arith.muli %add3A, %mul3A_636 : i32
        %add3A_638 = arith.addi %mul3A_637, %add3A_619 : i32
        %dma_start3A_639 = arith.constant 1 : i32
        %dma_start3A_640 = arith.constant 0 : i32
        %dma_start3A_641 = tpu.memref_slice %arg10[%dma_start3A_639, %dma_start3A_640] : memref<2x128xi32, #tpu.memory_space<vmem>> -> memref<1x128xi32, #tpu.memory_space<vmem>>
        %dma_start3A_642 = tpu.memref_squeeze %dma_start3A_641 : memref<1x128xi32, #tpu.memory_space<vmem>> -> memref<128xi32, #tpu.memory_space<vmem>>
        %dma_start3A_643 = arith.constant 0 : i32
        %dma_start3A_644 = tpu.memref_slice %arg6[%add3A_638, %dma_start3A_643] : memref<2560x128xi32, #tpu.memory_space<hbm>> -> memref<1x128xi32, #tpu.memory_space<hbm>>
        %dma_start3A_645 = tpu.memref_squeeze %dma_start3A_644 : memref<1x128xi32, #tpu.memory_space<hbm>> -> memref<128xi32, #tpu.memory_space<hbm>>
        %dma_start3A_646 = arith.constant 0 : i32
        %dma_start3A_647 = tpu.memref_slice %arg10[%dma_start3A_639, %dma_start3A_646] : memref<2x128xi32, #tpu.memory_space<vmem>> -> memref<1x128xi32, #tpu.memory_space<vmem>>
        %dma_start3A_648 = tpu.memref_squeeze %dma_start3A_647 : memref<1x128xi32, #tpu.memory_space<vmem>> -> memref<128xi32, #tpu.memory_space<vmem>>
        %dma_start3A_649 = arith.constant 0 : i32
        %dma_start3A_650 = tpu.memref_slice %arg6[%add3A_638, %dma_start3A_649] : memref<2560x128xi32, #tpu.memory_space<hbm>> -> memref<1x128xi32, #tpu.memory_space<hbm>>
        %dma_start3A_651 = tpu.memref_squeeze %dma_start3A_650 : memref<1x128xi32, #tpu.memory_space<hbm>> -> memref<128xi32, #tpu.memory_space<hbm>>
        tpu.enqueue_dma source(%dma_start3A_651 : memref<128xi32, #tpu.memory_space<hbm>>) target(%dma_start3A_648 : memref<128xi32, #tpu.memory_space<vmem>>) target_semaphore(%arg22 : memref<!tpu.dma_semaphore, #tpu.memory_space<semaphore_mem>>)
      } else {
      }
      %scan3A_617 = arith.constant 0 : i32
      scf.yield %scan3A_617 : i32
    }
    %scan3A_165 = arith.constant 40 : i32
    %barrier3A_166 = arith.constant 0 : index
    tpu.barrier barrier_id(%barrier3A_166)
    "tpu.region"() ({
      %run_scoped3A = tpu.sem_alloc : memref<!tpu.dma_semaphore, #tpu.memory_space<semaphore_mem>>
      %dma_start3A_167 = arith.constant 0 : i32
      %dma_start3A_168 = tpu.memref_slice %arg7[%arg0, %mul3A_16, %dma_start3A_167] : memref<2x10240x128xf32, #tpu.memory_space<hbm>> -> memref<1x640x128xf32, #tpu.memory_space<hbm>>
      %dma_start3A_169 = tpu.memref_squeeze %dma_start3A_168 : memref<1x640x128xf32, #tpu.memory_space<hbm>> -> memref<640x128xf32, #tpu.memory_space<hbm>>
      %dma_start3A_170 = arith.constant 0 : i32
      %dma_start3A_171 = tpu.memref_slice %arg17[%mul3A_16, %dma_start3A_170] : memref<10240x128xf32, #tpu.memory_space<vmem_shared>> -> memref<640x128xf32, #tpu.memory_space<vmem_shared>>
      tpu.enqueue_dma source(%dma_start3A_171 : memref<640x128xf32, #tpu.memory_space<vmem_shared>>) target(%dma_start3A_169 : memref<640x128xf32, #tpu.memory_space<hbm>>) target_semaphore(%run_scoped3A : memref<!tpu.dma_semaphore, #tpu.memory_space<semaphore_mem>>)
      %dma_wait3A_172 = arith.constant 0 : i32
      %dma_wait3A_173 = tpu.memref_slice %arg7[%arg0, %mul3A_16, %dma_wait3A_172] : memref<2x10240x128xf32, #tpu.memory_space<hbm>> -> memref<1x640x128xf32, #tpu.memory_space<hbm>>
      %dma_wait3A_174 = tpu.memref_squeeze %dma_wait3A_173 : memref<1x640x128xf32, #tpu.memory_space<hbm>> -> memref<640x128xf32, #tpu.memory_space<hbm>>
      %dma_wait3A_175 = arith.constant 0 : i32
      %dma_wait3A_176 = tpu.memref_slice %arg17[%mul3A_16, %dma_wait3A_175] : memref<10240x128xf32, #tpu.memory_space<vmem_shared>> -> memref<640x128xf32, #tpu.memory_space<vmem_shared>>
      tpu.wait_dma2 semaphore(%run_scoped3A : memref<!tpu.dma_semaphore, #tpu.memory_space<semaphore_mem>>) src(%dma_wait3A_176 : memref<640x128xf32, #tpu.memory_space<vmem_shared>>) dst(%dma_wait3A_174 : memref<640x128xf32, #tpu.memory_space<hbm>>)
      tpu.yield
    }) : () -> ()
    "tpu.region"() ({
      %run_scoped3A = tpu.sem_alloc : memref<!tpu.dma_semaphore, #tpu.memory_space<semaphore_mem>>
      %dma_start3A_167 = tpu.memref_slice %arg8[%arg0, %mul3A_16] : memref<2x10240xf32, #tpu.memory_space<hbm>> -> memref<1x640xf32, #tpu.memory_space<hbm>>
      %dma_start3A_168 = tpu.memref_squeeze %dma_start3A_167 : memref<1x640xf32, #tpu.memory_space<hbm>> -> memref<640xf32, #tpu.memory_space<hbm>>
      %dma_start3A_169 = tpu.memref_slice %arg18[%mul3A_16] : memref<10240xf32, #tpu.memory_space<vmem_shared>> -> memref<640xf32, #tpu.memory_space<vmem_shared>>
      tpu.enqueue_dma source(%dma_start3A_169 : memref<640xf32, #tpu.memory_space<vmem_shared>>) target(%dma_start3A_168 : memref<640xf32, #tpu.memory_space<hbm>>) target_semaphore(%run_scoped3A : memref<!tpu.dma_semaphore, #tpu.memory_space<semaphore_mem>>)
      %dma_wait3A_170 = tpu.memref_slice %arg8[%arg0, %mul3A_16] : memref<2x10240xf32, #tpu.memory_space<hbm>> -> memref<1x640xf32, #tpu.memory_space<hbm>>
      %dma_wait3A_171 = tpu.memref_squeeze %dma_wait3A_170 : memref<1x640xf32, #tpu.memory_space<hbm>> -> memref<640xf32, #tpu.memory_space<hbm>>
      %dma_wait3A_172 = tpu.memref_slice %arg18[%mul3A_16] : memref<10240xf32, #tpu.memory_space<vmem_shared>> -> memref<640xf32, #tpu.memory_space<vmem_shared>>
      tpu.wait_dma2 semaphore(%run_scoped3A : memref<!tpu.dma_semaphore, #tpu.memory_space<semaphore_mem>>) src(%dma_wait3A_172 : memref<640xf32, #tpu.memory_space<vmem_shared>>) dst(%dma_wait3A_171 : memref<640xf32, #tpu.memory_space<hbm>>)
      tpu.yield
    }) : () -> ()
    return
  }
}

module attributes {stable_mosaic.version = 14 : i64} {
  func.func @_mm_body(%arg0: i32, %arg1: memref<1024x128xf32, #tpu.memory_space<vmem>>, %arg2: memref<128x128xf32, #tpu.memory_space<vmem>>, %arg3: memref<1x128xf32, #tpu.memory_space<vmem>>, %arg4: memref<1x128xf32, #tpu.memory_space<vmem>>, %arg5: memref<1024x128xf32, #tpu.memory_space<vmem>>, %arg6: memref<2x1024xf32, #tpu.memory_space<vmem>>, %arg7: memref<1024x64xi32, #tpu.memory_space<vmem>>) attributes {dimension_semantics = [#tpu.dimension_semantics<arbitrary>], iteration_bounds = array<i64: 10>, scalar_prefetch = 0 : i64, scratch_operands = 0 : i64, tpu.core_type = #tpu.core_type<tc>, window_params = [{transform_indices = @transform_0, window_bounds = array<i64: 1024, 128>}, {pipeline_mode = #tpu.pipeline_mode<synchronous>, transform_indices = @transform_1, window_bounds = array<i64: 128, 128>}, {pipeline_mode = #tpu.pipeline_mode<synchronous>, transform_indices = @transform_2, window_bounds = array<i64: 1, 128>}, {pipeline_mode = #tpu.pipeline_mode<synchronous>, transform_indices = @transform_3, window_bounds = array<i64: 1, 128>}, {transform_indices = @transform_4, window_bounds = array<i64: 1024, 128>}, {transform_indices = @transform_5, window_bounds = array<i64: 2, 1024>}, {transform_indices = @transform_6, window_bounds = array<i64: 1024, 64>}]} {
    %get3A = arith.constant 0 : index
    %get3A_0 = arith.constant 0 : index
    %get3A_1 = vector.load %arg1[%get3A, %get3A_0] : memref<1024x128xf32, #tpu.memory_space<vmem>>, vector<1024x128xf32>
    %get3A_2 = arith.constant 0 : index
    %get3A_3 = arith.constant 0 : index
    %get3A_4 = vector.load %arg2[%get3A_2, %get3A_3] : memref<128x128xf32, #tpu.memory_space<vmem>>, vector<128x128xf32>
    %dot_general3A = arith.constant dense<0.000000e+00> : vector<1024x128xf32>
    %dot_general3A_5 = tpu.matmul %get3A_1, %get3A_4, %dot_general3A {dimension_numbers = #tpu.dot_dimension_numbers<[1], [0], [0], [1], [0, 0, 1, 1], [], []>, transpose_lhs_hint = false} : vector<1024x128xf32>, vector<128x128xf32>, vector<1024x128xf32> -> vector<1024x128xf32>
    %swap3A = arith.constant 0 : index
    %swap3A_6 = arith.constant 0 : index
    %swap3A_7 = vector.load %arg5[%swap3A, %swap3A_6] : memref<1024x128xf32, #tpu.memory_space<vmem>>, vector<1024x128xf32>
    tpu.vector_store %arg5[%swap3A, %swap3A_6], %dot_general3A_5 {strides = array<i32>} : memref<1024x128xf32, #tpu.memory_space<vmem>>, vector<1024x128xf32>,
    %get3A_8 = arith.constant 0 : index
    %get3A_9 = arith.constant 0 : index
    %get3A_10 = vector.load %arg3[%get3A_8, %get3A_9] : memref<1x128xf32, #tpu.memory_space<vmem>>, vector<1x128xf32>
    %mul3A = vector.broadcast %get3A_10 : vector<1x128xf32> to vector<1024x128xf32>
    %mul3A_11 = arith.mulf %dot_general3A_5, %mul3A : vector<1024x128xf32>
    %reduce_sum3A = arith.constant dense<0.000000e+00> : vector<1024xf32>
    %reduce_sum3A_12 = vector.multi_reduction <add>, %mul3A_11, %reduce_sum3A [1] : vector<1024x128xf32> to vector<1024xf32>
    %get3A_13 = arith.constant 0 : index
    %get3A_14 = arith.constant 0 : index
    %get3A_15 = vector.load %arg4[%get3A_13, %get3A_14] : memref<1x128xf32, #tpu.memory_space<vmem>>, vector<1x128xf32>
    %mul3A_16 = vector.broadcast %get3A_15 : vector<1x128xf32> to vector<1024x128xf32>
    %mul3A_17 = arith.mulf %dot_general3A_5, %mul3A_16 : vector<1024x128xf32>
    %reduce_sum3A_18 = arith.constant dense<0.000000e+00> : vector<1024xf32>
    %reduce_sum3A_19 = vector.multi_reduction <add>, %mul3A_17, %reduce_sum3A_18 [1] : vector<1024x128xf32> to vector<1024xf32>
    %stack3A = vector.shape_cast %reduce_sum3A_12 : vector<1024xf32> to vector<1x1024xf32>
    %stack3A_20 = vector.shape_cast %reduce_sum3A_19 : vector<1024xf32> to vector<1x1024xf32>
    %stack3A_21 = tpu.concatenate %stack3A, %stack3A_20 in 0 : vector<1x1024xf32>, vector<1x1024xf32> -> vector<2x1024xf32>
    %swap3A_22 = arith.constant 0 : index
    %swap3A_23 = arith.constant 0 : index
    %swap3A_24 = vector.load %arg6[%swap3A_22, %swap3A_23] : memref<2x1024xf32, #tpu.memory_space<vmem>>, vector<2x1024xf32>
    tpu.vector_store %arg6[%swap3A_22, %swap3A_23], %stack3A_21 {strides = array<i32>} : memref<2x1024xf32, #tpu.memory_space<vmem>>, vector<2x1024xf32>,
    %slice3A = vector.extract_strided_slice %dot_general3A_5 {offsets = [0, 0], sizes = [1024, 64], strides = [1, 1]} : vector<1024x128xf32> to vector<1024x64xf32>
    %convert_element_type3A = arith.truncf %slice3A : vector<1024x64xf32> to vector<1024x64xbf16>
    %bitcast_convert_type3A = tpu.bitcast %convert_element_type3A : vector<1024x64xbf16> -> vector<1024x64xi16>
    %convert_element_type3A_25 = arith.extui %bitcast_convert_type3A : vector<1024x64xi16> to vector<1024x64xi32>
    %slice3A_26 = vector.extract_strided_slice %dot_general3A_5 {offsets = [0, 64], sizes = [1024, 64], strides = [1, 1]} : vector<1024x128xf32> to vector<1024x64xf32>
    %convert_element_type3A_27 = arith.truncf %slice3A_26 : vector<1024x64xf32> to vector<1024x64xbf16>
    %bitcast_convert_type3A_28 = tpu.bitcast %convert_element_type3A_27 : vector<1024x64xbf16> -> vector<1024x64xi16>
    %convert_element_type3A_29 = arith.extui %bitcast_convert_type3A_28 : vector<1024x64xi16> to vector<1024x64xi32>
    %shift_left3A = arith.constant 16 : i32
    %shift_left3A_30 = vector.broadcast %shift_left3A : i32 to vector<1024x64xi32>
    %shift_left3A_31 = arith.shli %convert_element_type3A_29, %shift_left3A_30 : vector<1024x64xi32>
    %or3A = arith.ori %convert_element_type3A_25, %shift_left3A_31 : vector<1024x64xi32>
    %swap3A_32 = arith.constant 0 : index
    %swap3A_33 = arith.constant 0 : index
    %swap3A_34 = vector.load %arg7[%swap3A_32, %swap3A_33] : memref<1024x64xi32, #tpu.memory_space<vmem>>, vector<1024x64xi32>
    tpu.vector_store %arg7[%swap3A_32, %swap3A_33], %or3A {strides = array<i32>} : memref<1024x64xi32, #tpu.memory_space<vmem>>, vector<1024x64xi32>,
    return
  }
  func.func @transform_0(%arg0: i32) -> (i32, i32) {
    %c0_i32 = arith.constant 0 : i32
    %c0_i32_0 = arith.constant 0 : i32
    return %arg0, %c0_i32 : i32, i32
  }
  func.func @transform_1(%arg0: i32) -> (i32, i32) {
    %c0_i32 = arith.constant 0 : i32
    %c0_i32_0 = arith.constant 0 : i32
    %c0_i32_1 = arith.constant 0 : i32
    return %c0_i32, %c0_i32_0 : i32, i32
  }
  func.func @transform_2(%arg0: i32) -> (i32, i32) {
    %c0_i32 = arith.constant 0 : i32
    %c0_i32_0 = arith.constant 0 : i32
    %c0_i32_1 = arith.constant 0 : i32
    return %c0_i32, %c0_i32_0 : i32, i32
  }
  func.func @transform_3(%arg0: i32) -> (i32, i32) {
    %c0_i32 = arith.constant 0 : i32
    %c0_i32_0 = arith.constant 0 : i32
    %c0_i32_1 = arith.constant 0 : i32
    return %c0_i32, %c0_i32_0 : i32, i32
  }
  func.func @transform_4(%arg0: i32) -> (i32, i32) {
    %c0_i32 = arith.constant 0 : i32
    %c0_i32_0 = arith.constant 0 : i32
    return %arg0, %c0_i32 : i32, i32
  }
  func.func @transform_5(%arg0: i32) -> (i32, i32) {
    %c0_i32 = arith.constant 0 : i32
    %c0_i32_0 = arith.constant 0 : i32
    return %c0_i32, %arg0 : i32, i32
  }
  func.func @transform_6(%arg0: i32) -> (i32, i32) {
    %c0_i32 = arith.constant 0 : i32
    %c0_i32_0 = arith.constant 0 : i32
    return %arg0, %c0_i32 : i32, i32
  }
}

module attributes {stable_mosaic.version = 14 : i64} {
  func.func @_combine_body(%arg0: i32, %arg1: memref<2x1024x128xf32, #tpu.memory_space<vmem>>, %arg2: memref<2x1024xf32, #tpu.memory_space<vmem>>, %arg3: memref<1024x128xf32, #tpu.memory_space<vmem>>) attributes {dimension_semantics = [#tpu.dimension_semantics<arbitrary>], iteration_bounds = array<i64: 10>, scalar_prefetch = 0 : i64, scratch_operands = 0 : i64, tpu.core_type = #tpu.core_type<tc>, window_params = [{transform_indices = @transform_0, window_bounds = array<i64: 2, 1024, 128>}, {transform_indices = @transform_1, window_bounds = array<i64: 2, 1024>}, {transform_indices = @transform_2, window_bounds = array<i64: 1024, 128>}]} {
    %get3A = arith.constant 0 : index
    %get3A_0 = arith.constant 0 : index
    %get3A_1 = arith.constant 0 : index
    %get3A_2 = vector.load %arg1[%get3A, %get3A_0, %get3A_1] : memref<2x1024x128xf32, #tpu.memory_space<vmem>>, vector<1x1024x128xf32>
    %get3A_3 = vector.shape_cast %get3A_2 : vector<1x1024x128xf32> to vector<1024x128xf32>
    %get3A_4 = arith.constant 1 : index
    %get3A_5 = arith.constant 0 : index
    %get3A_6 = arith.constant 0 : index
    %get3A_7 = vector.load %arg1[%get3A_4, %get3A_5, %get3A_6] : memref<2x1024x128xf32, #tpu.memory_space<vmem>>, vector<1x1024x128xf32>
    %get3A_8 = vector.shape_cast %get3A_7 : vector<1x1024x128xf32> to vector<1024x128xf32>
    %add3A = arith.addf %get3A_3, %get3A_8 : vector<1024x128xf32>
    %get3A_9 = arith.constant 0 : index
    %get3A_10 = arith.constant 0 : index
    %get3A_11 = vector.load %arg2[%get3A_9, %get3A_10] : memref<2x1024xf32, #tpu.memory_space<vmem>>, vector<1x1024xf32>
    %get3A_12 = vector.shape_cast %get3A_11 : vector<1x1024xf32> to vector<1024xf32>
    %get3A_13 = arith.constant 1 : index
    %get3A_14 = arith.constant 0 : index
    %get3A_15 = vector.load %arg2[%get3A_13, %get3A_14] : memref<2x1024xf32, #tpu.memory_space<vmem>>, vector<1x1024xf32>
    %get3A_16 = vector.shape_cast %get3A_15 : vector<1x1024xf32> to vector<1024xf32>
    %add3A_17 = arith.addf %get3A_12, %get3A_16 : vector<1024xf32>
    %broadcast_in_dim3A = vector.shape_cast %add3A_17 : vector<1024xf32> to vector<1024x1xf32>
    %add3A_18 = arith.constant 1.000000e-15 : f32
    %add3A_19 = vector.broadcast %add3A_18 : f32 to vector<1024x1xf32>
    %add3A_20 = arith.addf %broadcast_in_dim3A, %add3A_19 : vector<1024x1xf32>
    %div3A = vector.broadcast %add3A_20 : vector<1024x1xf32> to vector<1024x128xf32>
    %div3A_21 = arith.divf %add3A, %div3A : vector<1024x128xf32>
    %gt3A = arith.constant 0.000000e+00 : f32
    %gt3A_22 = vector.broadcast %gt3A : f32 to vector<1024x128xf32>
    %gt3A_23 = arith.cmpf ogt, %div3A_21, %gt3A_22 : vector<1024x128xf32>
    %exp3A = math.exp %div3A_21 : vector<1024x128xf32>
    %sub3A = arith.constant 1.000000e+00 : f32
    %sub3A_24 = vector.broadcast %sub3A : f32 to vector<1024x128xf32>
    %sub3A_25 = arith.subf %exp3A, %sub3A_24 : vector<1024x128xf32>
    %select_n3A = arith.select %gt3A_23, %div3A_21, %sub3A_25 : vector<1024x128xi1>, vector<1024x128xf32>
    %swap3A = arith.constant 0 : index
    %swap3A_26 = arith.constant 0 : index
    %swap3A_27 = vector.load %arg3[%swap3A, %swap3A_26] : memref<1024x128xf32, #tpu.memory_space<vmem>>, vector<1024x128xf32>
    tpu.vector_store %arg3[%swap3A, %swap3A_26], %select_n3A {strides = array<i32>} : memref<1024x128xf32, #tpu.memory_space<vmem>>, vector<1024x128xf32>,
    return
  }
  func.func @transform_0(%arg0: i32) -> (i32, i32, i32) {
    %c0_i32 = arith.constant 0 : i32
    %c0_i32_0 = arith.constant 0 : i32
    %c0_i32_1 = arith.constant 0 : i32
    return %c0_i32, %arg0, %c0_i32_0 : i32, i32, i32
  }
  func.func @transform_1(%arg0: i32) -> (i32, i32) {
    %c0_i32 = arith.constant 0 : i32
    %c0_i32_0 = arith.constant 0 : i32
    return %c0_i32, %arg0 : i32, i32
  }
  func.func @transform_2(%arg0: i32) -> (i32, i32) {
    %c0_i32 = arith.constant 0 : i32
    %c0_i32_0 = arith.constant 0 : i32
    return %arg0, %c0_i32 : i32, i32
  }
}

</mosaic_0001>

<sc_bundles>
// kernel: kernel.5.cloned.1.call-start
scs
__scs_entry_jumppad:
0x0: {  	(pc) =	sbr.rel $0x88, $3  }
0x1: {  	(tag) =	ssettag $0x0;
	lr =	simm.s32 $0x1  }
0x2: {  	[smem:$0x3F9D] =	sst lr;
	_ =	strace $0xD0000000  }
0x3: {  	_ = 	snop  }
0x4: {  	_ = 	snop  }
0x5: {  	_ = 	snop  }
0x6: {  	_ = 	snop  }
0x7: {  	_ = 	snop  }
__scs_overlays_trampoline_lowered:
0x8: {  	[smem:$0x3FAC] =	sst s0  }
0x9: {  	[smem:$0x3FAD] =	sst s1  }
0xa: {  	[smem:$0x3FAE] =	sst s2  }
0xb: {  	[smem:$0x3FAF] =	sst s3  }
0xc: {  	[smem:$0x3FB0] =	sst s4  }
0xd: {  	[smem:$0x3FB1] =	sst s5  }
0xe: {  	[smem:$0x3FB2] =	sst s6  }
0xf: {  	[smem:$0x3FB3] =	sst s7  }
0x10: {  	[smem:$0x3FB4] =	sst s8  }
0x11: {  	[smem:$0x3FB5] =	sst s9;
	s0 =	simm.s32 @!p0 $0x0  }
0x12: {  	s1 =	sld [smem:$0x3F9B];
	s0 =	simm.s32 @p0 $0x1  }
0x13: {  	[smem:$0x3FB6] =	sst s0;
	s0 =	simm.s32 @!p1 $0x0  }
0x14: {  	s2 =	sld [smem:$0x3F9A];
	s0 =	simm.s32 @p1 $0x1  }
0x15: {  	[smem:$0x3FB7] =	sst s0;
	s0 =	simm.s32 @!p2 $0x0  }
0x16: {  	s3 =	sld [smem:$0x3FDB];
	s0 =	simm.s32 @p2 $0x1  }
0x17: {  	s4 =	simm.s32 $0x1BF5;
	[smem:$0x3FB9] =	sst s0  }
0x18: {  	s0 =	sld [smem:$0x3F9C];
	_ =	swait.ge [sflag:s4], $0x0  }
0x19: {  	s7 =	sld [smem:$0x3F9D]  }
0x1a: {  	s8 =	sadd.s32 $0xFFFFE003, lr  }
0x1b: {  	s9 =	sadd.s32 $0xFFFFFEF7, lr;
	s5 =	simm.s32 $0xFFFFFFFF;
	p2 =	slt.u32 s8, $0xFFFFF086  }
0x1c: {  	p1 =	slt.u32 s9, $0xF7A;
	s5 =	simm.s32 @!p2 $0x0  }
0x1d: {  	s5 =	simm.s32 @p1 $0x1;
	p0 =	seq.s32 s7, s2  }
0x1e: {  	s7 =	smul.u32 @!p0 $0xF7A, s2;
	p2 =	seq.s32 @!p0 s5, $0x0  }
0x1f: {  	s9 =	smul.u32 $0xF7A, s1;
	s8 =	simm.s32 @!p0 $0x1BF5;
	p2 =	por !p2, p0  }
0x20: {  	[sflag:s8] =	ssyncset.s32 @!p0 $0xFFFFF086;
	s6 =	sadd.s32 @!p0 s3, s7;
	s7 =	simm.s32 @!p0 $0x108  }
0x21: {  	s3 =	sadd.s32 s3, s9;
	s6 =	sadd.s32 @!p0 $0x88, s6;
	s7 =	simm.s32 @p2 $0x1082  }
0x22: {  	[simem:s7], [sflag:s8] =	dma.local @!p0 [hbm:s6], $0xF7A  }
0x23: {  	s9 =	sor.u32 $0xD0000000, s2;
	s6 =	simm.s32 $0x108;
	_ =	swait.ge @!p0 [sflag:s8], $0x0  }
0x24: {  	s3 =	sadd.s32 $0x88, s3;
	s6 =	simm.s32 @!p1 $0x1082;
	[sflag:s4] =	ssyncset.s32 $0xFFFFF086  }
0x25: {  	[simem:s6], [sflag:s4] =	dma.local [hbm:s3], $0xF7A  }
0x26: {  	[smem:$0x3F9D] =	sst s1;
	(tag) =	ssettag s2;
	_ =	strace s9  }
0x27: {  	s1 =	sld [smem:$0x3FAD]  }
0x28: {  	s2 =	sld [smem:$0x3FAE]  }
0x29: {  	s4 =	sld [smem:$0x3FB0]  }
0x2a: {  	p0 =	seq.s32 s5, $0x0;
	s5 =	sld [smem:$0x3FB1]  }
0x2b: {  	s6 =	sld [smem:$0x3FB2]  }
0x2c: {  	s7 =	sld [smem:$0x3FB3]  }
0x2d: {  	s3 =	simm.s32 $0x108;
	s8 =	sld [smem:$0x3FB4]  }
0x2e: {  	s3 =	simm.s32 @!p0 $0x1082;
	s9 =	sld [smem:$0x3FB5]  }
0x2f: {  	lr =	sadd.s32 s0, s3;
	s0 =	sld [smem:$0x3FAC]  }
0x30: {  	s3 =	sld [smem:$0x3FAF]  }
0x31: {  	[smem:$0x3FB8] =	sst s10  }
0x32: {  	s10 =	sld [smem:$0x3FB6];
	_ =	sdelay $0x3  }
0x33: {  	p0 =	seq.s32 s10, $0x1;
	s10 =	sld [smem:$0x3FB8];
	_ =	sdelay $0x3  }
0x34: {  	[smem:$0x3FB8] =	sst s10  }
0x35: {  	s10 =	sld [smem:$0x3FB7];
	_ =	sdelay $0x3  }
0x36: {  	p1 =	seq.s32 s10, $0x1;
	s10 =	sld [smem:$0x3FB8];
	_ =	sdelay $0x3  }
0x37: {  	[smem:$0x3FB8] =	sst s10  }
0x38: {  	s10 =	sld [smem:$0x3FB9]  }
0x39: {  	_ = 	snop;
	(pc) =	sbr.ind lr, $3  }
0x3a: {  	_ = 	snop  }
0x3b: {  	_ = 	snop  }
0x3c: {  	p2 =	seq.s32 s10, $0x1;
	s10 =	sld [smem:$0x3FB8]  }
0x3d: {  	_ =	shalt  }
0x3e: {  	_ =	shalt  }
0x3f: {  	_ =	shalt  }
0x40: {  	_ =	shalt  }
0x41: {  	_ =	shalt  }
0x42: {  	_ =	shalt  }
0x43: {  	_ =	shalt  }
0x44: {  	_ =	shalt  }
0x45: {  	_ =	shalt  }
0x46: {  	_ =	shalt  }
0x47: {  	_ =	shalt  }
0x48: {  	_ =	shalt  }
0x49: {  	_ =	shalt  }
0x4a: {  	_ =	shalt  }
0x4b: {  	_ =	shalt  }
0x4c: {  	_ =	shalt  }
0x4d: {  	_ =	shalt  }
0x4e: {  	_ =	shalt  }
0x4f: {  	_ =	shalt  }
0x50: {  	_ =	shalt  }
0x51: {  	_ =	shalt  }
0x52: {  	_ =	shalt  }
0x53: {  	_ =	shalt  }
0x54: {  	_ =	shalt  }
0x55: {  	_ =	shalt  }
0x56: {  	_ =	shalt  }
0x57: {  	_ =	shalt  }
0x58: {  	_ =	shalt  }
0x59: {  	_ =	shalt  }
0x5a: {  	_ =	shalt  }
0x5b: {  	_ =	shalt  }
0x5c: {  	_ =	shalt  }
0x5d: {  	_ =	shalt  }
0x5e: {  	_ =	shalt  }
0x5f: {  	_ =	shalt  }
0x60: {  	_ =	shalt  }
0x61: {  	_ =	shalt  }
0x62: {  	_ =	shalt  }
0x63: {  	_ =	shalt  }
0x64: {  	_ =	shalt  }
0x65: {  	_ =	shalt  }
0x66: {  	_ =	shalt  }
0x67: {  	_ =	shalt  }
0x68: {  	_ =	shalt  }
0x69: {  	_ =	shalt  }
0x6a: {  	_ =	shalt  }
0x6b: {  	_ =	shalt  }
0x6c: {  	_ =	shalt  }
0x6d: {  	_ =	shalt  }
0x6e: {  	_ =	shalt  }
0x6f: {  	_ =	shalt  }
0x70: {  	_ =	shalt  }
0x71: {  	_ =	shalt  }
0x72: {  	_ =	shalt  }
0x73: {  	_ =	shalt  }
0x74: {  	_ =	shalt  }
0x75: {  	_ =	shalt  }
0x76: {  	_ =	shalt  }
0x77: {  	_ =	shalt  }
0x78: {  	_ =	shalt  }
0x79: {  	_ =	shalt  }
0x7a: {  	_ =	shalt  }
0x7b: {  	_ =	shalt  }
0x7c: {  	_ =	shalt  }
0x7d: {  	_ =	shalt  }
0x7e: {  	_ =	shalt  }
0x7f: {  	_ =	shalt  }
0x80: {  	_ =	shalt  }
0x81: {  	_ =	shalt  }
0x82: {  	_ =	shalt  }
0x83: {  	_ =	shalt  }
0x84: {  	_ =	shalt  }
0x85: {  	_ =	shalt  }
0x86: {  	_ =	shalt  }
0x87: {  	_ =	shalt  }
.Lfunc_end0:
.L_simem_size_0:
called_computation_lowered:
.L_overlay_start_0:
0x88: {  	s2 =	sld [smem:$0x3FD9]  }
0x89: {  	s3 =	sld [smem:$0x3FFE];
	_ =	sdelay $0x1  }
0x8a: {  	s1 =	srdreg.scid  }
0x8b: {  	s0 =	sand.u32 $0x1, s1  }
0x8c: {  	s17 =	sshll.u32 s0, $0xA;
	s2 =	sadd.s32 s3, s2  }
0x8d: {  	s2 =	sadd.s32 s2, s17  }
0x8e: {  	[smem:$0x3FC4] =	sst s2  }
0x8f: {  	_ = 	snop  }
0x90: {  	s2 =	sld [smem:$0x3FD0];
	(tm) =	ssettm $0x1  }
0x91: {  	s18 =	sld [smem:$0x3FFB];
	_ =	sdelay $0x3  }
0x92: {  	_ =	strace s18  }
0x93: {  	s3 =	sld [smem:$0x3FFC];
	_ =	sdelay $0x3  }
0x94: {  	_ =	strace s3  }
0x95: {  	s3 =	sld [smem:$0x3FFD];
	_ =	sdelay $0x3  }
0x96: {  	_ =	strace s3  }
0x97: {  	_ =	strace $0x8FFFFFFF  }
0x98: {  	s19 =	sld [smem:$0x3FDB];
	_ =	sdelay $0x1  }
0x99: {  	s4 =	simm.s32 $_scs_section_size  }
0x9a: {  	s5 =	simm.s32 $_size__tile_overlayer_lowered;
	s6 =	simm.s32 $_tile_overlayer_lowered  }
0x9b: {  	s22 =	simm.s32 $0x1BFF;
	s21 =	sshll.u32 s6, $0x1;
	s3 =	sadd.s32 s4, s19  }
0x9c: {  	s7 =	simm.s32 $0x0;
	s20 =	sshll.u32 s5, $0x1;
	s5 =	sadd.s32 s21, s3  }
0x9d: {  	[timem:s7], [sflag:s22] =	dma.local [hbm:s5], s20  }
0x9e: {  	_ =	swait.ge [sflag:s22], s20  }
0x9f: {  	s4 =	ssub.s32 $0x0, s20;
	[sflag:s22] =	ssyncset.done $0x0  }
0xa0: {  	[sflag:s22] =	ssyncadd.s32 s4;
	_ =	sdelay $0x1  }
0xa1: {  	s23 =	simm.s32 $0x1B8B  }
0xa2: {  	_ =	swait.ge [sflag:s23], $0x1  }
0xa3: {  	[sflag:s23] =	ssyncset.done $0x0  }
0xa4: {  	s25 =	simm.s32 $0x1B8E;
	s24 =	sld [smem:$0x3FFE];
	[sflag:s23] =	ssyncadd.s32 $0xFFFFFFFF  }
0xa5: {  	s26 =	simm.s32 $execute0_lowered;
	[smem:$0x3FD2] =	sst s25  }
0xa6: {  	s5 =	sshll.u32 s26, $0x1;
	_ =	strace $0x80000046;
	[dreg:$0x1] =	wrdreg $0xFFFFFFFF  }
0xa7: {  	s28 =	simm.s32 $_size_execute0_lowered;
	s3 =	sadd.s32 s3, s5;
	[dreg:$0x0] =	wrdreg $0x0  }
0xa8: {  	s5 =	sshll.u32 s28, $0x1;
	[dreg:$0x2] =	wrdreg s3  }
0xa9: {  	[dreg:$0x3] =	wrdreg s5  }
0xaa: {  	[dreg:$0x4] =	wrdreg $0xC0  }
0xab: {  	_ =	task [dreg:s7], $0x5FFFF  }
0xac: {  	[dreg:$0x1] =	wrdreg $0xFFFFFFFF  }
0xad: {  	[dreg:$0x0] =	wrdreg $0x60  }
0xae: {  	[dreg:$0x2] =	wrdreg s2  }
0xaf: {  	[dreg:$0x3] =	wrdreg s24  }
0xb0: {  	[dreg:$0x4] =	wrdreg $0x87000  }
0xb1: {  	[dreg:$0x5] =	wrdreg $0x1C7000  }
0xb2: {  	[dreg:$0x6] =	wrdreg $0x9  }
0xb3: {  	_ =	task.clear_ibuf [dreg:s7], $0x7FFFF;
	_ =	strace $0x90000046  }
0xb4: {  	s29 =	simm.s32 $0x9;
	_ =	strace $0x80000048  }
0xb5: {  	_ =	swait.ge [sflag:s29], $0x1  }
0xb6: {  	[sflag:s29] =	ssyncadd.s32 $0xFFFFFFFF  }
0xb7: {  	_ =	strace $0x90000048  }
0xb8: {  	_ =	sfence  }
0xb9: {  	s30 =	sld [smem:$0x0];
	_ =	sdelay $0x2  }
0xba: {  	s31 =	sshll.u32 s1, $0xD;
	s1 =	sshrl.u32 s1, $0x2  }
0xbb: {  	s3 =	sand.u32 $0x4000, s31;
	s1 =	sadd.s32 s1, s30  }
0xbc: {  	s0 =	sor.u32 s3, s0;
	s1 =	sshll.u32 s1, $0x11  }
0xbd: {  	s0 =	sor.u32 s1, s0  }
0xbe: {  	s0 =	sadd.s32 $0x8F2B, s0  }
0xbf: {  	[sflag:s0] =	ssyncadd.remote.s32 $0x1  }
0xc0: {  	_ =	sfence.sel $0xFFFF  }
0xc1: {  	[dreg:$0x0] =	wrdreg $0xFFFFFFFF;
	(pc) =	sbr.abs _section_cstart, $3  }
0xc2: {  	[dreg:$0x1] =	wrdreg $0xFFFFFFFF  }
0xc3: {  	_ =	task.clear_ibuf [dreg:s7], $0x2FFFF;
	_ =	strace $0x9FFFFFFF  }
0xc4: {  	(tm) =	ssettm $0x7FFFFFFF  }
0xc5: {  	_ =	shalt  }
tec
execute0_lowered:
.L_overlay_start_1:
0x0: {  	(tag) =	ssettag $0x1  }
0x1: {  	s1 =	rddreg [dreg:$0x0]  }
0x2: {  	s0 =	rddreg [dreg:$0x1]  }
0x3: {  	s3 =	rddreg [dreg:$0x2];
	s2 =	srdreg.scid  }
0x4: {  	s16 =	stileid.u32;
	s4 =	rddreg [dreg:$0x3];
	s5 =	simm.s32 $0x0  }
0x5: {  	s28 =	simm.s32 $0x5;
	s29 =	simm.s32 $0x180;
	s17 =	simm.s32 $0x8400  }
0x6: {  	s18 =	simm.s32 $0x2;
	s2 =	sand.u32 $0x1, s2;
	s10 =	smul.u32 $0x14000, s16  }
0x7: {  	[smem:$0x7FF] =	sst s5;
	s12 =	smul.u32 $0x280, s16;
	s6 =	sadd.s32 $0x1200, s0  }
0x8: {  	s7 =	sadd.s32 $0xC00, s0;
	s8 =	sadd.s32 $0xB800, s0;
	s14 =	smul.u32 $0x50000, s16  }
0x9: {  	s9 =	sadd.s32 $0x1800, s0;
	s16 =	sshll.u32 s16, $0x1;
	s11 =	smul.u32 $0x140000, s2  }
0xa: {  	s13 =	smul.u32 $0x2800, s2;
	s19 =	ssub.s32 $0x2, s2;
	s2 =	sor.u32 s2, s16  }
0xb: {  	_ =	strace $0x80000047;
	s15 =	sshrl.u32 s19, $0x1;
	s21 =	smul.u32 $0x500, s2  }
0xc: {  	s14 =	sshrl.u32 s14, $0x2;
	s16 =	smul.u32 $0x50, s2;
	s11 =	sadd.s32 s10, s11  }
0xd: {  	s13 =	sadd.s32 s12, s13;
	s14 =	sadd.s32 s14, s3;
	s11 =	sshrl.u32 s11, $0x3  }
0xe: {  	s13 =	sshrl.u32 s13, $0x3;
	s20 =	sadd.s32 $0x4000, s14;
	s22 =	sadd.s32 $0x8000, s14  }
0xf: {  	s23 =	sadd.s32 $0xC000, s14;
	s14 =	sadd.s32 $0x10000, s14;
	[dreg:$0x6] =	wrdreg s20  }
0x10: {  	s24 =	sor.u32 $0x10, s21;
	s25 =	sadd.s32 s8, s21;
	[dreg:$0x7] =	wrdreg s22  }
0x11: {  	s11 =	sadd.s32 s11, s0;
	s0 =	sadd.s32 s13, s0;
	[dreg:$0x8] =	wrdreg s23  }
0x12: {  	s13 =	ssub.s32 s19, s15;
	s19 =	sadd.s32 s10, s3;
	[dreg:$0x9] =	wrdreg s14  }
0x13: {  	s20 =	sadd.s32 s12, s4;
	[dreg:$0xb] =	wrdreg s25;
	s10 =	sadd.s32 s9, s21  }
0x14: {  	s26 =	sadd.s32 s8, s24;
	s2 =	sadd.s32 s9, s24;
	[dreg:$0xc] =	wrdreg s10  }
0x15: {  	s21 =	sor.u32 $0x2, s16;
	s22 =	sor.u32 $0x3, s16;
	[dreg:$0xd] =	wrdreg s26  }
0x16: {  	s12 =	simm.s32 $0x8280;
	s14 =	simm.s32 $0x1;
	[dreg:$0xe] =	wrdreg s2  }
.Ltmp0:
0x17: {  	s15 =	simm.s32 $0x0;
	[dreg:$0x5] =	wrdreg s19;
	(pc) =	sbr.rel .LBB2_1-.Ltmp0, $4  }
0x18: {  	s30 =	sadd.s32 $0x16200, s11;
	s0 =	sadd.s32 $0x15800, s0;
	[dreg:$0xa] =	wrdreg s20  }
0x19: {  	s31 =	smax.u32 s13, $0x1;
	s26 =	simm.s32 $0x4200;
	[dreg:$0xf] =	wrdreg s30  }
0x1a: {  	v1 =	vimm.s32 $0x0;
	vm0 =	vcmask $0x300;
	s2 =	simm.s32 $0x80;
	s11 =	simm.s32 $0x2200;
	[dreg:$0x10] =	wrdreg s0  }
0x1b: {  	v0 =	vimm.f32 $0.0e+00;
	v1 =	vsel vm0, $0x3, v1;
	s13 =	simm.s32 $0x8380;
	[dreg:$0x11] =	wrdreg s31;
	s0 =	simm.s32 $0x4  }
.LBB2_10:
0x1c: {  	s10 =	stileid.u32;
	[bflag:$0x0] =	sbarrier.arrive $0xFFFF  }
0x1d: {  	s10 =	sshll.u32 s10, $0x6;
	s19 =	rddreg [dreg:$0x5]  }
0x1e: {  	s20 =	rddreg [dreg:$0xf];
	s10 =	sor.u32 $0x1C05, s10;
	s15 =	sshrl.u32 s19, $0x3  }
0x1f: {  	[hbm:s20], [sflag:s10] =	dma.local [spmem:s15], $0x2800  }
0x20: {  	_ =	swait.ge [sflag:s28], $0x2800  }
0x21: {  	[sflag:s28] =	ssyncset.done $0x0;
	s20 =	rddreg [dreg:$0xa]  }
0x22: {  	s23 =	rddreg [dreg:$0x10];
	[sflag:s28] =	ssyncadd.s32 $0xFFFFD800;
	s25 =	sshrl.u32 s20, $0x3  }
0x23: {  	[hbm:s23], [sflag:s10] =	dma.local [spmem:s25], $0x50  }
0x24: {  	_ =	swait.ge [sflag:s28], $0x50  }
0x25: {  	s30 =	rddreg [dreg:$0x12]  }
0x26: {  	s31 =	rddreg [dreg:$0x11];
	s15 =	sadd.s32 $0x1, s30  }
0x27: {  	p0 =	sne.s32 s15, s31  }
.Ltmp1:
0x28: {  	_ = 	snop;
	(pc) =	sbr.rel @!p0 .LBB2_11-.Ltmp1, $3  }
0x29: {  	_ =	sdelay $0x1  }
0x2a: {  	[sflag:s28] =	ssyncset.done $0x0  }
0x2b: {  	[sflag:s28] =	ssyncadd.s32 $0xFFFFFFB0  }
.LBB2_1:
0x2c: {  	[dreg:$0x12] =	wrdreg s15;
	s10 =	simm.s32 $0x0;
	s15 =	simm.s32 $0x200  }
.LBB2_2:
0x2d: {  	p0 =	sne.s32 s15, $0xFE00;
	[tilespmem:s10+$0x4270] =	vst v0  }
0x2e: {  	[tilespmem:s10+$0x4200] =	vst v0  }
0x2f: {  	[tilespmem:s10+$0x4210] =	vst v0  }
.Ltmp2:
0x30: {  	[tilespmem:s10+$0x4220] =	vst v0;
	(pc) =	sbr.rel @p0 .LBB2_2-.Ltmp2, $4  }
0x31: {  	[tilespmem:s10+$0x4230] =	vst v0  }
0x32: {  	[tilespmem:s10+$0x4240] =	vst v0  }
0x33: {  	[tilespmem:s10+$0x4250] =	vst v0  }
0x34: {  	[tilespmem:s10+$0x4260] =	vst v0;
	s10 =	sshra.s32 s15, $0x2;
	s15 =	sadd.s32 $0x200, s15  }
0x35: {  	[tilespmem:s10+$0x4270] =	vst v0  }
0x36: {  	[tilespmem:s10+$0x4200] =	vst v0  }
0x37: {  	[tilespmem:s10+$0x4210] =	vst v0  }
0x38: {  	[tilespmem:s10+$0x4220] =	vst v0  }
0x39: {  	[tilespmem:s10+$0x4230] =	vst v0  }
0x3a: {  	[tilespmem:s10+$0x4240] =	vst v0  }
0x3b: {  	[tilespmem:s10+$0x4250] =	vst v0  }
0x3c: {  	[tilespmem:s10+$0x4260] =	vst v0  }
0x3d: {  	[tilespmem:$0x8480] =	vst v0  }
0x3e: {  	[tilespmem:$0x8490] =	vst v0  }
0x3f: {  	[tilespmem:$0x84A0] =	vst v0  }
0x40: {  	[tilespmem:$0x84B0] =	vst v0  }
0x41: {  	[tilespmem:$0x84C0] =	vst v0  }
0x42: {  	[tilespmem:$0x84D0] =	vst v0  }
0x43: {  	[tilespmem:$0x84E0] =	vst v0  }
0x44: {  	[tilespmem:$0x84F0] =	vst v0  }
0x45: {  	[tilespmem:$0x8500] =	vst v0  }
0x46: {  	[tilespmem:$0x8510] =	vst v0  }
0x47: {  	[tilespmem:$0x8520] =	vst v0  }
0x48: {  	[tilespmem:$0x8530] =	vst v0  }
0x49: {  	[tilespmem:$0x8540] =	vst v0  }
0x4a: {  	[tilespmem:$0x8550] =	vst v0  }
0x4b: {  	[tilespmem:$0x8560] =	vst v0  }
0x4c: {  	[tilespmem:$0x8570] =	vst v0  }
0x4d: {  	[tilespmem:$0x8580] =	vst v0  }
0x4e: {  	[tilespmem:$0x8590] =	vst v0  }
0x4f: {  	[tilespmem:$0x85A0] =	vst v0  }
0x50: {  	[tilespmem:$0x85B0] =	vst v0  }
0x51: {  	[tilespmem:$0x85C0] =	vst v0  }
0x52: {  	[tilespmem:$0x85D0] =	vst v0  }
0x53: {  	[tilespmem:$0x85E0] =	vst v0  }
0x54: {  	[tilespmem:$0x85F0] =	vst v0  }
0x55: {  	[tilespmem:$0x8600] =	vst v0  }
0x56: {  	[tilespmem:$0x8610] =	vst v0  }
0x57: {  	[tilespmem:$0x8620] =	vst v0  }
0x58: {  	[tilespmem:$0x8630] =	vst v0  }
0x59: {  	[tilespmem:$0x8640] =	vst v0  }
0x5a: {  	[tilespmem:$0x8650] =	vst v0  }
0x5b: {  	[tilespmem:$0x8660] =	vst v0  }
0x5c: {  	[tilespmem:$0x8670] =	vst v0  }
0x5d: {  	[tilespmem:$0x8680] =	vst v0  }
0x5e: {  	[tilespmem:$0x8690] =	vst v0  }
0x5f: {  	[tilespmem:$0x86A0] =	vst v0  }
0x60: {  	[tilespmem:$0x86B0] =	vst v0  }
0x61: {  	[tilespmem:$0x86C0] =	vst v0  }
0x62: {  	[tilespmem:$0x86D0] =	vst v0  }
0x63: {  	[tilespmem:$0x86E0] =	vst v0  }
0x64: {  	[tilespmem:$0x86F0] =	vst v0  }
0x65: {  	[spmem:s19] =	stream.linear.scatter [tilespmem:s26], [sflag:$0x5], $0x4000, $0x38;
	[tilespmem:$0x1C980] =	vst v63  }
0x66: {  	_ =	swait.ge [sflag:s28], $0x4000  }
0x67: {  	[sflag:s28] =	ssyncset.done $0x0  }
0x68: {  	s15 =	rddreg [dreg:$0x6];
	[sflag:s28] =	ssyncadd.s32 $0xFFFFC000  }
0x69: {  	[spmem:s15] =	stream.linear.scatter [tilespmem:s26], [sflag:$0x5], $0x4000, $0x38;
	[tilespmem:$0x1C980] =	vst v63  }
0x6a: {  	_ =	swait.ge [sflag:s28], $0x4000  }
0x6b: {  	[sflag:s28] =	ssyncset.done $0x0  }
0x6c: {  	s19 =	rddreg [dreg:$0x7];
	[sflag:s28] =	ssyncadd.s32 $0xFFFFC000  }
0x6d: {  	[spmem:s19] =	stream.linear.scatter [tilespmem:s26], [sflag:$0x5], $0x4000, $0x38;
	[tilespmem:$0x1C980] =	vst v63  }
0x6e: {  	_ =	swait.ge [sflag:s28], $0x4000  }
0x6f: {  	[sflag:s28] =	ssyncset.done $0x0  }
0x70: {  	s23 =	rddreg [dreg:$0x8];
	[sflag:s28] =	ssyncadd.s32 $0xFFFFC000  }
0x71: {  	[spmem:s23] =	stream.linear.scatter [tilespmem:s26], [sflag:$0x5], $0x4000, $0x38;
	[tilespmem:$0x1C980] =	vst v63  }
0x72: {  	_ =	swait.ge [sflag:s28], $0x4000  }
0x73: {  	[sflag:s28] =	ssyncset.done $0x0  }
0x74: {  	s24 =	rddreg [dreg:$0x9];
	[sflag:s28] =	ssyncadd.s32 $0xFFFFC000  }
0x75: {  	[spmem:s24] =	stream.linear.scatter [tilespmem:s26], [sflag:$0x5], $0x4000, $0x38;
	[tilespmem:$0x1C980] =	vst v63  }
0x76: {  	_ =	swait.ge [sflag:s28], $0x4000  }
0x77: {  	[sflag:s28] =	ssyncset.done $0x0  }
0x78: {  	s25 =	simm.s32 $0x8480;
	[sflag:s28] =	ssyncadd.s32 $0xFFFFC000  }
0x79: {  	[spmem:s20] =	stream.linear.scatter [tilespmem:s25], [sflag:$0x5], $0x280, $0x38;
	[tilespmem:$0x1C980] =	vst v63  }
0x7a: {  	_ =	swait.ge [sflag:s28], $0x280  }
0x7b: {  	[sflag:s28] =	ssyncset.done $0x0  }
0x7c: {  	[sflag:s28] =	ssyncadd.s32 $0xFFFFFD80  }
0x7d: {  	[bflag:$0x0] =	sbarrier.arrive $0xFFFF  }
0x7e: {  	s20 =	simm.s32 $0x0;
	s30 =	rddreg [dreg:$0xb]  }
0x7f: {  	[tilespmem:s20], [sflag:$0x3] =	stream.linear.gather [hbm4b:s30+s20], $0x80, $0x38;
	[tilespmem:$0x1C980] =	vst v63  }
0x80: {  	s15 =	simm.s32 $0x100;
	s19 =	simm.s32 $0x3;
	s31 =	rddreg [dreg:$0xc]  }
0x81: {  	[tilespmem:s15], [sflag:$0x3] =	stream.linear.gather [hbm4b:s31+s20], $0x80, $0x38;
	[tilespmem:$0x1C980] =	vst v63  }
0x82: {  	_ =	swait.ge [sflag:s19], $0x80  }
0x83: {  	[sflag:s19] =	ssyncset.done $0x0  }
0x84: {  	[sflag:s19] =	ssyncadd.s32 $0xFFFFFF80  }
0x85: {  	_ =	swait.ge [sflag:s19], $0x80  }
0x86: {  	[sflag:s19] =	ssyncset.done $0x0  }
0x87: {  	s23 =	simm.s32 $0x200;
	[sflag:s19] =	ssyncadd.s32 $0xFFFFFF80  }
0x88: {  	[tilespmem:s23], [sflag:$0x1] =	stream.indirect.gather [hbm4b:s1+s2], $0x40, s15, s2, $0xb8;
	[tilespmem:$0x1C980] =	vst v63  }
0x89: {  	s24 =	simm.s32 $0x8200  }
0x8a: {  	[tilespmem:s24], [sflag:$0x1] =	stream.indirect.gather [hbm4b:s6+s2], $0x1, s20, s2, $0xb8;
	[tilespmem:$0x1C980] =	vst v63  }
0x8b: {  	s25 =	simm.s32 $0x8300  }
0x8c: {  	[tilespmem:s25], [sflag:$0x1] =	stream.indirect.gather [hbm4b:s7+s2], $0x1, s15, s2, $0xb8;
	[tilespmem:$0x1C980] =	vst v63  }
0x8d: {  	s30 =	rddreg [dreg:$0xd]  }
0x8e: {  	[tilespmem:s2], [sflag:$0x4] =	stream.linear.gather [hbm4b:s30+s20], $0x80, $0x38;
	[tilespmem:$0x1C980] =	vst v63  }
0x8f: {  	s31 =	rddreg [dreg:$0xe];
	s23 =	simm.s32 $0x0  }
0x90: {  	[tilespmem:s29], [sflag:$0x4] =	stream.linear.gather [hbm4b:s31+s20], $0x80, $0x38;
	[tilespmem:$0x1C980] =	vst v63  }
.LBB2_4:
0x91: {  	_ =	swait.ge [sflag:s0], $0x80  }
0x92: {  	[sflag:s0] =	ssyncset.done $0x0  }
0x93: {  	[sflag:s0] =	ssyncadd.s32 $0xFFFFFF80  }
0x94: {  	_ =	swait.ge [sflag:s0], $0x80  }
0x95: {  	[sflag:s0] =	ssyncset.done $0x0  }
0x96: {  	[sflag:s0] =	ssyncadd.s32 $0xFFFFFF80  }
0x97: {  	[tilespmem:s11], [sflag:$0x2] =	stream.indirect.gather [hbm4b:s1+s2], $0x40, s29, s2, $0xb8;
	[tilespmem:$0x1C980] =	vst v63  }
0x98: {  	_ = 	snop  }
0x99: {  	[tilespmem:s12], [sflag:$0x2] =	stream.indirect.gather [hbm4b:s6+s2], $0x1, s2, s2, $0xb8;
	[tilespmem:$0x1C980] =	vst v63  }
0x9a: {  	_ = 	snop  }
0x9b: {  	[tilespmem:s13], [sflag:$0x2] =	stream.indirect.gather [hbm4b:s7+s2], $0x1, s29, s2, $0xb8;
	[tilespmem:$0x1C980] =	vst v63  }
0x9c: {  	_ =	swait.ge [sflag:s14], $0x2000  }
0x9d: {  	[sflag:s14] =	ssyncset.done $0x0  }
0x9e: {  	[sflag:s14] =	ssyncadd.s32 $0xFFFFE000  }
0x9f: {  	_ =	swait.ge [sflag:s14], $0x80  }
0xa0: {  	[sflag:s14] =	ssyncset.done $0x0  }
0xa1: {  	[sflag:s14] =	ssyncadd.s32 $0xFFFFFF80  }
0xa2: {  	_ =	swait.ge [sflag:s14], $0x80  }
0xa3: {  	[sflag:s14] =	ssyncset.done $0x0  }
0xa4: {  	[sflag:s14] =	ssyncadd.s32 $0xFFFFFF80  }
0xa5: {  	v2 =	vld [tilespmem:$0x8200]  }
0xa6: {  	v3 =	vld [tilespmem:$0x8300]  }
0xa7: {  	v4 =	vld [tilespmem:$0x8210]  }
0xa8: {  	v5 =	vld [tilespmem:$0x8310]  }
0xa9: {  	v6 =	vld [tilespmem:$0x8220]  }
0xaa: {  	v7 =	vld [tilespmem:$0x8320]  }
0xab: {  	v8 =	vld [tilespmem:$0x8330];
	v2 =	vadd.f32 v3, v2  }
0xac: {  	v3 =	vld [tilespmem:$0x8230]  }
0xad: {  	v10 =	vld [tilespmem:$0x8240];
	v9 =	vmul.f32 $2.000000030e-01, v2  }
0xae: {  	v11 =	vld [tilespmem:$0x8340];
	vm0 =	vgt.f32 v2, $0.0e+00  }
0xaf: {  	v12 =	vld [tilespmem:$0x8360];
	v4 =	vadd.f32 v5, v4;
	v2 =	vsel vm0, v2, v9  }
0xb0: {  	v5 =	vld [tilespmem:$0x8250];
	v6 =	vadd.f32 v7, v6;
	v2 =	vmul.f32 $1.442695020e+00, v2  }
0xb1: {  	v7 =	vld [tilespmem:$0x8350];
	v9 =	vmul.f32 $2.000000030e-01, v4;
	v3 =	vadd.f32 v8, v3  }
0xb2: {  	vm9 =	vgt.f32 v4, $0.0e+00;
	v8 =	vld [tilespmem:$0x8260];
	(erf) = vpow2.f32 v2;
	v2 =	vmul.f32 $2.000000030e-01, v6  }
0xb3: {  	vm10 =	vgt.f32 v6, $0.0e+00;
	v4 =	vsel vm9, v4, v9;
	v9 =	vmul.f32 $2.000000030e-01, v3  }
0xb4: {  	v4 =	vmul.f32 $1.442695020e+00, v4;
	vm11 =	vgt.f32 v3, $0.0e+00;
	v2 =	vsel vm10, v6, v2  }
0xb5: {  	v3 =	vsel vm11, v3, v9;
	v6 =	vadd.f32 v11, v10;
	v9 =	vld [tilespmem:$0x8270];
	v2 =	vmul.f32 $1.442695020e+00, v2  }
0xb6: {  	(erf) = vpow2.f32 v4;
	v4 =	vadd.f32 v7, v5;
	v5 =	vld [tilespmem:$0x8370];
	v3 =	vmul.f32 $1.442695020e+00, v3  }
0xb7: {  	v7 =	vadd.f32 v12, v8;
	(erf) = vpow2.f32 v2;
	v2 =	vmul.f32 $2.000000030e-01, v6  }
0xb8: {  	vm12 =	vgt.f32 v6, $0.0e+00;
	(erf) = vpow2.f32 v3;
	v3 =	vmul.f32 $2.000000030e-01, v4  }
0xb9: {  	vm13 =	vgt.f32 v4, $0.0e+00;
	v2 =	vsel vm12, v6, v2;
	v6 =	vmul.f32 $2.000000030e-01, v7  }
0xba: {  	vm14 =	vgt.f32 v7, $0.0e+00;
	v2 =	vmul.f32 $1.442695020e+00, v2;
	v3 =	vsel vm13, v4, v3  }
0xbb: {  	v5 =	vadd.f32 v5, v9;
	v3 =	vmul.f32 $1.442695020e+00, v3;
	v4 =	vsel vm14, v7, v6  }
0xbc: {  	(erf) = vpow2.f32 v2;
	v2 =	vmul.f32 $1.442695020e+00, v4  }
0xbd: {  	(erf) = vpow2.f32 v3;
	v3 =	vmul.f32 $2.000000030e-01, v5  }
0xbe: {  	vm15 =	vgt.f32 v5, $0.0e+00  }
0xbf: {  	(erf) = vpow2.f32 v2;
	v2 =	vsel vm15, v5, v3  }
0xc0: {  	v2 =	vmul.f32 $1.442695020e+00, v2;
	_ =	sdelay $0x1  }
0xc1: {  	s24 =	sshll.u32 s23, $0x1;
	v3 =	vpop (erf)  }
0xc2: {  	s10 =	sadd.s32 s16, s24;
	v4 =	vpop (erf);
	(erf) = vpow2.f32 v2  }
0xc3: {  	p0 =	slt.u32 s10, $0x9C4;
	s10 =	simm.f32 $1.000000000e+00;
	v2 =	vpop (erf)  }
0xc4: {  	s15 =	simm.s32 $0x7;
	s10 =	simm.s32 @!p0 $0x0;
	v5 =	vpop (erf)  }
0xc5: {  	v8 =	vmov s15;
	v3 =	vmul.f32 s10, v3;
	v6 =	vpop (erf)  }
0xc6: {  	s25 =	simm.s32 $0x1;
	v8 =	vshrl.u32 v8, $0x3;
	v4 =	vmul.f32 s10, v4;
	v2 =	vmul.f32 s10, v2;
	v7 =	vpop (erf)  }
0xc7: {  	[tilespmem:$0x8400] =	vst v3;
	v6 =	vmul.f32 s10, v6;
	v3 =	vmul.f32 s10, v7;
	v7 =	vmov s25  }
0xc8: {  	v8 =	vshll.u32 v8, v1;
	[tilespmem:$0x8410] =	vst v4;
	v5 =	vmul.f32 s10, v5;
	s25 =	simm.s32 $0x2;
	v7 =	vshrl.u32 v7, $0x3  }
0xc9: {  	v8 =	vadd.s32 $0x7, v8;
	[tilespmem:$0x8420] =	vst v2;
	v9 =	vpop (erf);
	v2 =	vmov s25;
	v7 =	vshll.u32 v7, v1  }
0xca: {  	s19 =	simm.s32 $0x3;
	[tilespmem:$0x8430] =	vst v5;
	v4 =	vmul.f32 s10, v9;
	v2 =	vshrl.u32 v2, $0x3;
	v5 =	vadd.s32 $0x1, v7  }
0xcb: {  	[tilespmem:$0x8440] =	vst v6;
	v7 =	vbroadcast v8, $0x0;
	v6 =	vpop (erf);
	v8 =	vmov s19;
	v2 =	vshll.u32 v2, v1  }
0xcc: {  	[tilespmem:$0x8450] =	vst v3;
	v5 =	vbroadcast v5, $0x0;
	v3 =	vmul.f32 s10, v6;
	v2 =	vadd.s32 $0x2, v2  }
0xcd: {  	s25 =	simm.s32 $0x4;
	[tilespmem:$0x8460] =	vst v4;
	v6 =	vshrl.u32 v8, $0x3;
	v2 =	vbroadcast v2, $0x0  }
0xce: {  	s30 =	simm.s32 $0x300;
	v4 =	vmov s25;
	v6 =	vshll.u32 v6, v1;
	[tilespmem:$0x8470] =	vst v3  }
0xcf: {  	v3 =	vshrl.u32 v4, $0x3;
	v4 =	vadd.s32 $0x3, v6;
	v6 =	vld [tilespmem:s30+$0xC0]  }
0xd0: {  	v4 =	vbroadcast v4, $0x0;
	v11 =	vld [tilespmem:s30+$0xFFFFFF40]  }
0xd1: {  	s19 =	simm.s32 $0x5;
	v7 =	vld.idx.msk [tilespmem:v7+s17+$0x0], $0xffff  }
0xd2: {  	s25 =	simm.s32 $0x6;
	v3 =	vshll.u32 v3, v1;
	v10 =	vld.idx.msk [tilespmem:v5+s17+$0x0], $0xffff;
	v5 =	vmov s19  }
0xd3: {  	v3 =	vadd.s32 $0x4, v3;
	v5 =	vshrl.u32 v5, $0x3;
	v9 =	vld.idx.msk [tilespmem:v2+s17+$0x0], $0xffff;
	v2 =	vmov s25  }
0xd4: {  	v12 =	vld [tilespmem:s30+$0xFFFFFF80];
	v3 =	vbroadcast v3, $0x0;
	v5 =	vshll.u32 v5, v1;
	v2 =	vshrl.u32 v2, $0x3  }
0xd5: {  	v14 =	vld [tilespmem:s30+$0xFFFFFFC0];
	v13 =	vunpack.i.l.bf16.f32 v6;
	v15 =	vunpack.i.l.bf16.f32 v11;
	v5 =	vadd.s32 $0x5, v5  }
0xd6: {  	v8 =	vld.idx.msk [tilespmem:v4+s17+$0x0], $0xffff;
	v2 =	vshll.u32 v2, v1;
	v4 =	vunpack.i.u.bf16.f32 v6;
	v6 =	vmul.f32 v13, v7  }
0xd7: {  	s25 =	simm.s32 $0x4400;
	v13 =	vmov s20;
	v4 =	vmul.f32 v4, v7;
	v2 =	vadd.s32 $0x6, v2  }
0xd8: {  	v5 =	vbroadcast v5, $0x0;
	v13 =	vshrl.u32 v13, $0x3;
	v2 =	vbroadcast v2, $0x0;
	[tilespmem:s25+$0x180] =	vst v6  }
0xd9: {  	v16 =	vld [tilespmem:s30+$0x0];
	v6 =	vunpack.i.u.bf16.f32 v11;
	v11 =	vmul.f32 v15, v10;
	[tilespmem:s25+$0x1C0] =	vst v4;
	v4 =	vshll.u32 v13, v1  }
0xda: {  	v3 =	vld.idx.msk [tilespmem:v3+s17+$0x0], $0xffff;
	v13 =	vunpack.i.l.bf16.f32 v12;
	v12 =	vunpack.i.u.bf16.f32 v12;
	v6 =	vmul.f32 v6, v10  }
0xdb: {  	v17 =	vunpack.i.l.bf16.f32 v14;
	v15 =	vld [tilespmem:s30+$0xD0];
	v12 =	vmul.f32 v12, v9;
	[tilespmem:s25+$0xFFFFFE80] =	vst v11  }
0xdc: {  	v14 =	vunpack.i.u.bf16.f32 v14;
	v4 =	vbroadcast v4, $0x0;
	v11 =	vmul.f32 v13, v9;
	[tilespmem:s25+$0xFFFFFEC0] =	vst v6  }
0xdd: {  	v18 =	vld [tilespmem:s30+$0x40];
	v14 =	vmul.f32 v14, v8;
	[tilespmem:s25+$0xFFFFFF40] =	vst v12  }
0xde: {  	[tilespmem:s25+$0xFFFFFF00] =	vst v11;
	v11 =	vmul.f32 v17, v8;
	v6 =	vld.idx.msk [tilespmem:v5+s17+$0x0], $0xffff;
	v5 =	vunpack.i.l.bf16.f32 v16  }
0xdf: {  	v12 =	vld [tilespmem:s30+$0x80];
	[tilespmem:s25+$0xFFFFFFC0] =	vst v14;
	v14 =	vunpack.i.u.bf16.f32 v16;
	v17 =	vmul.f32 v5, v3  }
0xe0: {  	v5 =	vld.idx.msk [tilespmem:v2+s17+$0x0], $0xffff;
	v14 =	vmul.f32 v14, v3;
	[tilespmem:s25+$0xFFFFFF80] =	vst v11;
	v11 =	vunpack.i.l.bf16.f32 v15  }
0xe1: {  	v13 =	vld [tilespmem:s30+$0xFFFFFF00];
	v2 =	vunpack.i.u.bf16.f32 v15;
	v11 =	vmul.f32 v11, v7;
	[tilespmem:s25+$0x0] =	vst v17  }
0xe2: {  	v15 =	vunpack.i.l.bf16.f32 v18;
	v4 =	vld.idx.msk [tilespmem:v4+s17+$0x0], $0xffff;
	v2 =	vmul.f32 v2, v7;
	[tilespmem:s25+$0x40] =	vst v14  }
0xe3: {  	v16 =	vld [tilespmem:s30+$0xFFFFFF50];
	[tilespmem:s25+$0x190] =	vst v11;
	v11 =	vunpack.i.u.bf16.f32 v18;
	v15 =	vmul.f32 v15, v6  }
0xe4: {  	[tilespmem:s25+$0x1D0] =	vst v2;
	v2 =	vunpack.i.l.bf16.f32 v12;
	v11 =	vmul.f32 v11, v6  }
0xe5: {  	v17 =	vld [tilespmem:s30+$0xFFFFFF90];
	v12 =	vunpack.i.u.bf16.f32 v12;
	v18 =	vmul.f32 v2, v5;
	[tilespmem:s25+$0x80] =	vst v15  }
0xe6: {  	v14 =	vld [tilespmem:s30+$0xE0];
	v12 =	vmul.f32 v12, v5;
	v15 =	vunpack.i.l.bf16.f32 v13;
	[tilespmem:s25+$0xC0] =	vst v11  }
0xe7: {  	v19 =	vld [tilespmem:s30+$0xFFFFFFD0];
	v11 =	vunpack.i.u.bf16.f32 v13;
	v13 =	vmul.f32 v15, v4;
	[tilespmem:s25+$0x100] =	vst v18  }
0xe8: {  	v15 =	vunpack.i.u.bf16.f32 v16;
	v16 =	vunpack.i.l.bf16.f32 v16;
	[tilespmem:s25+$0x140] =	vst v12;
	v11 =	vmul.f32 v11, v4  }
0xe9: {  	v2 =	vmov s10;
	v18 =	vld [tilespmem:s30+$0x10];
	v12 =	vmul.f32 v16, v10;
	[tilespmem:s25+$0xFFFFFE00] =	vst v13  }
0xea: {  	v15 =	vmul.f32 v15, v10;
	v16 =	vunpack.i.u.bf16.f32 v17;
	v20 =	vld [tilespmem:s30+$0x50];
	v17 =	vunpack.i.l.bf16.f32 v17;
	[tilespmem:s25+$0xFFFFFE40] =	vst v11  }
0xeb: {  	v21 =	vld [tilespmem:s30+$0x90];
	v13 =	vunpack.i.l.bf16.f32 v14;
	v11 =	vunpack.i.u.bf16.f32 v14;
	v14 =	vmul.f32 v17, v9;
	[tilespmem:s25+$0xFFFFFE90] =	vst v12  }
0xec: {  	v17 =	vunpack.i.l.bf16.f32 v19;
	v12 =	vmul.f32 v16, v9;
	[tilespmem:s25+$0xFFFFFED0] =	vst v15;
	v13 =	vmul.f32 v13, v7  }
0xed: {  	v16 =	vunpack.i.u.bf16.f32 v19;
	v11 =	vmul.f32 v11, v7;
	v17 =	vmul.f32 v17, v8;
	v19 =	vld [tilespmem:s30+$0xFFFFFF10];
	[tilespmem:s25+$0xFFFFFF10] =	vst v14  }
0xee: {  	v23 =	vld [tilespmem:s30+$0xFFFFFF60];
	[tilespmem:s25+$0x1A0] =	vst v13;
	v13 =	vmul.f32 v16, v8;
	v16 =	vunpack.i.u.bf16.f32 v18;
	v18 =	vunpack.i.l.bf16.f32 v18  }
0xef: {  	[tilespmem:s25+$0x1E0] =	vst v11;
	v11 =	vmul.f32 v16, v3;
	v16 =	vmul.f32 v18, v3;
	v18 =	vunpack.i.l.bf16.f32 v20  }
0xf0: {  	[tilespmem:s25+$0xFFFFFF50] =	vst v12;
	v22 =	vunpack.i.l.bf16.f32 v21;
	v20 =	vunpack.i.u.bf16.f32 v20;
	v18 =	vmul.f32 v18, v6  }
0xf1: {  	s15 =	simm.s32 $0xA;
	[tilespmem:s25+$0xFFFFFF90] =	vst v17;
	v14 =	vmul.f32 v20, v6;
	v20 =	vunpack.i.u.bf16.f32 v21;
	v21 =	vmul.f32 v22, v5  }
0xf2: {  	v15 =	vld [tilespmem:s30+$0xF0];
	[tilespmem:s25+$0xFFFFFFD0] =	vst v13;
	v13 =	vmov s15;
	v12 =	vmul.f32 v20, v5;
	v20 =	vunpack.i.u.bf16.f32 v19  }
0xf3: {  	v22 =	vld [tilespmem:s30+$0xFFFFFFA0];
	v19 =	vunpack.i.l.bf16.f32 v19;
	[tilespmem:s25+$0x10] =	vst v16;
	v25 =	vunpack.i.u.bf16.f32 v23;
	v23 =	vunpack.i.l.bf16.f32 v23  }
0xf4: {  	s19 =	simm.s32 $0x9;
	[tilespmem:s25+$0x50] =	vst v11;
	v13 =	vshrl.u32 v13, $0x3;
	v17 =	vmul.f32 v19, v4;
	v19 =	vmul.f32 v20, v4  }
0xf5: {  	v24 =	vld [tilespmem:s30+$0xFFFFFFE0];
	v20 =	vmov s19;
	v23 =	vmul.f32 v23, v10;
	[tilespmem:s25+$0x90] =	vst v18;
	v13 =	vshll.u32 v13, v1  }
0xf6: {  	v25 =	vmul.f32 v25, v10;
	[tilespmem:s25+$0xD0] =	vst v14;
	v14 =	vshrl.u32 v20, $0x3;
	v13 =	vadd.s32 $0x2, v13  }
0xf7: {  	s19 =	simm.s32 $0xB;
	v26 =	vld [tilespmem:s30+$0x20];
	[tilespmem:s25+$0x110] =	vst v21;
	v16 =	vunpack.i.u.bf16.f32 v15;
	v15 =	vunpack.i.l.bf16.f32 v15;
	v14 =	vshll.u32 v14, v1  }
0xf8: {  	[tilespmem:s25+$0x150] =	vst v12;
	v11 =	vmul.f32 v16, v7;
	v16 =	vmov s19;
	v18 =	vunpack.i.u.bf16.f32 v22  }
0xf9: {  	v58 =	vld [tilespmem:s30+$0x60];
	[tilespmem:s25+$0xFFFFFEA0] =	vst v23;
	v22 =	vunpack.i.l.bf16.f32 v22;
	v7 =	vmul.f32 v15, v7;
	v14 =	vadd.s32 $0x1, v14  }
0xfa: {  	s15 =	simm.s32 $0xC;
	[tilespmem:s25+$0xFFFFFEE0] =	vst v25;
	v15 =	vmul.f32 v22, v9;
	v18 =	vmul.f32 v18, v9;
	v20 =	vunpack.i.u.bf16.f32 v24  }
0xfb: {  	v60 =	vld [tilespmem:s30+$0xFFFFFF70];
	v22 =	vunpack.i.l.bf16.f32 v24;
	v12 =	vshrl.u32 v16, $0x3;
	[tilespmem:s25+$0x1F0] =	vst v11;
	v11 =	vmov s15  }
0xfc: {  	[tilespmem:s25+$0xFFFFFE10] =	vst v17;
	v21 =	vmul.f32 v22, v8;
	v20 =	vmul.f32 v20, v8;
	v16 =	vunpack.i.u.bf16.f32 v26;
	v22 =	vld [tilespmem:s30+$0xA0]  }
0xfd: {  	[tilespmem:s25+$0xFFFFFE50] =	vst v19;
	v17 =	vunpack.i.l.bf16.f32 v26;
	v19 =	vshll.u32 v12, v1;
	v11 =	vshrl.u32 v11, $0x3  }
0xfe: {  	v59 =	vld [tilespmem:s30+$0xFFFFFF20];
	v17 =	vmul.f32 v17, v3;
	v16 =	vmul.f32 v16, v3;
	v12 =	vunpack.i.l.bf16.f32 v58;
	[tilespmem:s25+$0xFFFFFF20] =	vst v15  }
0xff: {  	[tilespmem:s25+$0xFFFFFF60] =	vst v18;
	v23 =	vshll.u32 v11, v1;
	v11 =	vunpack.i.u.bf16.f32 v58;
	v61 =	vmul.f32 v12, v6  }
0x100: {  	v27 =	vmul.f32 v11, v6;
	v11 =	vbroadcast v14, $0x0;
	[tilespmem:s25+$0x20] =	vst v17;
	v17 =	vunpack.i.l.bf16.f32 v60  }
0x101: {  	v18 =	vld [tilespmem:s30+$0xFFFFFFB0];
	[tilespmem:s25+$0xFFFFFFA0] =	vst v21;
	v17 =	vmul.f32 v17, v10;
	v12 =	vunpack.i.u.bf16.f32 v22;
	v14 =	vunpack.i.l.bf16.f32 v22  }
0x102: {  	v19 =	vadd.s32 $0x3, v19;
	[tilespmem:s25+$0xFFFFFFE0] =	vst v20;
	v22 =	vmul.f32 v14, v5;
	v28 =	vmul.f32 v12, v5  }
0x103: {  	v62 =	vld [tilespmem:s30+$0xFFFFFFF0];
	v12 =	vbroadcast v13, $0x0;
	v13 =	vunpack.i.u.bf16.f32 v59;
	v14 =	vunpack.i.l.bf16.f32 v59  }
0x104: {  	[tilespmem:s25+$0x60] =	vst v16;
	v20 =	vmul.f32 v14, v4;
	v15 =	vmul.f32 v13, v4;
	v14 =	vunpack.i.u.bf16.f32 v60  }
0x105: {  	[tilespmem:s25+$0xA0] =	vst v61;
	v13 =	vbroadcast v19, $0x0;
	v19 =	vadd.s32 $0x4, v23;
	v16 =	vmul.f32 v14, v10;
	v10 =	vld [tilespmem:s30+$0x30]  }
0x106: {  	s19 =	simm.s32 $0xF;
	[tilespmem:s25+$0xE0] =	vst v27;
	v14 =	vbroadcast v19, $0x0;
	v19 =	vunpack.i.u.bf16.f32 v18;
	v18 =	vunpack.i.l.bf16.f32 v18  }
0x107: {  	v23 =	vmov s19;
	[tilespmem:s25+$0x120] =	vst v22;
	v21 =	vmul.f32 v18, v9;
	v18 =	vmul.f32 v19, v9;
	v9 =	vld [tilespmem:s30+$0x70]  }
0x108: {  	v63 =	vunpack.i.u.bf16.f32 v62;
	v22 =	vunpack.i.l.bf16.f32 v62;
	[tilespmem:s25+$0x160] =	vst v28;
	v19 =	vshrl.u32 v23, $0x3  }
0x109: {  	s31 =	simm.s32 $0x10;
	s10 =	simm.s32 $0x4400;
	s15 =	simm.s32 $0x8;
	[tilespmem:s25+$0xFFFFFE20] =	vst v20;
	v22 =	vmul.f32 v22, v8;
	v20 =	vld [tilespmem:s30+$0xB0];
	v23 =	vshll.u32 v19, v1;
	v19 =	vmul.f32 v63, v8  }
.LBB2_5:
0x10a: {  	p0 =	slt.u32 s31, $0x78;
	v8 =	vadd.s32 $0x7, v23;
	[tilespmem:s25+$0xFFFFFE60] =	vst v15;
	v15 =	vunpack.i.u.bf16.f32 v10;
	v10 =	vunpack.i.l.bf16.f32 v10  }
0x10b: {  	v23 =	vbroadcast v8, $0x0;
	v24 =	vld [tilespmem:s30+$0xFFFFFF30];
	[tilespmem:s25+$0xFFFFFEB0] =	vst v17;
	v17 =	vmul.f32 v10, v3  }
0x10c: {  	s19 =	sadd.s32 $0x5, s15;
	v15 =	vmul.f32 v15, v3;
	v10 =	vld.idx.msk [tilespmem:v11+s17+$0x0], $0xffff;
	[tilespmem:s25+$0xFFFFFEF0] =	vst v16;
	v3 =	vunpack.i.u.bf16.f32 v9;
	v8 =	vunpack.i.l.bf16.f32 v9  }
0x10d: {  	v11 =	vmov s19;
	s19 =	sadd.s32 $0x6, s15;
	v9 =	vld.idx.msk [tilespmem:v12+s17+$0x0], $0xffff;
	[tilespmem:s25+$0xFFFFFF30] =	vst v21;
	v12 =	vmul.f32 v8, v6;
	v6 =	vmul.f32 v3, v6  }
0x10e: {  	v8 =	vld.idx.msk [tilespmem:v13+s17+$0x0], $0xffff;
	v13 =	vmov s19;
	[tilespmem:s25+$0xFFFFFF70] =	vst v18;
	v16 =	vunpack.i.u.bf16.f32 v20;
	v18 =	vunpack.i.l.bf16.f32 v20  }
0x10f: {  	s30 =	sadd.s32 $0x200, s30;
	v11 =	vshrl.u32 v11, $0x3;
	v3 =	vld.idx.msk [tilespmem:v14+s17+$0x0], $0xffff;
	[tilespmem:s25+$0xFFFFFFB0] =	vst v22;
	v14 =	vmul.f32 v18, v5;
	v5 =	vmul.f32 v16, v5  }
0x110: {  	v16 =	vshll.u32 v11, v1;
	v18 =	vld [tilespmem:s30+$0xC0];
	v20 =	vunpack.i.u.bf16.f32 v24;
	v21 =	vunpack.i.l.bf16.f32 v24;
	[tilespmem:s25+$0xFFFFFFF0] =	vst v19  }
0x111: {  	v13 =	vshrl.u32 v13, $0x3;
	v11 =	vld.idx.msk [tilespmem:v23+s17+$0x0], $0xffff;
	v19 =	vmul.f32 v21, v4;
	v4 =	vmul.f32 v20, v4;
	[tilespmem:s25+$0x30] =	vst v17  }
0x112: {  	v16 =	vadd.s32 $0x5, v16;
	v13 =	vshll.u32 v13, v1;
	v17 =	vld [tilespmem:s30+$0xFFFFFF00];
	[tilespmem:s25+$0x70] =	vst v15  }
0x113: {  	v16 =	vbroadcast v16, $0x0;
	v13 =	vadd.s32 $0x6, v13;
	v15 =	vmov s15;
	s15 =	smov.u32 s31;
	v20 =	vld [tilespmem:s30+$0xFFFFFF40];
	[tilespmem:s25+$0xB0] =	vst v12  }
0x114: {  	v13 =	vbroadcast v13, $0x0;
	v12 =	vshrl.u32 v15, $0x3;
	v15 =	vld [tilespmem:s30+$0xFFFFFF80];
	[tilespmem:s25+$0xF0] =	vst v6  }
0x115: {  	v6 =	vshll.u32 v12, v1;
	v12 =	vld [tilespmem:s30+$0xFFFFFFC0];
	[tilespmem:s25+$0x130] =	vst v14  }
0x116: {  	v14 =	vbroadcast v6, $0x0;
	v6 =	vunpack.i.l.bf16.f32 v18;
	v21 =	vld [tilespmem:s30+$0x0];
	[tilespmem:s25+$0x170] =	vst v5  }
0x117: {  	v5 =	vunpack.i.u.bf16.f32 v18;
	v18 =	vmul.f32 v6, v11;
	v22 =	vunpack.i.u.bf16.f32 v17;
	v23 =	vld [tilespmem:s30+$0x40];
	[tilespmem:s25+$0x1B0] =	vst v7  }
0x118: {  	v7 =	vunpack.i.l.bf16.f32 v17;
	v25 =	vmul.f32 v5, v11;
	s25 =	sadd.s32 $0x400, s25;
	v17 =	vunpack.i.u.bf16.f32 v20;
	v24 =	vld [tilespmem:s30+$0x80];
	[tilespmem:s10+$0xFFFFFE30] =	vst v19  }
0x119: {  	v5 =	vunpack.i.l.bf16.f32 v20;
	v19 =	vunpack.i.u.bf16.f32 v15;
	v15 =	vunpack.i.l.bf16.f32 v15;
	v6 =	vld.idx.msk [tilespmem:v16+s17+$0x0], $0xffff;
	[tilespmem:s25+$0x180] =	vst v18  }
0x11a: {  	v16 =	vmul.f32 v5, v10;
	v18 =	vunpack.i.u.bf16.f32 v12;
	v12 =	vunpack.i.l.bf16.f32 v12;
	v5 =	vld.idx.msk [tilespmem:v13+s17+$0x0], $0xffff;
	[tilespmem:s25+$0x1C0] =	vst v25  }
0x11b: {  	v13 =	vmul.f32 v17, v10;
	v17 =	vunpack.i.u.bf16.f32 v21;
	v20 =	vunpack.i.l.bf16.f32 v21;
	v21 =	vld [tilespmem:s30+$0xD0];
	[tilespmem:s10+$0xFFFFFE70] =	vst v4;
	s10 =	smov.u32 s25  }
0x11c: {  	v15 =	vmul.f32 v15, v9;
	[tilespmem:s25+$0xFFFFFE80] =	vst v16;
	v16 =	vunpack.i.u.bf16.f32 v23;
	v23 =	vunpack.i.l.bf16.f32 v23  }
0x11d: {  	v4 =	vld.idx.msk [tilespmem:v14+s17+$0x0], $0xffff;
	[tilespmem:s25+$0xFFFFFEC0] =	vst v13;
	v13 =	vmul.f32 v19, v9;
	v14 =	vunpack.i.u.bf16.f32 v24;
	v19 =	vunpack.i.l.bf16.f32 v24  }
0x11e: {  	v12 =	vmul.f32 v12, v8;
	v24 =	vld [tilespmem:s30+$0xFFFFFF50];
	[tilespmem:s25+$0xFFFFFF00] =	vst v15;
	v15 =	vmul.f32 v18, v8  }
0x11f: {  	v17 =	vmul.f32 v17, v3;
	[tilespmem:s25+$0xFFFFFF40] =	vst v13;
	v13 =	vmul.f32 v20, v3  }
0x120: {  	v16 =	vmul.f32 v16, v6;
	v18 =	vld [tilespmem:s30+$0xFFFFFF90];
	[tilespmem:s25+$0xFFFFFF80] =	vst v12;
	v12 =	vmul.f32 v23, v6;
	v20 =	vunpack.i.l.bf16.f32 v21  }
0x121: {  	[tilespmem:s25+$0xFFFFFFC0] =	vst v15;
	v15 =	vmul.f32 v19, v5;
	v19 =	vunpack.i.u.bf16.f32 v21;
	v20 =	vmul.f32 v20, v11  }
0x122: {  	v21 =	vld [tilespmem:s30+$0xFFFFFFD0];
	[tilespmem:s25+$0x0] =	vst v13;
	v13 =	vmul.f32 v14, v5;
	v14 =	vmul.f32 v19, v11  }
0x123: {  	v7 =	vmul.f32 v7, v4;
	v19 =	vmul.f32 v22, v4;
	v22 =	vunpack.i.u.bf16.f32 v24;
	[tilespmem:s25+$0x190] =	vst v20  }
0x124: {  	v20 =	vunpack.i.l.bf16.f32 v24;
	v22 =	vmul.f32 v22, v10;
	[tilespmem:s25+$0x1D0] =	vst v14  }
0x125: {  	v14 =	vmul.f32 v20, v10;
	v20 =	vunpack.i.u.bf16.f32 v18;
	v18 =	vunpack.i.l.bf16.f32 v18;
	[tilespmem:s25+$0x40] =	vst v17;
	v17 =	vld [tilespmem:s30+$0xE0]  }
0x126: {  	v18 =	vmul.f32 v18, v9;
	v20 =	vmul.f32 v20, v9;
	v23 =	vld [tilespmem:s30+$0x10];
	[tilespmem:s25+$0x80] =	vst v12  }
0x127: {  	v12 =	vunpack.i.u.bf16.f32 v21;
	v21 =	vunpack.i.l.bf16.f32 v21;
	[tilespmem:s25+$0xC0] =	vst v16  }
0x128: {  	v16 =	vmul.f32 v21, v8;
	v12 =	vmul.f32 v12, v8;
	v21 =	vld [tilespmem:s30+$0x50];
	[tilespmem:s25+$0x100] =	vst v15  }
0x129: {  	[tilespmem:s25+$0x140] =	vst v13  }
0x12a: {  	[tilespmem:s25+$0xFFFFFE00] =	vst v7;
	v7 =	vld [tilespmem:s30+$0x90];
	v13 =	vunpack.i.l.bf16.f32 v17  }
0x12b: {  	v17 =	vunpack.i.u.bf16.f32 v17;
	[tilespmem:s25+$0xFFFFFE40] =	vst v19;
	v15 =	vunpack.i.u.bf16.f32 v23;
	v13 =	vmul.f32 v13, v11  }
0x12c: {  	v17 =	vmul.f32 v17, v11;
	v19 =	vld [tilespmem:s30+$0xFFFFFF10];
	[tilespmem:s25+$0xFFFFFE90] =	vst v14;
	v14 =	vunpack.i.l.bf16.f32 v23;
	v15 =	vmul.f32 v15, v3  }
0x12d: {  	v14 =	vmul.f32 v14, v3;
	v23 =	vunpack.i.u.bf16.f32 v21;
	v21 =	vunpack.i.l.bf16.f32 v21;
	[tilespmem:s25+$0x1A0] =	vst v13  }
0x12e: {  	v13 =	vmul.f32 v21, v6;
	v21 =	vmul.f32 v23, v6;
	[tilespmem:s25+$0x1E0] =	vst v17  }
0x12f: {  	[tilespmem:s25+$0xFFFFFED0] =	vst v22;
	v17 =	vunpack.i.u.bf16.f32 v7;
	v7 =	vunpack.i.l.bf16.f32 v7;
	v22 =	vld [tilespmem:s30+$0xF0]  }
0x130: {  	v23 =	vld [tilespmem:s30+$0xFFFFFF60];
	[tilespmem:s25+$0xFFFFFF10] =	vst v18;
	v18 =	vmul.f32 v7, v5;
	v17 =	vmul.f32 v17, v5  }
0x131: {  	v7 =	vunpack.i.u.bf16.f32 v19;
	v19 =	vunpack.i.l.bf16.f32 v19;
	[tilespmem:s25+$0xFFFFFF50] =	vst v20  }
0x132: {  	s19 =	sadd.s32 $0x1, s31;
	v19 =	vmul.f32 v19, v4;
	v20 =	vmul.f32 v7, v4;
	v7 =	vld [tilespmem:s30+$0xFFFFFFA0];
	[tilespmem:s25+$0xFFFFFF90] =	vst v16  }
0x133: {  	v16 =	vmov s19;
	s19 =	sadd.s32 $0x2, s31;
	[tilespmem:s25+$0xFFFFFFD0] =	vst v12  }
0x134: {  	v12 =	vmov s19;
	v24 =	vld [tilespmem:s30+$0xFFFFFFE0];
	[tilespmem:s25+$0x10] =	vst v14;
	v14 =	vunpack.i.u.bf16.f32 v22;
	v22 =	vunpack.i.l.bf16.f32 v22  }
0x135: {  	s19 =	sadd.s32 $0x3, s31;
	v25 =	vunpack.i.u.bf16.f32 v23;
	v23 =	vunpack.i.l.bf16.f32 v23;
	[tilespmem:s25+$0x50] =	vst v15;
	v14 =	vmul.f32 v14, v11  }
0x136: {  	v15 =	vmov s19;
	v23 =	vmul.f32 v23, v10;
	v25 =	vmul.f32 v25, v10;
	v26 =	vld [tilespmem:s30+$0x20];
	[tilespmem:s25+$0x90] =	vst v13  }
0x137: {  	s19 =	sadd.s32 $0x4, s31;
	v13 =	vunpack.i.u.bf16.f32 v7;
	v27 =	vunpack.i.l.bf16.f32 v7;
	v7 =	vmul.f32 v22, v11;
	[tilespmem:s25+$0x1F0] =	vst v14  }
0x138: {  	v11 =	vmov s19;
	v14 =	vmul.f32 v27, v9;
	v13 =	vmul.f32 v13, v9;
	[tilespmem:s25+$0xD0] =	vst v21  }
0x139: {  	v16 =	vshrl.u32 v16, $0x3;
	v21 =	vunpack.i.u.bf16.f32 v24;
	v22 =	vunpack.i.l.bf16.f32 v24;
	v24 =	vld [tilespmem:s30+$0x60];
	[tilespmem:s25+$0x110] =	vst v18  }
0x13a: {  	v12 =	vshrl.u32 v12, $0x3;
	v18 =	vmul.f32 v22, v8;
	v21 =	vmul.f32 v21, v8;
	[tilespmem:s25+$0x150] =	vst v17  }
0x13b: {  	v15 =	vshrl.u32 v15, $0x3;
	[tilespmem:s25+$0xFFFFFE10] =	vst v19;
	v17 =	vunpack.i.u.bf16.f32 v26;
	v19 =	vunpack.i.l.bf16.f32 v26;
	v22 =	vld [tilespmem:s30+$0xA0]  }
0x13c: {  	v11 =	vshrl.u32 v11, $0x3;
	[tilespmem:s25+$0xFFFFFE50] =	vst v20;
	v19 =	vmul.f32 v19, v3;
	v17 =	vmul.f32 v17, v3  }
0x13d: {  	v16 =	vshll.u32 v16, v1;
	v12 =	vshll.u32 v12, v1;
	v15 =	vshll.u32 v15, v1;
	v20 =	vld [tilespmem:s30+$0xFFFFFF20];
	[tilespmem:s25+$0xFFFFFEA0] =	vst v23  }
0x13e: {  	v23 =	vshll.u32 v11, v1;
	[tilespmem:s25+$0xFFFFFEE0] =	vst v25;
	v11 =	vunpack.i.u.bf16.f32 v24;
	v24 =	vunpack.i.l.bf16.f32 v24  }
0x13f: {  	v16 =	vadd.s32 $0x1, v16;
	v25 =	vld [tilespmem:s30+$0xFFFFFF70];
	[tilespmem:s25+$0xFFFFFF20] =	vst v14;
	v14 =	vmul.f32 v24, v6;
	v24 =	vmul.f32 v11, v6  }
0x140: {  	v11 =	vbroadcast v16, $0x0;
	[tilespmem:s25+$0xFFFFFF60] =	vst v13;
	v13 =	vunpack.i.u.bf16.f32 v22;
	v16 =	vunpack.i.l.bf16.f32 v22  }
0x141: {  	v12 =	vadd.s32 $0x2, v12;
	v22 =	vld [tilespmem:s30+$0xFFFFFFB0];
	[tilespmem:s25+$0xFFFFFFA0] =	vst v18;
	v26 =	vmul.f32 v16, v5;
	v27 =	vmul.f32 v13, v5  }
0x142: {  	v12 =	vbroadcast v12, $0x0;
	v13 =	vunpack.i.u.bf16.f32 v20;
	v16 =	vunpack.i.l.bf16.f32 v20;
	[tilespmem:s25+$0xFFFFFFE0] =	vst v21  }
0x143: {  	v18 =	vadd.s32 $0x3, v15;
	v20 =	vmul.f32 v16, v4;
	v15 =	vmul.f32 v13, v4;
	v28 =	vld [tilespmem:s30+$0xFFFFFFF0];
	[tilespmem:s25+$0x20] =	vst v19  }
0x144: {  	v13 =	vbroadcast v18, $0x0;
	v16 =	vunpack.i.u.bf16.f32 v25;
	v18 =	vunpack.i.l.bf16.f32 v25;
	[tilespmem:s25+$0x60] =	vst v17  }
.Ltmp3:
0x145: {  	v19 =	vadd.s32 $0x4, v23;
	v17 =	vmul.f32 v18, v10;
	v16 =	vmul.f32 v16, v10;
	v10 =	vld [tilespmem:s30+$0x30];
	[tilespmem:s25+$0xA0] =	vst v14;
	(pc) =	sbr.rel @p0 .LBB2_5-.Ltmp3, $4  }
0x146: {  	s19 =	sadd.s32 $0x7, s31;
	v14 =	vbroadcast v19, $0x0;
	v18 =	vunpack.i.u.bf16.f32 v22;
	v19 =	vunpack.i.l.bf16.f32 v22;
	[tilespmem:s25+$0xE0] =	vst v24  }
0x147: {  	v22 =	vmov s19;
	v21 =	vmul.f32 v19, v9;
	v18 =	vmul.f32 v18, v9;
	v9 =	vld [tilespmem:s30+$0x70];
	[tilespmem:s25+$0x120] =	vst v26  }
0x148: {  	v19 =	vshrl.u32 v22, $0x3;
	v24 =	vunpack.i.u.bf16.f32 v28;
	v22 =	vunpack.i.l.bf16.f32 v28;
	[tilespmem:s25+$0x160] =	vst v27  }
0x149: {  	s31 =	sadd.s32 $0x8, s31;
	v23 =	vshll.u32 v19, v1;
	[tilespmem:s25+$0xFFFFFE20] =	vst v20;
	v22 =	vmul.f32 v22, v8;
	v19 =	vmul.f32 v24, v8;
	v20 =	vld [tilespmem:s30+$0xB0]  }
0x14a: {  	[tilespmem:s25+$0xFFFFFE60] =	vst v15  }
0x14b: {  	v8 =	vadd.s32 $0x7, v23;
	[tilespmem:s25+$0xFFFFFEB0] =	vst v17  }
0x14c: {  	[tilespmem:s25+$0xFFFFFEF0] =	vst v16;
	v8 =	vbroadcast v8, $0x0  }
0x14d: {  	[tilespmem:s25+$0xFFFFFF30] =	vst v21  }
0x14e: {  	v15 =	vunpack.i.l.bf16.f32 v10;
	[tilespmem:s25+$0xFFFFFF70] =	vst v18  }
0x14f: {  	v10 =	vunpack.i.u.bf16.f32 v10;
	[tilespmem:s25+$0x1B0] =	vst v7;
	v15 =	vmul.f32 v15, v3;
	v16 =	vld [tilespmem:s30+$0xFFFFFF30];
	s30 =	sadd.s32 $0x200, s30  }
0x150: {  	v10 =	vmul.f32 v10, v3;
	[tilespmem:s25+$0xFFFFFFF0] =	vst v19;
	v3 =	vunpack.i.l.bf16.f32 v9;
	v9 =	vunpack.i.u.bf16.f32 v9;
	v18 =	vld [tilespmem:s30+$0xC0]  }
0x151: {  	s19 =	sadd.s32 $0x5, s15;
	v17 =	vmul.f32 v3, v6;
	[tilespmem:s25+$0x30] =	vst v15;
	v9 =	vmul.f32 v9, v6;
	v6 =	vld.idx.msk [tilespmem:v11+s17+$0x0], $0xffff  }
0x152: {  	v15 =	vmov s19;
	[tilespmem:s25+$0x70] =	vst v10;
	s19 =	sadd.s32 $0x6, s15;
	v19 =	vunpack.i.l.bf16.f32 v20;
	v3 =	vld.idx.msk [tilespmem:v8+s17+$0x0], $0xffff  }
0x153: {  	v10 =	vshrl.u32 v15, $0x3;
	v15 =	vmov s19;
	v11 =	vmul.f32 v19, v5;
	[tilespmem:s25+$0xB0] =	vst v17;
	v17 =	vld [tilespmem:s30+$0xFFFFFF40]  }
0x154: {  	v7 =	vld.idx.msk [tilespmem:v14+s17+$0x0], $0xffff;
	[tilespmem:s25+$0xFFFFFFB0] =	vst v22;
	v10 =	vshll.u32 v10, v1;
	v15 =	vshrl.u32 v15, $0x3;
	v8 =	vunpack.i.u.bf16.f32 v20  }
0x155: {  	[tilespmem:s25+$0xF0] =	vst v9;
	v9 =	vunpack.i.u.bf16.f32 v16;
	v8 =	vmul.f32 v8, v5;
	v5 =	vld.idx.msk [tilespmem:v12+s17+$0x0], $0xffff;
	v12 =	vunpack.i.l.bf16.f32 v16  }
0x156: {  	[tilespmem:s25+$0x130] =	vst v11;
	v9 =	vmul.f32 v9, v4;
	v16 =	vunpack.i.l.bf16.f32 v18;
	v11 =	vmul.f32 v12, v4;
	v12 =	vld [tilespmem:s30+$0xFFFFFF80]  }
0x157: {  	v4 =	vld.idx.msk [tilespmem:v13+s17+$0x0], $0xffff;
	[tilespmem:s25+$0x170] =	vst v8;
	v8 =	vadd.s32 $0x5, v10;
	v10 =	vunpack.i.u.bf16.f32 v18;
	v13 =	vmul.f32 v16, v3  }
0x158: {  	v15 =	vshll.u32 v15, v1;
	v18 =	vld [tilespmem:s30+$0xFFFFFFC0];
	s25 =	sadd.s32 $0x400, s25;
	v14 =	vunpack.i.l.bf16.f32 v17;
	[tilespmem:s10+$0xFFFFFE30] =	vst v11;
	v10 =	vmul.f32 v10, v3  }
0x159: {  	v8 =	vbroadcast v8, $0x0;
	v11 =	vadd.s32 $0x6, v15;
	v16 =	vmov s15;
	[tilespmem:s25+$0x180] =	vst v13  }
0x15a: {  	v15 =	vld [tilespmem:s30+$0x0];
	v14 =	vmul.f32 v14, v6;
	v13 =	vshrl.u32 v16, $0x3;
	v16 =	vunpack.i.u.bf16.f32 v17;
	[tilespmem:s25+$0x1C0] =	vst v10  }
0x15b: {  	[tilespmem:s10+$0xFFFFFE70] =	vst v9;
	v10 =	vbroadcast v11, $0x0;
	v11 =	vunpack.i.l.bf16.f32 v12;
	v16 =	vmul.f32 v16, v6;
	v17 =	vld [tilespmem:s30+$0xD0]  }
0x15c: {  	[tilespmem:s25+$0xFFFFFE80] =	vst v14;
	v12 =	vunpack.i.u.bf16.f32 v12;
	v9 =	vshll.u32 v13, v1;
	v11 =	vmul.f32 v11, v5  }
0x15d: {  	v12 =	vmul.f32 v12, v5;
	v13 =	vbroadcast v9, $0x0;
	v9 =	vunpack.i.l.bf16.f32 v18;
	[tilespmem:s25+$0xFFFFFEC0] =	vst v16  }
0x15e: {  	v14 =	vld [tilespmem:s30+$0x40];
	v16 =	vunpack.i.u.bf16.f32 v18;
	[tilespmem:s25+$0xFFFFFF00] =	vst v11;
	v9 =	vmul.f32 v9, v4  }
0x15f: {  	v8 =	vld.idx.msk [tilespmem:v8+s17+$0x0], $0xffff;
	v11 =	vunpack.i.l.bf16.f32 v15;
	[tilespmem:s25+$0xFFFFFF40] =	vst v12;
	v16 =	vmul.f32 v16, v4  }
0x160: {  	v12 =	vld [tilespmem:s30+$0x80];
	v11 =	vmul.f32 v11, v7;
	[tilespmem:s25+$0xFFFFFF80] =	vst v9;
	v18 =	vunpack.i.l.bf16.f32 v17  }
0x161: {  	v9 =	vld.idx.msk [tilespmem:v10+s17+$0x0], $0xffff;
	[tilespmem:s25+$0xFFFFFFC0] =	vst v16;
	v10 =	vunpack.i.u.bf16.f32 v17;
	v16 =	vmul.f32 v18, v3  }
0x162: {  	v15 =	vunpack.i.u.bf16.f32 v15;
	v17 =	vld [tilespmem:s30+$0xFFFFFF00];
	[tilespmem:s25+$0x0] =	vst v11;
	v11 =	vmul.f32 v10, v3  }
0x163: {  	v18 =	vunpack.i.l.bf16.f32 v14;
	v14 =	vunpack.i.u.bf16.f32 v14;
	v10 =	vld.idx.msk [tilespmem:v13+s17+$0x0], $0xffff;
	v13 =	vmul.f32 v15, v7;
	[tilespmem:s25+$0x190] =	vst v16  }
0x164: {  	v15 =	vld [tilespmem:s30+$0xFFFFFF50];
	v14 =	vmul.f32 v14, v8;
	[tilespmem:s25+$0x1D0] =	vst v11  }
0x165: {  	v16 =	vmul.f32 v18, v8;
	v11 =	vunpack.i.l.bf16.f32 v12;
	[tilespmem:s25+$0x40] =	vst v13;
	v13 =	vld [tilespmem:s30+$0xE0]  }
0x166: {  	v12 =	vunpack.i.u.bf16.f32 v12;
	[tilespmem:s25+$0xC0] =	vst v14;
	v11 =	vmul.f32 v11, v9  }
0x167: {  	[tilespmem:s25+$0x80] =	vst v16;
	v16 =	vunpack.i.l.bf16.f32 v17;
	v12 =	vmul.f32 v12, v9  }
0x168: {  	v14 =	vunpack.i.u.bf16.f32 v17;
	v17 =	vld [tilespmem:s30+$0xFFFFFF90];
	v16 =	vmul.f32 v16, v10;
	[tilespmem:s25+$0x100] =	vst v11  }
0x169: {  	v11 =	vmul.f32 v14, v10;
	v14 =	vunpack.i.l.bf16.f32 v15;
	[tilespmem:s25+$0x140] =	vst v12  }
0x16a: {  	v12 =	vld [tilespmem:s30+$0xFFFFFFD0];
	v14 =	vmul.f32 v14, v6;
	[tilespmem:s25+$0xFFFFFE00] =	vst v16;
	v16 =	vunpack.i.l.bf16.f32 v13  }
0x16b: {  	[tilespmem:s25+$0xFFFFFE40] =	vst v11;
	v11 =	vunpack.i.u.bf16.f32 v13;
	v13 =	vmul.f32 v16, v3  }
0x16c: {  	v15 =	vunpack.i.u.bf16.f32 v15;
	v16 =	vld [tilespmem:s30+$0x10];
	[tilespmem:s25+$0xFFFFFE90] =	vst v14;
	v11 =	vmul.f32 v11, v3  }
0x16d: {  	v14 =	vmul.f32 v15, v6;
	v15 =	vunpack.i.l.bf16.f32 v17;
	[tilespmem:s25+$0x1A0] =	vst v13  }
0x16e: {  	v15 =	vmul.f32 v15, v5;
	v13 =	vunpack.i.u.bf16.f32 v17;
	v17 =	vld [tilespmem:s30+$0x50];
	[tilespmem:s25+$0x1E0] =	vst v11  }
0x16f: {  	[tilespmem:s25+$0xFFFFFED0] =	vst v14;
	v11 =	vmul.f32 v13, v5;
	v13 =	vunpack.i.l.bf16.f32 v12;
	v14 =	vld [tilespmem:s30+$0xF0]  }
0x170: {  	v12 =	vunpack.i.u.bf16.f32 v12;
	[tilespmem:s25+$0xFFFFFF10] =	vst v15;
	v13 =	vmul.f32 v13, v4  }
0x171: {  	v15 =	vld [tilespmem:s30+$0x90];
	v12 =	vmul.f32 v12, v4;
	v18 =	vunpack.i.l.bf16.f32 v16;
	[tilespmem:s25+$0xFFFFFF50] =	vst v11  }
0x172: {  	v11 =	vunpack.i.u.bf16.f32 v16;
	v16 =	vmul.f32 v18, v7;
	[tilespmem:s25+$0xFFFFFF90] =	vst v13  }
0x173: {  	v13 =	vld [tilespmem:s30+$0xFFFFFF10];
	v11 =	vmul.f32 v11, v7;
	[tilespmem:s25+$0xFFFFFFD0] =	vst v12;
	v18 =	vunpack.i.l.bf16.f32 v17  }
0x174: {  	v12 =	vmul.f32 v18, v8;
	[tilespmem:s25+$0x10] =	vst v16;
	v16 =	vunpack.i.u.bf16.f32 v14  }
0x175: {  	v17 =	vunpack.i.u.bf16.f32 v17;
	v18 =	vld [tilespmem:s30+$0xFFFFFF60];
	[tilespmem:s25+$0x50] =	vst v11;
	v11 =	vmul.f32 v16, v3  }
0x176: {  	v16 =	vmul.f32 v17, v8;
	v17 =	vunpack.i.l.bf16.f32 v15;
	[tilespmem:s25+$0x90] =	vst v12  }
0x177: {  	v12 =	vunpack.i.u.bf16.f32 v15;
	v15 =	vmul.f32 v17, v9;
	v17 =	vld [tilespmem:s30+$0xFFFFFFA0];
	[tilespmem:s25+$0x1F0] =	vst v11  }
0x178: {  	v11 =	vmul.f32 v12, v9;
	v12 =	vunpack.i.l.bf16.f32 v13;
	[tilespmem:s25+$0xD0] =	vst v16  }
0x179: {  	v13 =	vunpack.i.u.bf16.f32 v13;
	v16 =	vld [tilespmem:s30+$0xFFFFFFE0];
	v12 =	vmul.f32 v12, v10;
	[tilespmem:s25+$0x110] =	vst v15  }
0x17a: {  	v13 =	vmul.f32 v13, v10;
	v15 =	vunpack.i.l.bf16.f32 v18;
	[tilespmem:s25+$0x150] =	vst v11  }
0x17b: {  	v11 =	vunpack.i.u.bf16.f32 v18;
	v18 =	vld [tilespmem:s30+$0x20];
	v15 =	vmul.f32 v15, v6;
	[tilespmem:s25+$0xFFFFFE10] =	vst v12  }
0x17c: {  	v11 =	vmul.f32 v11, v6;
	[tilespmem:s25+$0xFFFFFE50] =	vst v13;
	v12 =	vunpack.i.l.bf16.f32 v17  }
0x17d: {  	v13 =	vunpack.i.u.bf16.f32 v17;
	v17 =	vld [tilespmem:s30+$0x60];
	v12 =	vmul.f32 v12, v5;
	[tilespmem:s25+$0xFFFFFEA0] =	vst v15  }
0x17e: {  	v13 =	vmul.f32 v13, v5;
	v15 =	vunpack.i.l.bf16.f32 v16;
	[tilespmem:s25+$0xFFFFFEE0] =	vst v11  }
0x17f: {  	v11 =	vunpack.i.u.bf16.f32 v16;
	v16 =	vld [tilespmem:s30+$0xA0];
	v15 =	vmul.f32 v15, v4;
	[tilespmem:s25+$0xFFFFFF20] =	vst v12  }
0x180: {  	v11 =	vmul.f32 v11, v4;
	v12 =	vunpack.i.l.bf16.f32 v18;
	[tilespmem:s25+$0xFFFFFF60] =	vst v13  }
0x181: {  	v13 =	vunpack.i.u.bf16.f32 v18;
	v18 =	vld [tilespmem:s30+$0xFFFFFF20];
	v12 =	vmul.f32 v12, v7;
	[tilespmem:s25+$0xFFFFFFA0] =	vst v15  }
0x182: {  	v13 =	vmul.f32 v13, v7;
	[tilespmem:s25+$0xFFFFFFE0] =	vst v11;
	v15 =	vunpack.i.l.bf16.f32 v17  }
0x183: {  	v11 =	vunpack.i.u.bf16.f32 v17;
	v17 =	vld [tilespmem:s30+$0xFFFFFF70];
	v15 =	vmul.f32 v15, v8;
	[tilespmem:s25+$0x20] =	vst v12  }
0x184: {  	v11 =	vmul.f32 v11, v8;
	v12 =	vunpack.i.l.bf16.f32 v16;
	[tilespmem:s25+$0x60] =	vst v13  }
0x185: {  	v13 =	vunpack.i.u.bf16.f32 v16;
	v16 =	vld [tilespmem:s30+$0xFFFFFFB0];
	v12 =	vmul.f32 v12, v9;
	[tilespmem:s25+$0xA0] =	vst v15  }
0x186: {  	v13 =	vmul.f32 v13, v9;
	v15 =	vunpack.i.l.bf16.f32 v18;
	[tilespmem:s25+$0xE0] =	vst v11  }
0x187: {  	v11 =	vunpack.i.u.bf16.f32 v18;
	v18 =	vld [tilespmem:s30+$0xFFFFFFF0];
	v15 =	vmul.f32 v15, v10;
	[tilespmem:s25+$0x120] =	vst v12  }
0x188: {  	v11 =	vmul.f32 v11, v10;
	[tilespmem:s25+$0x160] =	vst v13;
	v12 =	vunpack.i.l.bf16.f32 v17  }
0x189: {  	v13 =	vunpack.i.u.bf16.f32 v17;
	v17 =	vld [tilespmem:s30+$0x30];
	v12 =	vmul.f32 v12, v6;
	[tilespmem:s25+$0xFFFFFE20] =	vst v15  }
0x18a: {  	v6 =	vmul.f32 v13, v6;
	v13 =	vunpack.i.l.bf16.f32 v16;
	[tilespmem:s25+$0xFFFFFE60] =	vst v11  }
0x18b: {  	v11 =	vunpack.i.u.bf16.f32 v16;
	v15 =	vld [tilespmem:s30+$0x70];
	v13 =	vmul.f32 v13, v5;
	[tilespmem:s25+$0xFFFFFEB0] =	vst v12  }
0x18c: {  	v5 =	vmul.f32 v11, v5;
	v11 =	vunpack.i.l.bf16.f32 v18;
	[tilespmem:s25+$0xFFFFFEF0] =	vst v6  }
0x18d: {  	v6 =	vunpack.i.u.bf16.f32 v18;
	v12 =	vld [tilespmem:s30+$0xB0];
	v11 =	vmul.f32 v11, v4;
	[tilespmem:s25+$0xFFFFFF30] =	vst v13  }
0x18e: {  	v4 =	vmul.f32 v6, v4;
	[tilespmem:s25+$0xFFFFFF70] =	vst v5;
	v6 =	vunpack.i.l.bf16.f32 v17  }
0x18f: {  	v5 =	vunpack.i.u.bf16.f32 v17;
	v6 =	vmul.f32 v6, v7;
	[tilespmem:s25+$0xFFFFFFB0] =	vst v11  }
0x190: {  	v11 =	vld [tilespmem:s30+$0xFFFFFF30];
	v5 =	vmul.f32 v5, v7;
	v7 =	vunpack.i.l.bf16.f32 v15;
	[tilespmem:s25+$0xFFFFFFF0] =	vst v4  }
0x191: {  	v4 =	vunpack.i.u.bf16.f32 v15;
	v7 =	vmul.f32 v7, v8;
	[tilespmem:s25+$0x30] =	vst v6  }
0x192: {  	v4 =	vmul.f32 v4, v8;
	v6 =	vunpack.i.l.bf16.f32 v12;
	[tilespmem:s25+$0x70] =	vst v5  }
0x193: {  	v5 =	vunpack.i.u.bf16.f32 v12;
	v6 =	vmul.f32 v6, v9;
	[tilespmem:s25+$0xB0] =	vst v7  }
0x194: {  	v7 =	vunpack.i.l.bf16.f32 v14;
	v5 =	vmul.f32 v5, v9;
	[tilespmem:s25+$0xF0] =	vst v4  }
0x195: {  	v3 =	vmul.f32 v7, v3;
	v4 =	vunpack.i.l.bf16.f32 v11;
	[tilespmem:s25+$0x130] =	vst v6  }
0x196: {  	v6 =	vunpack.i.u.bf16.f32 v11;
	[tilespmem:s25+$0x170] =	vst v5;
	v4 =	vmul.f32 v4, v10  }
0x197: {  	v5 =	vmul.f32 v6, v10;
	[tilespmem:s25+$0x1B0] =	vst v3  }
0x198: {  	[tilespmem:s25+$0xFFFFFE30] =	vst v4  }
0x199: {  	[tilespmem:s25+$0xFFFFFE70] =	vst v5  }
0x19a: {  	[spmem:s3] =	stream.indirect.scatter.add.f32 [tilespmem:s26], [sflag:$0x5], $0x80, s5, s2, $0xb8;
	[tilespmem:$0x1C980] =	vst v63  }
0x19b: {  	_ =	swait.ge [sflag:s28], $0x4000  }
0x19c: {  	p0 =	seq.s32 s23, $0x27;
	[sflag:s28] =	ssyncset.done $0x0  }
0x19d: {  	s10 =	sadd.s32 @!p0 s24, s21;
	[sflag:s28] =	ssyncadd.s32 $0xFFFFC000  }
0x19e: {  	[spmem:s4] =	stream.indirect.scatter.add.f32 [tilespmem:s17], [sflag:$0x5], $0x1, s5, s2, $0xb8;
	[tilespmem:$0x1C980] =	vst v63  }
0x19f: {  	s10 =	sshll.u32 @!p0 s10, $0x4;
	_ =	swait.ge [sflag:s28], $0x80  }
0x1a0: {  	s10 =	sand.u32 @!p0 $0x1FFFFFE0, s10;
	[sflag:s28] =	ssyncset.done $0x0  }
0x1a1: {  	s19 =	simm.s32 @!p0 $0x0;
	s15 =	sadd.s32 @!p0 s8, s10;
	[sflag:s28] =	ssyncadd.s32 $0xFFFFFF80  }
0x1a2: {  	[tilespmem:s19], [sflag:$0x3] =	stream.linear.gather @!p0 [hbm4b:s15+s19], $0x80, $0x38;
	[tilespmem:$0x1C980] =	vst v63  }
0x1a3: {  	s10 =	sadd.s32 @!p0 s9, s10;
	s15 =	simm.s32 @!p0 $0x100  }
0x1a4: {  	[tilespmem:s15], [sflag:$0x3] =	stream.linear.gather @!p0 [hbm4b:s10+s19], $0x80, $0x38;
	[tilespmem:$0x1C980] =	vst v63  }
0x1a5: {  	s10 =	simm.s32 @!p0 $0x3  }
0x1a6: {  	_ =	swait.ge @!p0 [sflag:s10], $0x80  }
0x1a7: {  	[sflag:s10] =	ssyncset.done @!p0 $0x0  }
0x1a8: {  	[sflag:s10] =	ssyncadd.s32 @!p0 $0xFFFFFF80  }
0x1a9: {  	_ =	swait.ge @!p0 [sflag:s10], $0x80  }
0x1aa: {  	[sflag:s10] =	ssyncset.done @!p0 $0x0  }
0x1ab: {  	s25 =	simm.s32 @!p0 $0x200;
	[sflag:s10] =	ssyncadd.s32 @!p0 $0xFFFFFF80;
	s10 =	simm.s32 @!p0 $0x80  }
0x1ac: {  	[tilespmem:s25], [sflag:$0x1] =	stream.indirect.gather @!p0 [hbm4b:s1+s10], $0x40, s15, s10, $0xb8;
	[tilespmem:$0x1C980] =	vst v63  }
0x1ad: {  	s25 =	simm.s32 @!p0 $0x8200  }
0x1ae: {  	[tilespmem:s25], [sflag:$0x1] =	stream.indirect.gather @!p0 [hbm4b:s6+s10], $0x1, s19, s10, $0xb8;
	[tilespmem:$0x1C980] =	vst v63  }
0x1af: {  	s19 =	simm.s32 @!p0 $0x8300  }
0x1b0: {  	[tilespmem:s19], [sflag:$0x1] =	stream.indirect.gather @!p0 [hbm4b:s7+s10], $0x1, s15, s10, $0xb8;
	[tilespmem:$0x1C980] =	vst v63  }
0x1b1: {  	_ =	swait.ge [sflag:s18], $0x2000  }
0x1b2: {  	[sflag:s18] =	ssyncset.done $0x0  }
0x1b3: {  	[sflag:s18] =	ssyncadd.s32 $0xFFFFE000  }
0x1b4: {  	_ =	swait.ge [sflag:s18], $0x80  }
0x1b5: {  	[sflag:s18] =	ssyncset.done $0x0  }
0x1b6: {  	[sflag:s18] =	ssyncadd.s32 $0xFFFFFF80  }
0x1b7: {  	_ =	swait.ge [sflag:s18], $0x80  }
0x1b8: {  	[sflag:s18] =	ssyncset.done $0x0  }
0x1b9: {  	[sflag:s18] =	ssyncadd.s32 $0xFFFFFF80  }
0x1ba: {  	v3 =	vld [tilespmem:$0x8280]  }
0x1bb: {  	v4 =	vld [tilespmem:$0x8380]  }
0x1bc: {  	v5 =	vld [tilespmem:$0x8290]  }
0x1bd: {  	v6 =	vld [tilespmem:$0x8390]  }
0x1be: {  	v7 =	vld [tilespmem:$0x82A0]  }
0x1bf: {  	v8 =	vld [tilespmem:$0x83A0]  }
0x1c0: {  	v9 =	vld [tilespmem:$0x83B0];
	v3 =	vadd.f32 v4, v3  }
0x1c1: {  	v4 =	vld [tilespmem:$0x82B0]  }
0x1c2: {  	v11 =	vld [tilespmem:$0x82C0];
	v10 =	vmul.f32 $2.000000030e-01, v3  }
0x1c3: {  	v12 =	vld [tilespmem:$0x83C0];
	vm0 =	vgt.f32 v3, $0.0e+00  }
0x1c4: {  	v13 =	vld [tilespmem:$0x83E0];
	v5 =	vadd.f32 v6, v5;
	v3 =	vsel vm0, v3, v10  }
0x1c5: {  	v6 =	vld [tilespmem:$0x82D0];
	v7 =	vadd.f32 v8, v7;
	v3 =	vmul.f32 $1.442695020e+00, v3  }
0x1c6: {  	v8 =	vld [tilespmem:$0x83D0];
	v10 =	vmul.f32 $2.000000030e-01, v5;
	v4 =	vadd.f32 v9, v4  }
0x1c7: {  	vm9 =	vgt.f32 v5, $0.0e+00;
	v9 =	vld [tilespmem:$0x82E0];
	(erf) = vpow2.f32 v3;
	v3 =	vmul.f32 $2.000000030e-01, v7  }
0x1c8: {  	vm10 =	vgt.f32 v7, $0.0e+00;
	v5 =	vsel vm9, v5, v10;
	v10 =	vmul.f32 $2.000000030e-01, v4  }
0x1c9: {  	v5 =	vmul.f32 $1.442695020e+00, v5;
	vm11 =	vgt.f32 v4, $0.0e+00;
	v3 =	vsel vm10, v7, v3  }
0x1ca: {  	v4 =	vsel vm11, v4, v10;
	v7 =	vadd.f32 v12, v11;
	v10 =	vld [tilespmem:$0x82F0];
	v3 =	vmul.f32 $1.442695020e+00, v3  }
0x1cb: {  	(erf) = vpow2.f32 v5;
	v5 =	vadd.f32 v8, v6;
	v6 =	vld [tilespmem:$0x83F0];
	v4 =	vmul.f32 $1.442695020e+00, v4  }
0x1cc: {  	v8 =	vadd.f32 v13, v9;
	(erf) = vpow2.f32 v3;
	v3 =	vmul.f32 $2.000000030e-01, v7  }
0x1cd: {  	vm12 =	vgt.f32 v7, $0.0e+00;
	(erf) = vpow2.f32 v4;
	v4 =	vmul.f32 $2.000000030e-01, v5  }
0x1ce: {  	vm13 =	vgt.f32 v5, $0.0e+00;
	v3 =	vsel vm12, v7, v3;
	v7 =	vmul.f32 $2.000000030e-01, v8  }
0x1cf: {  	vm14 =	vgt.f32 v8, $0.0e+00;
	v3 =	vmul.f32 $1.442695020e+00, v3;
	v4 =	vsel vm13, v5, v4  }
0x1d0: {  	v6 =	vadd.f32 v6, v10;
	v4 =	vmul.f32 $1.442695020e+00, v4;
	v5 =	vsel vm14, v8, v7  }
0x1d1: {  	(erf) = vpow2.f32 v3;
	v3 =	vmul.f32 $1.442695020e+00, v5  }
0x1d2: {  	(erf) = vpow2.f32 v4;
	v4 =	vmul.f32 $2.000000030e-01, v6  }
0x1d3: {  	vm15 =	vgt.f32 v6, $0.0e+00  }
0x1d4: {  	(erf) = vpow2.f32 v3;
	v3 =	vsel vm15, v6, v4  }
0x1d5: {  	v3 =	vmul.f32 $1.442695020e+00, v3;
	_ =	sdelay $0x1  }
0x1d6: {  	v4 =	vpop (erf)  }
0x1d7: {  	v5 =	vpop (erf);
	(erf) = vpow2.f32 v3  }
0x1d8: {  	s19 =	simm.s32 $0x7;
	v3 =	vpop (erf)  }
0x1d9: {  	v9 =	vmov s19;
	v6 =	vpop (erf)  }
0x1da: {  	v9 =	vshrl.u32 v9, $0x3;
	v4 =	vmul.f32 v4, v2;
	v7 =	vpop (erf)  }
0x1db: {  	s25 =	simm.s32 $0x1;
	v9 =	vshll.u32 v9, v1;
	v5 =	vmul.f32 v5, v2;
	v3 =	vmul.f32 v3, v2;
	v8 =	vpop (erf)  }
0x1dc: {  	s19 =	simm.s32 $0x2;
	[tilespmem:$0x8400] =	vst v4;
	v7 =	vmul.f32 v7, v2;
	v4 =	vmul.f32 v8, v2;
	v8 =	vmov s25  }
0x1dd: {  	v6 =	vmul.f32 v6, v2;
	[tilespmem:$0x8420] =	vst v3;
	v3 =	vmov s19;
	v8 =	vshrl.u32 v8, $0x3  }
0x1de: {  	v9 =	vadd.s32 $0x7, v9;
	[tilespmem:$0x8410] =	vst v5;
	v10 =	vpop (erf);
	v3 =	vshrl.u32 v3, $0x3;
	v8 =	vshll.u32 v8, v1  }
0x1df: {  	[tilespmem:$0x8430] =	vst v6;
	s25 =	simm.s32 $0x3;
	v5 =	vmul.f32 v10, v2;
	v6 =	vadd.s32 $0x1, v8;
	v8 =	vbroadcast v9, $0x0  }
0x1e0: {  	[tilespmem:$0x8440] =	vst v7;
	v3 =	vshll.u32 v3, v1;
	v7 =	vpop (erf);
	v9 =	vmov s25;
	v10 =	vbroadcast v6, $0x0  }
0x1e1: {  	[tilespmem:$0x8450] =	vst v4;
	v3 =	vadd.s32 $0x2, v3;
	v2 =	vmul.f32 v7, v2;
	v4 =	vshrl.u32 v9, $0x3  }
0x1e2: {  	s15 =	simm.s32 $0x4;
	[tilespmem:$0x8460] =	vst v5;
	v3 =	vbroadcast v3, $0x0;
	v4 =	vshll.u32 v4, v1  }
0x1e3: {  	s30 =	simm.s32 $0x23F0;
	v5 =	vmov s15;
	[tilespmem:$0x8470] =	vst v2;
	v4 =	vadd.s32 $0x3, v4  }
0x1e4: {  	v2 =	vshrl.u32 v5, $0x3;
	v4 =	vbroadcast v4, $0x0;
	v5 =	vld [tilespmem:s30+$0xFFFFFFD0]  }
0x1e5: {  	s19 =	simm.s32 $0x5;
	v2 =	vshll.u32 v2, v1;
	v6 =	vld.idx.msk [tilespmem:v8+s17+$0x0], $0xffff  }
0x1e6: {  	v7 =	vmov s19;
	v2 =	vadd.s32 $0x4, v2;
	v9 =	vld.idx.msk [tilespmem:v10+s17+$0x0], $0xffff  }
0x1e7: {  	s25 =	simm.s32 $0x6;
	v7 =	vshrl.u32 v7, $0x3;
	v2 =	vbroadcast v2, $0x0;
	v10 =	vld [tilespmem:s30+$0xFFFFFE50]  }
0x1e8: {  	v7 =	vshll.u32 v7, v1;
	v8 =	vld.idx.msk [tilespmem:v3+s17+$0x0], $0xffff;
	v3 =	vmov s25  }
0x1e9: {  	v11 =	vadd.s32 $0x5, v7;
	v12 =	vld [tilespmem:s30+$0xFFFFFE90];
	v3 =	vshrl.u32 v3, $0x3;
	v13 =	vunpack.i.l.bf16.f32 v5  }
0x1ea: {  	v3 =	vshll.u32 v3, v1;
	v7 =	vld.idx.msk [tilespmem:v4+s17+$0x0], $0xffff;
	v4 =	vunpack.i.u.bf16.f32 v5;
	v5 =	vmul.f32 v13, v6  }
0x1eb: {  	s15 =	simm.s32 $0x0;
	v14 =	vld [tilespmem:s30+$0xFFFFFED0];
	v11 =	vbroadcast v11, $0x0;
	s25 =	simm.s32 $0x4400;
	v3 =	vadd.s32 $0x6, v3;
	v4 =	vmul.f32 v4, v6  }
0x1ec: {  	v16 =	vld [tilespmem:s30+$0xFFFFFF10];
	v3 =	vbroadcast v3, $0x0;
	v13 =	vmov s15;
	v15 =	vunpack.i.l.bf16.f32 v10;
	[tilespmem:s25+$0x180] =	vst v5  }
0x1ed: {  	v2 =	vld.idx.msk [tilespmem:v2+s17+$0x0], $0xffff;
	v13 =	vshrl.u32 v13, $0x3;
	v5 =	vunpack.i.u.bf16.f32 v10;
	v10 =	vmul.f32 v15, v9;
	[tilespmem:s25+$0x1C0] =	vst v4  }
0x1ee: {  	v4 =	vshll.u32 v13, v1;
	v13 =	vunpack.i.l.bf16.f32 v12;
	v5 =	vmul.f32 v5, v9;
	v15 =	vld [tilespmem:s30+$0xFFFFFFE0]  }
0x1ef: {  	v17 =	vbroadcast v4, $0x0;
	v4 =	vunpack.i.u.bf16.f32 v12;
	[tilespmem:s25+$0xFFFFFE80] =	vst v10;
	v10 =	vmul.f32 v13, v8  }
0x1f0: {  	v18 =	vld [tilespmem:s30+$0xFFFFFF50];
	v13 =	vunpack.i.l.bf16.f32 v14;
	v4 =	vmul.f32 v4, v8;
	[tilespmem:s25+$0xFFFFFEC0] =	vst v5  }
0x1f1: {  	v12 =	vld [tilespmem:s30+$0xFFFFFE10];
	v14 =	vunpack.i.u.bf16.f32 v14;
	[tilespmem:s25+$0xFFFFFF00] =	vst v10;
	v10 =	vmul.f32 v13, v7  }
0x1f2: {  	v5 =	vld.idx.msk [tilespmem:v11+s17+$0x0], $0xffff;
	v11 =	vunpack.i.l.bf16.f32 v16;
	v13 =	vmul.f32 v14, v7;
	[tilespmem:s25+$0xFFFFFF40] =	vst v4  }
0x1f3: {  	v14 =	vld [tilespmem:s30+$0xFFFFFF90];
	v11 =	vmul.f32 v11, v2;
	[tilespmem:s25+$0xFFFFFF80] =	vst v10;
	v10 =	vunpack.i.l.bf16.f32 v15  }
0x1f4: {  	v4 =	vld.idx.msk [tilespmem:v3+s17+$0x0], $0xffff;
	[tilespmem:s25+$0xFFFFFFC0] =	vst v13;
	v13 =	vunpack.i.u.bf16.f32 v15;
	v10 =	vmul.f32 v10, v6  }
0x1f5: {  	v15 =	vunpack.i.u.bf16.f32 v16;
	[tilespmem:s25+$0x0] =	vst v11;
	v16 =	vld [tilespmem:s30+$0xFFFFFE60];
	v11 =	vmul.f32 v13, v6  }
0x1f6: {  	v3 =	vld.idx.msk [tilespmem:v17+s17+$0x0], $0xffff;
	v13 =	vunpack.i.l.bf16.f32 v18;
	v15 =	vmul.f32 v15, v2;
	[tilespmem:s25+$0x190] =	vst v10  }
0x1f7: {  	v17 =	vld [tilespmem:s30+$0xFFFFFEA0];
	v13 =	vmul.f32 v13, v5;
	v10 =	vunpack.i.u.bf16.f32 v18;
	[tilespmem:s25+$0x1D0] =	vst v11  }
0x1f8: {  	v11 =	vunpack.i.l.bf16.f32 v14;
	[tilespmem:s25+$0x40] =	vst v15;
	v10 =	vmul.f32 v10, v5  }
0x1f9: {  	v14 =	vunpack.i.u.bf16.f32 v14;
	v15 =	vld [tilespmem:s30+$0xFFFFFFF0];
	v11 =	vmul.f32 v11, v4;
	[tilespmem:s25+$0x80] =	vst v13  }
0x1fa: {  	v18 =	vld [tilespmem:s30+$0xFFFFFEE0];
	v13 =	vunpack.i.l.bf16.f32 v12;
	v14 =	vmul.f32 v14, v4;
	[tilespmem:s25+$0xC0] =	vst v10  }
0x1fb: {  	v10 =	vunpack.i.u.bf16.f32 v12;
	v12 =	vmul.f32 v13, v3;
	v13 =	vunpack.i.u.bf16.f32 v16;
	[tilespmem:s25+$0x100] =	vst v11  }
0x1fc: {  	v11 =	vunpack.i.l.bf16.f32 v16;
	v16 =	vld [tilespmem:s30+$0xFFFFFF20];
	[tilespmem:s25+$0x140] =	vst v14;
	v14 =	vunpack.i.u.bf16.f32 v17;
	v10 =	vmul.f32 v10, v3  }
0x1fd: {  	v17 =	vunpack.i.l.bf16.f32 v17;
	v13 =	vmul.f32 v13, v9;
	v11 =	vmul.f32 v11, v9;
	v19 =	vld [tilespmem:s30+$0xFFFFFF60];
	[tilespmem:s25+$0xFFFFFE00] =	vst v12  }
0x1fe: {  	v20 =	vld [tilespmem:s30+$0xFFFFFFA0];
	v12 =	vunpack.i.l.bf16.f32 v15;
	[tilespmem:s25+$0xFFFFFE40] =	vst v10;
	v10 =	vunpack.i.u.bf16.f32 v15;
	v15 =	vmul.f32 v17, v8  }
0x1ff: {  	v17 =	vunpack.i.l.bf16.f32 v18;
	[tilespmem:s25+$0xFFFFFE90] =	vst v11;
	v11 =	vmul.f32 v14, v8;
	v12 =	vmul.f32 v12, v6  }
0x200: {  	v14 =	vunpack.i.u.bf16.f32 v18;
	[tilespmem:s25+$0xFFFFFED0] =	vst v13;
	v10 =	vmul.f32 v10, v6;
	v17 =	vmul.f32 v17, v7;
	v18 =	vld [tilespmem:s30+$0xFFFFFE20]  }
0x201: {  	v22 =	vld [tilespmem:s30+$0xFFFFFE70];
	[tilespmem:s25+$0x1A0] =	vst v12;
	v12 =	vmul.f32 v14, v7;
	v14 =	vunpack.i.u.bf16.f32 v16;
	v16 =	vunpack.i.l.bf16.f32 v16  }
0x202: {  	[tilespmem:s25+$0x1E0] =	vst v10;
	v10 =	vmul.f32 v14, v2;
	v14 =	vmul.f32 v16, v2;
	v16 =	vunpack.i.l.bf16.f32 v19  }
0x203: {  	[tilespmem:s25+$0xFFFFFF10] =	vst v15;
	v21 =	vunpack.i.l.bf16.f32 v20;
	v19 =	vunpack.i.u.bf16.f32 v19;
	v16 =	vmul.f32 v16, v5  }
0x204: {  	s15 =	simm.s32 $0xA;
	[tilespmem:s25+$0xFFFFFF50] =	vst v11;
	v13 =	vld [tilespmem:s30+$0x0];
	v15 =	vmul.f32 v19, v5;
	v19 =	vunpack.i.u.bf16.f32 v20;
	v20 =	vmul.f32 v21, v4  }
0x205: {  	[tilespmem:s25+$0xFFFFFFD0] =	vst v12;
	v12 =	vmov s15;
	v11 =	vmul.f32 v19, v4;
	v19 =	vunpack.i.u.bf16.f32 v18  }
0x206: {  	[tilespmem:s25+$0xFFFFFF90] =	vst v17;
	v21 =	vld [tilespmem:s30+$0xFFFFFEB0];
	v18 =	vunpack.i.l.bf16.f32 v18;
	v24 =	vunpack.i.u.bf16.f32 v22;
	v22 =	vunpack.i.l.bf16.f32 v22  }
0x207: {  	s19 =	simm.s32 $0x9;
	v23 =	vld [tilespmem:s30+$0xFFFFFEF0];
	[tilespmem:s25+$0x10] =	vst v14;
	v12 =	vshrl.u32 v12, $0x3;
	v17 =	vmul.f32 v18, v3;
	v18 =	vmul.f32 v19, v3  }
0x208: {  	[tilespmem:s25+$0x50] =	vst v10;
	v19 =	vmov s19;
	v22 =	vmul.f32 v22, v9;
	v24 =	vmul.f32 v24, v9  }
0x209: {  	s19 =	simm.s32 $0xB;
	v25 =	vld [tilespmem:s30+$0xFFFFFF30];
	[tilespmem:s25+$0xD0] =	vst v15;
	v12 =	vshll.u32 v12, v1;
	v15 =	vshrl.u32 v19, $0x3;
	v14 =	vunpack.i.u.bf16.f32 v13  }
0x20a: {  	[tilespmem:s25+$0x90] =	vst v16;
	v13 =	vunpack.i.l.bf16.f32 v13;
	v10 =	vmul.f32 v14, v6;
	v14 =	vmov s19  }
0x20b: {  	[tilespmem:s25+$0x110] =	vst v20;
	v16 =	vunpack.i.u.bf16.f32 v21;
	v21 =	vunpack.i.l.bf16.f32 v21;
	v6 =	vmul.f32 v13, v6  }
0x20c: {  	s15 =	simm.s32 $0xC;
	[tilespmem:s25+$0x150] =	vst v11;
	v13 =	vmul.f32 v21, v8;
	v19 =	vunpack.i.u.bf16.f32 v23;
	v21 =	vunpack.i.l.bf16.f32 v23;
	v23 =	vld [tilespmem:s30+$0xFFFFFF70]  }
0x20d: {  	v16 =	vmul.f32 v16, v8;
	v11 =	vshrl.u32 v14, $0x3;
	[tilespmem:s25+$0x1F0] =	vst v10;
	v10 =	vmov s15  }
0x20e: {  	[tilespmem:s25+$0xFFFFFE10] =	vst v17;
	v20 =	vmul.f32 v21, v7;
	v19 =	vmul.f32 v19, v7;
	v17 =	vunpack.i.l.bf16.f32 v25;
	v21 =	vld [tilespmem:s30+$0xFFFFFFB0]  }
0x20f: {  	[tilespmem:s25+$0xFFFFFE50] =	vst v18;
	v14 =	vunpack.i.u.bf16.f32 v25;
	v10 =	vshrl.u32 v10, $0x3;
	v17 =	vmul.f32 v17, v2  }
0x210: {  	[tilespmem:s25+$0xFFFFFEA0] =	vst v22;
	v61 =	vld [tilespmem:s30+$0xFFFFFE30];
	v18 =	vmul.f32 v14, v2;
	v14 =	vshll.u32 v15, v1;
	v15 =	vshll.u32 v11, v1  }
0x211: {  	[tilespmem:s25+$0xFFFFFEE0] =	vst v24;
	v22 =	vshll.u32 v10, v1;
	v10 =	vunpack.i.u.bf16.f32 v23;
	v11 =	vunpack.i.l.bf16.f32 v23  }
0x212: {  	[tilespmem:s25+$0xFFFFFF20] =	vst v13;
	v14 =	vadd.s32 $0x1, v14;
	v23 =	vld [tilespmem:s30+$0xFFFFFE80];
	v13 =	vmul.f32 v11, v5;
	v62 =	vmul.f32 v10, v5  }
0x213: {  	[tilespmem:s25+$0xFFFFFF60] =	vst v16;
	v10 =	vbroadcast v14, $0x0;
	v11 =	vunpack.i.u.bf16.f32 v21;
	v14 =	vunpack.i.l.bf16.f32 v21  }
0x214: {  	v12 =	vadd.s32 $0x2, v12;
	[tilespmem:s25+$0xFFFFFFA0] =	vst v20;
	v21 =	vld [tilespmem:s30+$0xFFFFFEC0];
	v26 =	vmul.f32 v14, v4;
	v27 =	vmul.f32 v11, v4  }
0x215: {  	[tilespmem:s25+$0xFFFFFFE0] =	vst v19;
	v11 =	vbroadcast v12, $0x0;
	v12 =	vunpack.i.u.bf16.f32 v61;
	v14 =	vunpack.i.l.bf16.f32 v61  }
0x216: {  	v15 =	vadd.s32 $0x3, v15;
	v63 =	vld [tilespmem:s30+$0xFFFFFF00];
	[tilespmem:s25+$0x20] =	vst v17;
	v19 =	vmul.f32 v14, v3;
	v14 =	vmul.f32 v12, v3  }
0x217: {  	[tilespmem:s25+$0x60] =	vst v18;
	v12 =	vbroadcast v15, $0x0;
	v15 =	vunpack.i.u.bf16.f32 v23;
	v16 =	vunpack.i.l.bf16.f32 v23  }
0x218: {  	v17 =	vadd.s32 $0x4, v22;
	[tilespmem:s25+$0xA0] =	vst v13;
	v16 =	vmul.f32 v16, v9;
	v15 =	vmul.f32 v15, v9;
	v9 =	vld [tilespmem:s30+$0xFFFFFF40]  }
0x219: {  	s19 =	simm.s32 $0xF;
	v13 =	vbroadcast v17, $0x0;
	[tilespmem:s25+$0xE0] =	vst v62;
	v17 =	vunpack.i.u.bf16.f32 v21;
	v18 =	vunpack.i.l.bf16.f32 v21  }
0x21a: {  	[tilespmem:s25+$0x120] =	vst v26;
	v21 =	vmov s19;
	v20 =	vmul.f32 v18, v8;
	v17 =	vmul.f32 v17, v8;
	v8 =	vld [tilespmem:s30+$0xFFFFFF80]  }
0x21b: {  	[tilespmem:s25+$0x160] =	vst v27;
	v23 =	vunpack.i.u.bf16.f32 v63;
	v18 =	vshrl.u32 v21, $0x3;
	v21 =	vunpack.i.l.bf16.f32 v63  }
0x21c: {  	s31 =	simm.s32 $0x10;
	s10 =	simm.s32 $0x4400;
	s15 =	simm.s32 $0x8;
	[tilespmem:s25+$0xFFFFFE20] =	vst v19;
	v19 =	vld [tilespmem:s30+$0xFFFFFFC0];
	v22 =	vshll.u32 v18, v1;
	v21 =	vmul.f32 v21, v7;
	v18 =	vmul.f32 v23, v7  }
.LBB2_7:
0x21d: {  	p1 =	slt.u32 s31, $0x78;
	v7 =	vadd.s32 $0x7, v22;
	[tilespmem:s25+$0xFFFFFE60] =	vst v14;
	v14 =	vunpack.i.u.bf16.f32 v9;
	v9 =	vunpack.i.l.bf16.f32 v9  }
0x21e: {  	v22 =	vbroadcast v7, $0x0;
	v23 =	vld [tilespmem:s30+$0xFFFFFE40];
	[tilespmem:s25+$0xFFFFFEB0] =	vst v16;
	v16 =	vmul.f32 v9, v2  }
0x21f: {  	s19 =	sadd.s32 $0x5, s15;
	v14 =	vmul.f32 v14, v2;
	v9 =	vld.idx.msk [tilespmem:v10+s17+$0x0], $0xffff;
	[tilespmem:s25+$0xFFFFFEF0] =	vst v15;
	v2 =	vunpack.i.u.bf16.f32 v8;
	v7 =	vunpack.i.l.bf16.f32 v8  }
0x220: {  	v10 =	vmov s19;
	s19 =	sadd.s32 $0x6, s15;
	v8 =	vld.idx.msk [tilespmem:v11+s17+$0x0], $0xffff;
	[tilespmem:s25+$0xFFFFFF30] =	vst v20;
	v11 =	vmul.f32 v7, v5;
	v5 =	vmul.f32 v2, v5  }
0x221: {  	v7 =	vld.idx.msk [tilespmem:v12+s17+$0x0], $0xffff;
	v12 =	vmov s19;
	[tilespmem:s25+$0xFFFFFF70] =	vst v17;
	v15 =	vunpack.i.u.bf16.f32 v19;
	v17 =	vunpack.i.l.bf16.f32 v19  }
0x222: {  	s30 =	sadd.s32 $0x200, s30;
	v10 =	vshrl.u32 v10, $0x3;
	v2 =	vld.idx.msk [tilespmem:v13+s17+$0x0], $0xffff;
	[tilespmem:s25+$0xFFFFFFB0] =	vst v21;
	v13 =	vmul.f32 v17, v4;
	v4 =	vmul.f32 v15, v4  }
0x223: {  	v15 =	vshll.u32 v10, v1;
	v17 =	vld [tilespmem:s30+$0xFFFFFFD0];
	v19 =	vunpack.i.u.bf16.f32 v23;
	v20 =	vunpack.i.l.bf16.f32 v23;
	[tilespmem:s25+$0xFFFFFFF0] =	vst v18  }
0x224: {  	v12 =	vshrl.u32 v12, $0x3;
	v10 =	vld.idx.msk [tilespmem:v22+s17+$0x0], $0xffff;
	v18 =	vmul.f32 v20, v3;
	v3 =	vmul.f32 v19, v3;
	[tilespmem:s25+$0x30] =	vst v16  }
0x225: {  	v15 =	vadd.s32 $0x5, v15;
	v12 =	vshll.u32 v12, v1;
	v16 =	vld [tilespmem:s30+$0xFFFFFE10];
	[tilespmem:s25+$0x70] =	vst v14  }
0x226: {  	v15 =	vbroadcast v15, $0x0;
	v12 =	vadd.s32 $0x6, v12;
	v14 =	vmov s15;
	s15 =	smov.u32 s31;
	v19 =	vld [tilespmem:s30+$0xFFFFFE50];
	[tilespmem:s25+$0xB0] =	vst v11  }
0x227: {  	v12 =	vbroadcast v12, $0x0;
	v11 =	vshrl.u32 v14, $0x3;
	v14 =	vld [tilespmem:s30+$0xFFFFFE90];
	[tilespmem:s25+$0xF0] =	vst v5  }
0x228: {  	v5 =	vshll.u32 v11, v1;
	v11 =	vld [tilespmem:s30+$0xFFFFFED0];
	[tilespmem:s25+$0x130] =	vst v13  }
0x229: {  	v13 =	vbroadcast v5, $0x0;
	v5 =	vunpack.i.l.bf16.f32 v17;
	v20 =	vld [tilespmem:s30+$0xFFFFFF10];
	[tilespmem:s25+$0x170] =	vst v4  }
0x22a: {  	v4 =	vunpack.i.u.bf16.f32 v17;
	v17 =	vmul.f32 v5, v10;
	v21 =	vunpack.i.u.bf16.f32 v16;
	v22 =	vld [tilespmem:s30+$0xFFFFFF50];
	[tilespmem:s25+$0x1B0] =	vst v6  }
0x22b: {  	v6 =	vunpack.i.l.bf16.f32 v16;
	v24 =	vmul.f32 v4, v10;
	s25 =	sadd.s32 $0x400, s25;
	v16 =	vunpack.i.u.bf16.f32 v19;
	v23 =	vld [tilespmem:s30+$0xFFFFFF90];
	[tilespmem:s10+$0xFFFFFE30] =	vst v18  }
0x22c: {  	v4 =	vunpack.i.l.bf16.f32 v19;
	v18 =	vunpack.i.u.bf16.f32 v14;
	v14 =	vunpack.i.l.bf16.f32 v14;
	v5 =	vld.idx.msk [tilespmem:v15+s17+$0x0], $0xffff;
	[tilespmem:s25+$0x180] =	vst v17  }
0x22d: {  	v15 =	vmul.f32 v4, v9;
	v17 =	vunpack.i.u.bf16.f32 v11;
	v11 =	vunpack.i.l.bf16.f32 v11;
	v4 =	vld.idx.msk [tilespmem:v12+s17+$0x0], $0xffff;
	[tilespmem:s25+$0x1C0] =	vst v24  }
0x22e: {  	v12 =	vmul.f32 v16, v9;
	v16 =	vunpack.i.u.bf16.f32 v20;
	v19 =	vunpack.i.l.bf16.f32 v20;
	v20 =	vld [tilespmem:s30+$0xFFFFFFE0];
	[tilespmem:s10+$0xFFFFFE70] =	vst v3;
	s10 =	smov.u32 s25  }
0x22f: {  	v14 =	vmul.f32 v14, v8;
	[tilespmem:s25+$0xFFFFFE80] =	vst v15;
	v15 =	vunpack.i.u.bf16.f32 v22;
	v22 =	vunpack.i.l.bf16.f32 v22  }
0x230: {  	v3 =	vld.idx.msk [tilespmem:v13+s17+$0x0], $0xffff;
	[tilespmem:s25+$0xFFFFFEC0] =	vst v12;
	v12 =	vmul.f32 v18, v8;
	v13 =	vunpack.i.u.bf16.f32 v23;
	v18 =	vunpack.i.l.bf16.f32 v23  }
0x231: {  	v11 =	vmul.f32 v11, v7;
	v23 =	vld [tilespmem:s30+$0xFFFFFE60];
	[tilespmem:s25+$0xFFFFFF00] =	vst v14;
	v14 =	vmul.f32 v17, v7  }
0x232: {  	v16 =	vmul.f32 v16, v2;
	[tilespmem:s25+$0xFFFFFF40] =	vst v12;
	v12 =	vmul.f32 v19, v2  }
0x233: {  	v15 =	vmul.f32 v15, v5;
	v17 =	vld [tilespmem:s30+$0xFFFFFEA0];
	[tilespmem:s25+$0xFFFFFF80] =	vst v11;
	v11 =	vmul.f32 v22, v5;
	v19 =	vunpack.i.l.bf16.f32 v20  }
0x234: {  	[tilespmem:s25+$0xFFFFFFC0] =	vst v14;
	v14 =	vmul.f32 v18, v4;
	v18 =	vunpack.i.u.bf16.f32 v20;
	v19 =	vmul.f32 v19, v10  }
0x235: {  	v20 =	vld [tilespmem:s30+$0xFFFFFEE0];
	[tilespmem:s25+$0x0] =	vst v12;
	v12 =	vmul.f32 v13, v4;
	v13 =	vmul.f32 v18, v10  }
0x236: {  	v6 =	vmul.f32 v6, v3;
	v18 =	vmul.f32 v21, v3;
	v21 =	vunpack.i.u.bf16.f32 v23;
	[tilespmem:s25+$0x190] =	vst v19  }
0x237: {  	v19 =	vunpack.i.l.bf16.f32 v23;
	v21 =	vmul.f32 v21, v9;
	[tilespmem:s25+$0x1D0] =	vst v13  }
0x238: {  	v13 =	vmul.f32 v19, v9;
	v19 =	vunpack.i.u.bf16.f32 v17;
	v17 =	vunpack.i.l.bf16.f32 v17;
	[tilespmem:s25+$0x40] =	vst v16;
	v16 =	vld [tilespmem:s30+$0xFFFFFFF0]  }
0x239: {  	v17 =	vmul.f32 v17, v8;
	v19 =	vmul.f32 v19, v8;
	v22 =	vld [tilespmem:s30+$0xFFFFFF20];
	[tilespmem:s25+$0x80] =	vst v11  }
0x23a: {  	v11 =	vunpack.i.u.bf16.f32 v20;
	v20 =	vunpack.i.l.bf16.f32 v20;
	[tilespmem:s25+$0xC0] =	vst v15  }
0x23b: {  	v15 =	vmul.f32 v20, v7;
	v11 =	vmul.f32 v11, v7;
	v20 =	vld [tilespmem:s30+$0xFFFFFF60];
	[tilespmem:s25+$0x100] =	vst v14  }
0x23c: {  	[tilespmem:s25+$0x140] =	vst v12  }
0x23d: {  	[tilespmem:s25+$0xFFFFFE00] =	vst v6;
	v6 =	vld [tilespmem:s30+$0xFFFFFFA0];
	v12 =	vunpack.i.l.bf16.f32 v16  }
0x23e: {  	v16 =	vunpack.i.u.bf16.f32 v16;
	[tilespmem:s25+$0xFFFFFE40] =	vst v18;
	v14 =	vunpack.i.u.bf16.f32 v22;
	v12 =	vmul.f32 v12, v10  }
0x23f: {  	v16 =	vmul.f32 v16, v10;
	v18 =	vld [tilespmem:s30+$0xFFFFFE20];
	[tilespmem:s25+$0xFFFFFE90] =	vst v13;
	v13 =	vunpack.i.l.bf16.f32 v22;
	v14 =	vmul.f32 v14, v2  }
0x240: {  	v13 =	vmul.f32 v13, v2;
	v22 =	vunpack.i.u.bf16.f32 v20;
	v20 =	vunpack.i.l.bf16.f32 v20;
	[tilespmem:s25+$0x1A0] =	vst v12  }
0x241: {  	v12 =	vmul.f32 v20, v5;
	v20 =	vmul.f32 v22, v5;
	[tilespmem:s25+$0x1E0] =	vst v16  }
0x242: {  	[tilespmem:s25+$0xFFFFFED0] =	vst v21;
	v16 =	vunpack.i.u.bf16.f32 v6;
	v6 =	vunpack.i.l.bf16.f32 v6;
	v21 =	vld [tilespmem:s30+$0x0]  }
0x243: {  	v22 =	vld [tilespmem:s30+$0xFFFFFE70];
	[tilespmem:s25+$0xFFFFFF10] =	vst v17;
	v17 =	vmul.f32 v6, v4;
	v16 =	vmul.f32 v16, v4  }
0x244: {  	v6 =	vunpack.i.u.bf16.f32 v18;
	v18 =	vunpack.i.l.bf16.f32 v18;
	[tilespmem:s25+$0xFFFFFF50] =	vst v19  }
0x245: {  	s19 =	sadd.s32 $0x1, s31;
	v18 =	vmul.f32 v18, v3;
	v19 =	vmul.f32 v6, v3;
	v6 =	vld [tilespmem:s30+$0xFFFFFEB0];
	[tilespmem:s25+$0xFFFFFF90] =	vst v15  }
0x246: {  	v15 =	vmov s19;
	s19 =	sadd.s32 $0x2, s31;
	[tilespmem:s25+$0xFFFFFFD0] =	vst v11  }
0x247: {  	v11 =	vmov s19;
	v23 =	vld [tilespmem:s30+$0xFFFFFEF0];
	[tilespmem:s25+$0x10] =	vst v13;
	v13 =	vunpack.i.u.bf16.f32 v21;
	v21 =	vunpack.i.l.bf16.f32 v21  }
0x248: {  	s19 =	sadd.s32 $0x3, s31;
	v24 =	vunpack.i.u.bf16.f32 v22;
	v22 =	vunpack.i.l.bf16.f32 v22;
	[tilespmem:s25+$0x50] =	vst v14;
	v13 =	vmul.f32 v13, v10  }
0x249: {  	v14 =	vmov s19;
	v22 =	vmul.f32 v22, v9;
	v24 =	vmul.f32 v24, v9;
	v25 =	vld [tilespmem:s30+$0xFFFFFF30];
	[tilespmem:s25+$0x90] =	vst v12  }
0x24a: {  	s19 =	sadd.s32 $0x4, s31;
	v12 =	vunpack.i.u.bf16.f32 v6;
	v26 =	vunpack.i.l.bf16.f32 v6;
	v6 =	vmul.f32 v21, v10;
	[tilespmem:s25+$0x1F0] =	vst v13  }
0x24b: {  	v10 =	vmov s19;
	v13 =	vmul.f32 v26, v8;
	v12 =	vmul.f32 v12, v8;
	[tilespmem:s25+$0xD0] =	vst v20  }
0x24c: {  	v15 =	vshrl.u32 v15, $0x3;
	v20 =	vunpack.i.u.bf16.f32 v23;
	v21 =	vunpack.i.l.bf16.f32 v23;
	v23 =	vld [tilespmem:s30+$0xFFFFFF70];
	[tilespmem:s25+$0x110] =	vst v17  }
0x24d: {  	v11 =	vshrl.u32 v11, $0x3;
	v17 =	vmul.f32 v21, v7;
	v20 =	vmul.f32 v20, v7;
	[tilespmem:s25+$0x150] =	vst v16  }
0x24e: {  	v14 =	vshrl.u32 v14, $0x3;
	[tilespmem:s25+$0xFFFFFE10] =	vst v18;
	v16 =	vunpack.i.u.bf16.f32 v25;
	v18 =	vunpack.i.l.bf16.f32 v25;
	v21 =	vld [tilespmem:s30+$0xFFFFFFB0]  }
0x24f: {  	v10 =	vshrl.u32 v10, $0x3;
	[tilespmem:s25+$0xFFFFFE50] =	vst v19;
	v18 =	vmul.f32 v18, v2;
	v16 =	vmul.f32 v16, v2  }
0x250: {  	v15 =	vshll.u32 v15, v1;
	v11 =	vshll.u32 v11, v1;
	v14 =	vshll.u32 v14, v1;
	v19 =	vld [tilespmem:s30+$0xFFFFFE30];
	[tilespmem:s25+$0xFFFFFEA0] =	vst v22  }
0x251: {  	v22 =	vshll.u32 v10, v1;
	[tilespmem:s25+$0xFFFFFEE0] =	vst v24;
	v10 =	vunpack.i.u.bf16.f32 v23;
	v23 =	vunpack.i.l.bf16.f32 v23  }
0x252: {  	v15 =	vadd.s32 $0x1, v15;
	v24 =	vld [tilespmem:s30+$0xFFFFFE80];
	[tilespmem:s25+$0xFFFFFF20] =	vst v13;
	v13 =	vmul.f32 v23, v5;
	v23 =	vmul.f32 v10, v5  }
0x253: {  	v10 =	vbroadcast v15, $0x0;
	[tilespmem:s25+$0xFFFFFF60] =	vst v12;
	v12 =	vunpack.i.u.bf16.f32 v21;
	v15 =	vunpack.i.l.bf16.f32 v21  }
0x254: {  	v11 =	vadd.s32 $0x2, v11;
	v21 =	vld [tilespmem:s30+$0xFFFFFEC0];
	[tilespmem:s25+$0xFFFFFFA0] =	vst v17;
	v25 =	vmul.f32 v15, v4;
	v26 =	vmul.f32 v12, v4  }
0x255: {  	v11 =	vbroadcast v11, $0x0;
	v12 =	vunpack.i.u.bf16.f32 v19;
	v15 =	vunpack.i.l.bf16.f32 v19;
	[tilespmem:s25+$0xFFFFFFE0] =	vst v20  }
0x256: {  	v17 =	vadd.s32 $0x3, v14;
	v19 =	vmul.f32 v15, v3;
	v14 =	vmul.f32 v12, v3;
	v27 =	vld [tilespmem:s30+$0xFFFFFF00];
	[tilespmem:s25+$0x20] =	vst v18  }
0x257: {  	v12 =	vbroadcast v17, $0x0;
	v15 =	vunpack.i.u.bf16.f32 v24;
	v17 =	vunpack.i.l.bf16.f32 v24;
	[tilespmem:s25+$0x60] =	vst v16  }
.Ltmp4:
0x258: {  	v18 =	vadd.s32 $0x4, v22;
	v16 =	vmul.f32 v17, v9;
	v15 =	vmul.f32 v15, v9;
	v9 =	vld [tilespmem:s30+$0xFFFFFF40];
	[tilespmem:s25+$0xA0] =	vst v13;
	(pc) =	sbr.rel @p1 .LBB2_7-.Ltmp4, $4  }
0x259: {  	s19 =	sadd.s32 $0x7, s31;
	v13 =	vbroadcast v18, $0x0;
	v17 =	vunpack.i.u.bf16.f32 v21;
	v18 =	vunpack.i.l.bf16.f32 v21;
	[tilespmem:s25+$0xE0] =	vst v23  }
0x25a: {  	v21 =	vmov s19;
	v20 =	vmul.f32 v18, v8;
	v17 =	vmul.f32 v17, v8;
	v8 =	vld [tilespmem:s30+$0xFFFFFF80];
	[tilespmem:s25+$0x120] =	vst v25  }
0x25b: {  	v18 =	vshrl.u32 v21, $0x3;
	v23 =	vunpack.i.u.bf16.f32 v27;
	v21 =	vunpack.i.l.bf16.f32 v27;
	[tilespmem:s25+$0x160] =	vst v26  }
0x25c: {  	s31 =	sadd.s32 $0x8, s31;
	v22 =	vshll.u32 v18, v1;
	[tilespmem:s25+$0xFFFFFE20] =	vst v19;
	v21 =	vmul.f32 v21, v7;
	v18 =	vmul.f32 v23, v7;
	v19 =	vld [tilespmem:s30+$0xFFFFFFC0]  }
0x25d: {  	[tilespmem:s25+$0xFFFFFE60] =	vst v14  }
0x25e: {  	[tilespmem:s25+$0xFFFFFEB0] =	vst v16  }
0x25f: {  	[tilespmem:s25+$0xFFFFFEF0] =	vst v15  }
0x260: {  	[tilespmem:s25+$0xFFFFFF30] =	vst v20  }
0x261: {  	v7 =	vadd.s32 $0x7, v22;
	[tilespmem:s25+$0xFFFFFF70] =	vst v17  }
0x262: {  	v33 =	vunpack.i.l.bf16.f32 v9;
	v34 =	vunpack.i.u.bf16.f32 v9;
	[tilespmem:s25+$0x1B0] =	vst v6;
	v6 =	vld.idx.msk [tilespmem:v13+s17+$0x0], $0xffff;
	v7 =	vbroadcast v7, $0x0  }
0x263: {  	s19 =	sadd.s32 $0x5, s15;
	s31 =	sadd.s32 $0x6, s15;
	v54 =	vmov s15;
	v14 =	vmul.f32 v33, v2;
	[tilespmem:s25+$0xFFFFFFB0] =	vst v21;
	v35 =	vld [tilespmem:s30+$0xFFFFFE40];
	v9 =	vmul.f32 v34, v2;
	s30 =	sadd.s32 $0x200, s30  }
0x264: {  	[tilespmem:s25+$0xFFFFFFF0] =	vst v18;
	v39 =	vmov s19;
	v44 =	vmov s31;
	v2 =	vunpack.i.l.bf16.f32 v8;
	v38 =	vld [tilespmem:s30+$0xFFFFFFD0]  }
0x265: {  	v58 =	vshrl.u32 v54, $0x3;
	v36 =	vunpack.i.u.bf16.f32 v8;
	v45 =	vld [tilespmem:s30+$0xFFFFFE50];
	v37 =	vmul.f32 v2, v5;
	[tilespmem:s25+$0x30] =	vst v14  }
0x266: {  	v42 =	vshrl.u32 v39, $0x3;
	v8 =	vmul.f32 v36, v5;
	[tilespmem:s25+$0x70] =	vst v9;
	v5 =	vld.idx.msk [tilespmem:v10+s17+$0x0], $0xffff;
	v40 =	vunpack.i.l.bf16.f32 v19  }
0x267: {  	v59 =	vld [tilespmem:s30+$0xFFFFFF10];
	v18 =	vshll.u32 v58, v1;
	v41 =	vunpack.i.u.bf16.f32 v19;
	v43 =	vmul.f32 v40, v4;
	[tilespmem:s25+$0xB0] =	vst v37  }
0x268: {  	v14 =	vshrl.u32 v44, $0x3;
	[tilespmem:s25+$0xF0] =	vst v8;
	v47 =	vunpack.i.l.bf16.f32 v35;
	v2 =	vld.idx.msk [tilespmem:v7+s17+$0x0], $0xffff;
	v7 =	vmul.f32 v41, v4  }
0x269: {  	v55 =	vld [tilespmem:s30+$0xFFFFFED0];
	v14 =	vshll.u32 v14, v1;
	v46 =	vunpack.i.u.bf16.f32 v35;
	[tilespmem:s25+$0x130] =	vst v43;
	v48 =	vmul.f32 v47, v3  }
0x26a: {  	v56 =	vadd.s32 $0x6, v14;
	v8 =	vmul.f32 v46, v3;
	v3 =	vld.idx.msk [tilespmem:v12+s17+$0x0], $0xffff;
	v57 =	vunpack.i.l.bf16.f32 v45;
	[tilespmem:s25+$0x170] =	vst v7  }
0x26b: {  	v49 =	vld [tilespmem:s30+$0xFFFFFE90];
	v61 =	vbroadcast v56, $0x0;
	v60 =	vunpack.i.u.bf16.f32 v45;
	v13 =	vmul.f32 v57, v5;
	[tilespmem:s10+$0xFFFFFE30] =	vst v48  }
0x26c: {  	s31 =	sadd.s32 $0x400, s25;
	v9 =	vshll.u32 v42, v1;
	v4 =	vld.idx.msk [tilespmem:v11+s17+$0x0], $0xffff;
	v14 =	vunpack.i.u.bf16.f32 v59;
	v15 =	vmul.f32 v60, v5;
	[tilespmem:s10+$0xFFFFFE70] =	vst v8  }
0x26d: {  	v50 =	vunpack.i.l.bf16.f32 v38;
	v12 =	vbroadcast v18, $0x0;
	v30 =	vmul.f32 v14, v6;
	[tilespmem:s31+$0xFFFFFE80] =	vst v13  }
0x26e: {  	v51 =	vadd.s32 $0x5, v9;
	v19 =	vunpack.i.l.bf16.f32 v55;
	[tilespmem:s31+$0xFFFFFEC0] =	vst v15;
	v53 =	vmul.f32 v50, v2  }
0x26f: {  	v52 =	vunpack.i.u.bf16.f32 v38;
	v7 =	vbroadcast v51, $0x0;
	[tilespmem:s31+$0x40] =	vst v30;
	v31 =	vld [tilespmem:s30+$0xFFFFFE60];
	v8 =	vmul.f32 v19, v3  }
0x270: {  	v23 =	vld [tilespmem:s30+$0xFFFFFF90];
	v62 =	vunpack.i.l.bf16.f32 v49;
	v9 =	vmul.f32 v52, v2;
	[tilespmem:s31+$0x180] =	vst v53  }
0x271: {  	v11 =	vunpack.i.u.bf16.f32 v49;
	v10 =	vmul.f32 v62, v4;
	[tilespmem:s31+$0xFFFFFF80] =	vst v8;
	v8 =	vld.idx.msk [tilespmem:v61+s17+$0x0], $0xffff  }
0x272: {  	v27 =	vld [tilespmem:s30+$0xFFFFFE10];
	v21 =	vunpack.i.u.bf16.f32 v55;
	v11 =	vmul.f32 v11, v4;
	[tilespmem:s31+$0x1C0] =	vst v9  }
0x273: {  	v22 =	vunpack.i.l.bf16.f32 v59;
	v15 =	vmul.f32 v21, v3;
	[tilespmem:s31+$0xFFFFFF00] =	vst v10;
	v9 =	vld.idx.msk [tilespmem:v12+s17+$0x0], $0xffff  }
0x274: {  	v20 =	vld [tilespmem:s30+$0xFFFFFF50];
	[tilespmem:s31+$0xFFFFFF40] =	vst v11;
	v10 =	vmul.f32 v22, v6;
	v14 =	vunpack.i.u.bf16.f32 v31  }
0x275: {  	v33 =	vunpack.i.l.bf16.f32 v23;
	[tilespmem:s31+$0xFFFFFFC0] =	vst v15;
	v7 =	vld.idx.msk [tilespmem:v7+s17+$0x0], $0xffff;
	v45 =	vmul.f32 v14, v5  }
0x276: {  	v11 =	vunpack.i.u.bf16.f32 v23;
	v63 =	vld [tilespmem:s30+$0xFFFFFFE0];
	[tilespmem:s31+$0x0] =	vst v10;
	v10 =	vmul.f32 v33, v8  }
0x277: {  	v35 =	vunpack.i.l.bf16.f32 v27;
	v11 =	vmul.f32 v11, v8;
	[tilespmem:s31+$0xFFFFFED0] =	vst v45  }
0x278: {  	v36 =	vunpack.i.u.bf16.f32 v27;
	v37 =	vld [tilespmem:s30+$0xFFFFFEA0];
	v15 =	vmul.f32 v35, v9;
	[tilespmem:s31+$0x100] =	vst v10  }
0x279: {  	v29 =	vunpack.i.l.bf16.f32 v20;
	v38 =	vmul.f32 v36, v9;
	[tilespmem:s31+$0x140] =	vst v11  }
0x27a: {  	v13 =	vunpack.i.u.bf16.f32 v20;
	v40 =	vld [tilespmem:s30+$0xFFFFFEE0];
	v32 =	vmul.f32 v29, v7;
	[tilespmem:s31+$0xFFFFFE00] =	vst v15  }
0x27b: {  	v24 =	vunpack.i.l.bf16.f32 v63;
	v13 =	vmul.f32 v13, v7;
	[tilespmem:s31+$0xFFFFFE40] =	vst v38  }
0x27c: {  	v25 =	vunpack.i.u.bf16.f32 v63;
	v26 =	vmul.f32 v24, v2;
	[tilespmem:s31+$0x80] =	vst v32  }
0x27d: {  	v44 =	vld [tilespmem:s30+$0xFFFFFF20];
	v46 =	vunpack.i.l.bf16.f32 v37;
	v28 =	vmul.f32 v25, v2;
	[tilespmem:s31+$0xC0] =	vst v13  }
0x27e: {  	v47 =	vunpack.i.u.bf16.f32 v37;
	v14 =	vmul.f32 v46, v4;
	v51 =	vld [tilespmem:s30+$0xFFFFFFA0];
	[tilespmem:s31+$0x190] =	vst v26  }
0x27f: {  	v50 =	vunpack.i.l.bf16.f32 v40;
	v49 =	vmul.f32 v47, v4;
	[tilespmem:s31+$0x1D0] =	vst v28  }
0x280: {  	v39 =	vunpack.i.l.bf16.f32 v31;
	v12 =	vmul.f32 v50, v3;
	v55 =	vld [tilespmem:s30+$0xFFFFFE20];
	[tilespmem:s31+$0xFFFFFF10] =	vst v14  }
0x281: {  	v11 =	vunpack.i.u.bf16.f32 v40;
	v13 =	vmul.f32 v39, v5;
	[tilespmem:s31+$0xFFFFFF50] =	vst v49  }
0x282: {  	v11 =	vmul.f32 v11, v3;
	v52 =	vunpack.i.l.bf16.f32 v44;
	v48 =	vld [tilespmem:s30+$0xFFFFFF60];
	[tilespmem:s31+$0xFFFFFF90] =	vst v12  }
0x283: {  	v54 =	vmul.f32 v52, v6;
	[tilespmem:s31+$0xFFFFFE90] =	vst v13;
	v62 =	vunpack.i.l.bf16.f32 v51  }
0x284: {  	v34 =	vld [tilespmem:s30+$0xFFFFFFF0];
	[tilespmem:s31+$0xFFFFFFD0] =	vst v11;
	v63 =	vunpack.i.u.bf16.f32 v51;
	v20 =	vmul.f32 v62, v8  }
0x285: {  	[tilespmem:s31+$0x10] =	vst v54;
	v23 =	vunpack.i.l.bf16.f32 v55;
	v22 =	vmul.f32 v63, v8  }
0x286: {  	v21 =	vld [tilespmem:s30+$0xFFFFFEB0];
	v12 =	vunpack.i.u.bf16.f32 v55;
	v11 =	vmul.f32 v23, v9;
	[tilespmem:s31+$0x110] =	vst v20  }
0x287: {  	v56 =	vunpack.i.l.bf16.f32 v48;
	v12 =	vmul.f32 v12, v9;
	[tilespmem:s31+$0x150] =	vst v22  }
0x288: {  	v16 =	vunpack.i.u.bf16.f32 v48;
	v57 =	vmul.f32 v56, v7;
	[tilespmem:s31+$0xFFFFFE10] =	vst v11  }
0x289: {  	v59 =	vld [tilespmem:s30+$0xFFFFFE70];
	v41 =	vunpack.i.l.bf16.f32 v34;
	v61 =	vmul.f32 v16, v7;
	[tilespmem:s31+$0xFFFFFE50] =	vst v12  }
0x28a: {  	v42 =	vunpack.i.u.bf16.f32 v34;
	v43 =	vmul.f32 v41, v2;
	[tilespmem:s31+$0x90] =	vst v57  }
0x28b: {  	v24 =	vld [tilespmem:s30+$0xFFFFFEF0];
	v28 =	vunpack.i.l.bf16.f32 v21;
	v10 =	vmul.f32 v42, v2;
	[tilespmem:s31+$0xD0] =	vst v61  }
0x28c: {  	v29 =	vunpack.i.u.bf16.f32 v21;
	v11 =	vmul.f32 v28, v4;
	[tilespmem:s31+$0x1A0] =	vst v43  }
0x28d: {  	v53 =	vunpack.i.u.bf16.f32 v44;
	v12 =	vmul.f32 v29, v4;
	[tilespmem:s31+$0x1E0] =	vst v10;
	v30 =	vld [tilespmem:s30+$0xFFFFFF70]  }
0x28e: {  	v25 =	vunpack.i.l.bf16.f32 v59;
	v10 =	vmul.f32 v53, v6;
	[tilespmem:s31+$0xFFFFFF20] =	vst v11  }
0x28f: {  	v26 =	vunpack.i.u.bf16.f32 v59;
	v14 =	vmul.f32 v25, v5;
	[tilespmem:s31+$0xFFFFFF60] =	vst v12;
	v13 =	vld [tilespmem:s30+$0x0]  }
0x290: {  	v31 =	vunpack.i.l.bf16.f32 v24;
	[tilespmem:s31+$0x50] =	vst v10;
	v10 =	vmul.f32 v26, v5  }
0x291: {  	v32 =	vunpack.i.u.bf16.f32 v24;
	v36 =	vld [tilespmem:s30+$0xFFFFFE30];
	[tilespmem:s31+$0xFFFFFEA0] =	vst v14;
	v14 =	vmul.f32 v31, v3  }
0x292: {  	[tilespmem:s31+$0xFFFFFEE0] =	vst v10;
	v10 =	vmul.f32 v32, v3;
	v37 =	vunpack.i.l.bf16.f32 v30  }
0x293: {  	v27 =	vld [tilespmem:s30+$0xFFFFFF30];
	[tilespmem:s31+$0xFFFFFFA0] =	vst v14;
	v38 =	vunpack.i.u.bf16.f32 v30;
	v14 =	vmul.f32 v37, v7  }
0x294: {  	v58 =	vunpack.i.u.bf16.f32 v13;
	[tilespmem:s31+$0xFFFFFFE0] =	vst v10;
	v10 =	vmul.f32 v38, v7  }
0x295: {  	v33 =	vld [tilespmem:s30+$0xFFFFFFB0];
	v61 =	vunpack.i.l.bf16.f32 v13;
	v60 =	vmul.f32 v58, v2;
	[tilespmem:s31+$0xA0] =	vst v14  }
0x296: {  	v43 =	vunpack.i.l.bf16.f32 v36;
	v2 =	vmul.f32 v61, v2;
	[tilespmem:s31+$0xE0] =	vst v10  }
0x297: {  	v44 =	vunpack.i.u.bf16.f32 v36;
	v39 =	vld [tilespmem:s30+$0xFFFFFE80];
	v14 =	vmul.f32 v43, v9;
	[tilespmem:s31+$0x1F0] =	vst v60  }
0x298: {  	v34 =	vunpack.i.l.bf16.f32 v27;
	v10 =	vmul.f32 v44, v9;
	[tilespmem:s31+$0x1B0] =	vst v2  }
0x299: {  	v42 =	vld [tilespmem:s30+$0xFFFFFEC0];
	v35 =	vunpack.i.u.bf16.f32 v27;
	v11 =	vmul.f32 v34, v6;
	[tilespmem:s31+$0xFFFFFE20] =	vst v14  }
0x29a: {  	v40 =	vunpack.i.l.bf16.f32 v33;
	v45 =	vld [tilespmem:s30+$0xFFFFFF00];
	v12 =	vmul.f32 v35, v6;
	[tilespmem:s31+$0xFFFFFE60] =	vst v10  }
0x29b: {  	v41 =	vunpack.i.u.bf16.f32 v33;
	[tilespmem:s31+$0x20] =	vst v11;
	v11 =	vmul.f32 v40, v8  }
0x29c: {  	v46 =	vunpack.i.l.bf16.f32 v39;
	[tilespmem:s31+$0x60] =	vst v12;
	v12 =	vmul.f32 v41, v8  }
0x29d: {  	v51 =	vld [tilespmem:s30+$0xFFFFFF80];
	v47 =	vunpack.i.u.bf16.f32 v39;
	[tilespmem:s31+$0x120] =	vst v11;
	v11 =	vmul.f32 v46, v5  }
0x29e: {  	v49 =	vunpack.i.l.bf16.f32 v42;
	v57 =	vld [tilespmem:s30+$0xFFFFFE40];
	[tilespmem:s31+$0x160] =	vst v12;
	v5 =	vmul.f32 v47, v5  }
0x29f: {  	v48 =	vld [tilespmem:s30+$0xFFFFFF40];
	v52 =	vunpack.i.l.bf16.f32 v45;
	v53 =	vunpack.i.u.bf16.f32 v45;
	v12 =	vmul.f32 v49, v4;
	[tilespmem:s31+$0xFFFFFEB0] =	vst v11  }
0x2a0: {  	v50 =	vunpack.i.u.bf16.f32 v42;
	v10 =	vmul.f32 v52, v3;
	v3 =	vmul.f32 v53, v3;
	[tilespmem:s31+$0xFFFFFEF0] =	vst v5  }
0x2a1: {  	v4 =	vmul.f32 v50, v4;
	[tilespmem:s31+$0xFFFFFF30] =	vst v12  }
0x2a2: {  	[tilespmem:s31+$0xFFFFFFF0] =	vst v3;
	v3 =	vunpack.i.u.bf16.f32 v51  }
0x2a3: {  	v54 =	vld [tilespmem:s30+$0xFFFFFFC0];
	[tilespmem:s31+$0xFFFFFF70] =	vst v4;
	v3 =	vmul.f32 v3, v7;
	v62 =	vunpack.i.u.bf16.f32 v57  }
0x2a4: {  	[tilespmem:s31+$0xFFFFFFB0] =	vst v10;
	v55 =	vunpack.i.l.bf16.f32 v48;
	v63 =	vmul.f32 v62, v9  }
0x2a5: {  	v56 =	vunpack.i.u.bf16.f32 v48;
	v5 =	vmul.f32 v55, v6;
	[tilespmem:s31+$0xF0] =	vst v3  }
0x2a6: {  	v58 =	vunpack.i.l.bf16.f32 v51;
	v4 =	vmul.f32 v56, v6;
	[tilespmem:s31+$0xFFFFFE70] =	vst v63  }
0x2a7: {  	v6 =	vmul.f32 v58, v7;
	v3 =	vunpack.i.l.bf16.f32 v57;
	[tilespmem:s31+$0x30] =	vst v5  }
0x2a8: {  	v59 =	vunpack.i.l.bf16.f32 v54;
	v3 =	vmul.f32 v3, v9;
	[tilespmem:s31+$0x70] =	vst v4  }
0x2a9: {  	v60 =	vunpack.i.u.bf16.f32 v54;
	v5 =	vmul.f32 v59, v8;
	[tilespmem:s31+$0xB0] =	vst v6  }
0x2aa: {  	v4 =	vmul.f32 v60, v8;
	[tilespmem:s31+$0xFFFFFE30] =	vst v3  }
0x2ab: {  	[tilespmem:s31+$0x130] =	vst v5  }
0x2ac: {  	[tilespmem:s31+$0x170] =	vst v4  }
0x2ad: {  	[spmem:s3] =	stream.indirect.scatter.add.f32 [tilespmem:s26], [sflag:$0x5], $0x80, s2, s2, $0xb8;
	[tilespmem:$0x1C980] =	vst v63  }
0x2ae: {  	_ =	swait.ge [sflag:s28], $0x4000  }
0x2af: {  	[sflag:s28] =	ssyncset.done $0x0  }
.Ltmp5:
0x2b0: {  	[sflag:s28] =	ssyncadd.s32 $0xFFFFC000;
	(pc) =	sbr.rel @p0 .LBB2_10-.Ltmp5, $4  }
0x2b1: {  	[spmem:s4] =	stream.indirect.scatter.add.f32 [tilespmem:s17], [sflag:$0x5], $0x1, s2, s2, $0xb8;
	[tilespmem:$0x1C980] =	vst v63  }
0x2b2: {  	_ =	swait.ge [sflag:s28], $0x80  }
0x2b3: {  	[sflag:s28] =	ssyncset.done $0x0  }
0x2b4: {  	[sflag:s28] =	ssyncadd.s32 $0xFFFFFF80  }
0x2b5: {  	s10 =	sadd.s32 s24, s22  }
0x2b6: {  	s10 =	sshll.u32 s10, $0x4  }
.Ltmp6:
0x2b7: {  	s10 =	sand.u32 $0x1FFFFFF0, s10;
	(pc) =	sbr.rel .LBB2_4-.Ltmp6, $4  }
0x2b8: {  	s15 =	sadd.s32 s8, s10  }
0x2b9: {  	[tilespmem:s2], [sflag:$0x4] =	stream.linear.gather [hbm4b:s15+s5], $0x80, $0x38;
	[tilespmem:$0x1C980] =	vst v63  }
0x2ba: {  	s23 =	sadd.s32 $0x1, s23;
	s10 =	sadd.s32 s9, s10  }
0x2bb: {  	[tilespmem:s29], [sflag:$0x4] =	stream.linear.gather [hbm4b:s10+s5], $0x80, $0x38;
	[tilespmem:$0x1C980] =	vst v63  }
.LBB2_11:
0x2bc: {  	_ =	sfence.sel $0x180000  }
0x2bd: {  	[bflag:$0x0] =	sbarrier.arrive $0xFFFF  }
0x2be: {  	_ =	strace $0x90000047  }
0x2bf: {  	s0 =	stileid.u32;
	[bflag:$0x2] =	sbarrier.arrive $0xFFFF  }
0x2c0: {  	p0 =	sne.s32 s0, $0x0;
	s0 =	rddreg [dreg:$0x4]  }
0x2c1: {  	s0 =	sadd.s32 @!p0 $0x100000, s0  }
0x2c2: {  	[sflag:s0] =	ssyncadd.tile.s32 @!p0 $0x1;
	_ =	shalt  }
.Lfunc_end2:
_tile_overlayer_lowered:
.L_overlay_start_2:
0x2c3: {  	(tag) =	ssettag $0x2  }
0x2c4: {  	s0 =	rddreg [dreg:$0x0];
	s2 =	stileid.u32  }
0x2c5: {  	s1 =	rddreg [dreg:$0x1];
	p0 =	sne.s32 s2, $0x0  }
0x2c6: {  	s3 =	rddreg [dreg:$0x2];
	[bflag:$0x3] =	sbarrier.arrive $0xFFFF;
	s2 =	simm.s32 @!p0 $0x1C05  }
0x2c7: {  	[timem:s3], [sflag:s2] =	dma.local @!p0 [hbm:s0], s1  }
0x2c8: {  	s0 =	simm.s32 @!p0 $0x5  }
0x2c9: {  	_ =	swait.ge @!p0 [sflag:s0], s1  }
0x2ca: {  	s1 =	ssub.s32 @!p0 $0x0, s1;
	[sflag:s0] =	ssyncset.done @!p0 $0x0  }
0x2cb: {  	[sflag:s0] =	ssyncadd.s32 @!p0 s1  }
0x2cc: {  	[bflag:$0x3] =	sbarrier.arrive $0xFFFF  }
0x2cd: {  	_ =	shalt  }

</sc_bundles>
